<compile_context>
chip_gen: v7x
topology: tpu7x:2x2x1
jax: 0.10.2.dev20260603
libtpu: 0.0.44.dev20260713+nightly
codegen_flags: <defaults>
</compile_context>

<pallas_src>
import functools
import math

import jax
import jax.numpy as jnp
from jax import lax
from jax.experimental import pallas as pl
from jax.experimental.pallas import tpu as pltpu
from jax.experimental.pallas import tpu_sc as plsc

N = 10000
E = 320000
D = 128
H = 16
DH = 8
D_EDGE = 16
D_GATE = 64

NC = 2
NS = 16
NW = NC * NS
G = 32
NGROUPS = E // G
TRIPS = -(-NGROUPS // NW)
SUB = G // 16
ROWS_PT = 624
TAIL = N - ROWS_PT * NS

_INV_SQRT_DH = 1.0 / math.sqrt(DH)


def _qkv_body(x_ref, wq_ref, wk_ref, wv_ref, q_ref, k_ref, v_ref):
    x = x_ref[...]
    dn = (((1,), (1,)), ((), ()))
    q_ref[...] = lax.dot_general(x, wq_ref[...], dn,
                                 preferred_element_type=jnp.float32)
    k_ref[...] = lax.dot_general(x, wk_ref[...], dn,
                                 preferred_element_type=jnp.float32)
    v_ref[...] = lax.dot_general(x, wv_ref[...], dn,
                                 preferred_element_type=jnp.float32)


def _qkv(x, Wq, Wk, Wv):
    BN = 1000
    grid = (N // BN,)
    wspec = pl.BlockSpec((D, D), lambda i: (0, 0))
    return pl.pallas_call(
        _qkv_body,
        grid=grid,
        in_specs=[pl.BlockSpec((BN, D), lambda i: (i, 0)), wspec, wspec, wspec],
        out_specs=[pl.BlockSpec((BN, D), lambda i: (i, 0))] * 3,
        out_shape=[jax.ShapeDtypeStruct((N, D), jnp.float32)] * 3,
    )(x, Wq, Wk, Wv)


def _edge_body(ea_ref, wek_ref, wev_ref, wg1_ref, wg2_ref,
               ek_ref, ev_ref, gate_ref):
    ea = ea_ref[...]
    dn = (((1,), (1,)), ((), ()))
    ek_ref[...] = lax.dot_general(ea, wek_ref[...], dn,
                                  preferred_element_type=jnp.float32)
    ev_ref[...] = lax.dot_general(ea, wev_ref[...], dn,
                                  preferred_element_type=jnp.float32)
    g1 = lax.dot_general(ea, wg1_ref[...], dn,
                         preferred_element_type=jnp.float32)
    g1 = g1 * jax.nn.sigmoid(g1)
    gate_ref[...] = lax.dot_general(g1, wg2_ref[...], dn,
                                    preferred_element_type=jnp.float32)


def _edge_dense(edge_attr, Wek, Wev, Wg1, Wg2):
    BE = 4000
    grid = (E // BE,)
    return pl.pallas_call(
        _edge_body,
        grid=grid,
        in_specs=[
            pl.BlockSpec((BE, D_EDGE), lambda i: (i, 0)),
            pl.BlockSpec((D, D_EDGE), lambda i: (0, 0)),
            pl.BlockSpec((D, D_EDGE), lambda i: (0, 0)),
            pl.BlockSpec((D_GATE, D_EDGE), lambda i: (0, 0)),
            pl.BlockSpec((H, D_GATE), lambda i: (0, 0)),
        ],
        out_specs=[
            pl.BlockSpec((BE, D), lambda i: (i, 0)),
            pl.BlockSpec((BE, D), lambda i: (i, 0)),
            pl.BlockSpec((BE, H), lambda i: (i, 0)),
        ],
        out_shape=[
            jax.ShapeDtypeStruct((E, D), jnp.float32),
            jax.ShapeDtypeStruct((E, D), jnp.float32),
            jax.ShapeDtypeStruct((E, H), jnp.float32),
        ],
    )(edge_attr, Wek, Wev, Wg1, Wg2)


N8 = N // 8
N8P = 1280


def _sc_body(q_hbm, k_hbm, v_hbm, ek_hbm, ev_hbm, gate_hbm,
             src_hbm, dst_hbm, z128_hbm,
             outS_hbm, outZ_hbm,
             srcv, dstv, zdiv, qe, ke, eke, ve, eve, gbuf, zstage,
             s_acc, z_acc,
             sem_q, sem_k, sem_v):
    c = lax.axis_index("c")
    s = lax.axis_index("s")
    wid = c * NS + s

    iota16 = lax.iota(jnp.int32, 16)
    rb = s * ROWS_PT
    CH = 16
    NCH = ROWS_PT // CH

    pltpu.sync_copy(z128_hbm.at[pl.ds(0, G)], zstage)
    pltpu.sync_copy(z128_hbm.at[pl.ds(0, CH)], qe.at[pl.ds(0, CH)])

    @pl.loop(0, NCH)
    def _init(i):
        idxv = iota16 + (rb + i * CH)
        pltpu.sync_copy(qe.at[pl.ds(0, CH)], s_acc.at[idxv])

    @pl.when(s == NS - 1)
    def _tail_init():
        idxv = iota16 + (ROWS_PT * NS)
        pltpu.sync_copy(qe.at[pl.ds(0, CH)], s_acc.at[idxv])

    zb = s * (N8P // NS)
    for off in (0, 16, 32, 48, 64):
        pltpu.sync_copy(qe.at[pl.ds(0, CH)], z_acc.at[iota16 + (zb + off)])

    plsc.subcore_barrier()

    @pl.loop(0, TRIPS)
    def _grp(t):
        g = wid + NW * t

        @pl.when(g < NGROUPS)
        def _do_group():
            eb = g * G
            pltpu.sync_copy(src_hbm.at[pl.ds(eb, G)], srcv)
            pltpu.sync_copy(dst_hbm.at[pl.ds(eb, G)], dstv)
            cq = pltpu.async_copy(q_hbm.at[dstv], qe, sem_q)
            ck = pltpu.async_copy(k_hbm.at[srcv], ke, sem_k)
            cv = pltpu.async_copy(v_hbm.at[srcv], ve, sem_v)
            pltpu.sync_copy(ek_hbm.at[pl.ds(eb, G)], eke)
            pltpu.sync_copy(ev_hbm.at[pl.ds(eb, G)], eve)
            pltpu.sync_copy(gate_hbm.at[pl.ds(eb, G)], gbuf)
            cq.wait()
            ck.wait()
            cv.wait()

            for sub in range(SUB):
                rowv = iota16 + sub * 16
                dv = dstv[pl.ds(sub * 16, 16)]
                zdiv[pl.ds(sub * 16, 16)] = lax.shift_right_logical(dv, 3)
                dcol = (dv & 7) * 16

                @pl.loop(0, H)
                def _score(h, rowv=rowv, dcol=dcol):
                    acc = jnp.zeros((16,), jnp.float32)
                    for dd in range(DH):
                        col = jnp.full((16,), h * DH + dd, jnp.int32)
                        acc = acc + plsc.load_gather(qe, [rowv, col]) * (
                            plsc.load_gather(ke, [rowv, col])
                            + plsc.load_gather(eke, [rowv, col]))
                    hcol = jnp.full((16,), h, jnp.int32)
                    sv = acc * _INV_SQRT_DH + plsc.load_gather(gbuf, [rowv, hcol])
                    plsc.store_scatter(zstage, [rowv, dcol + h], jnp.exp(sv))

                @pl.loop(0, H)
                def _wv(h, rowv=rowv, dcol=dcol):
                    e_h = plsc.load_gather(zstage, [rowv, dcol + h])
                    for dd in range(DH):
                        col = jnp.full((16,), h * DH + dd, jnp.int32)
                        w = e_h * (plsc.load_gather(ve, [rowv, col])
                                   + plsc.load_gather(eve, [rowv, col]))
                        plsc.store_scatter(ve, [rowv, col], w)

            pltpu.sync_copy(zstage, z_acc.at[zdiv], add=True)
            pltpu.sync_copy(ve, s_acc.at[dstv], add=True)

            zero16 = jnp.zeros((16,), jnp.float32)
            for sub in range(SUB):
                rowv = iota16 + sub * 16
                dv = dstv[pl.ds(sub * 16, 16)]
                dcol = (dv & 7) * 16

                @pl.loop(0, H)
                def _clear(h, rowv=rowv, dcol=dcol):
                    plsc.store_scatter(zstage, [rowv, dcol + h], zero16)

    plsc.subcore_barrier()

    @pl.loop(0, NCH)
    def _dump(i):
        idxv = iota16 + (rb + i * CH)
        pltpu.sync_copy(s_acc.at[idxv], qe.at[pl.ds(0, CH)])
        pltpu.sync_copy(qe.at[pl.ds(0, CH)], outS_hbm.at[c, pl.ds(rb + i * CH, CH)])

    @pl.when(s == NS - 1)
    def _tail_dump():
        tb = ROWS_PT * NS
        idxv = iota16 + tb
        pltpu.sync_copy(s_acc.at[idxv], qe.at[pl.ds(0, TAIL)])
        pltpu.sync_copy(qe.at[pl.ds(0, TAIL)], outS_hbm.at[c, pl.ds(tb, TAIL)])

    for off in (0, 16, 32, 48, 64):
        idxv = iota16 + (zb + off)
        pltpu.sync_copy(z_acc.at[idxv], ke.at[pl.ds(0, CH)])
        pltpu.sync_copy(ke.at[pl.ds(0, CH)], outZ_hbm.at[c, pl.ds(zb + off, CH)])


def _sc_pass(q, k, v, ek, ev, gate, src, dst):
    z128 = jnp.zeros((N, D), jnp.float32)
    mesh = plsc.VectorSubcoreMesh(core_axis_name="c", subcore_axis_name="s",
                                  num_cores=NC, num_subcores=NS)
    f = pl.kernel(
        _sc_body,
        compiler_params=pltpu.CompilerParams(needs_layout_passes=False),
        out_type=[
            jax.ShapeDtypeStruct((NC, N, D), jnp.float32),
            jax.ShapeDtypeStruct((NC, N8P, D), jnp.float32),
        ],
        mesh=mesh,
        scratch_types=[
            pltpu.VMEM((G,), jnp.int32),
            pltpu.VMEM((G,), jnp.int32),
            pltpu.VMEM((G,), jnp.int32),
            pltpu.VMEM((G, D), jnp.float32),
            pltpu.VMEM((G, D), jnp.float32),
            pltpu.VMEM((G, D), jnp.float32),
            pltpu.VMEM((G, D), jnp.float32),
            pltpu.VMEM((G, D), jnp.float32),
            pltpu.VMEM((G, H), jnp.float32),
            pltpu.VMEM((G, D), jnp.float32),
            pltpu.VMEM_SHARED((N, D), jnp.float32),
            pltpu.VMEM_SHARED((N8P, D), jnp.float32),
            pltpu.SemaphoreType.DMA,
            pltpu.SemaphoreType.DMA,
            pltpu.SemaphoreType.DMA,
        ],
    )
    Sp, Zp = f(q, k, v, ek, ev, gate, src, dst, z128)
    return Sp, Zp[:, :N8].reshape(NC, N, H)


def _final_body(s0_ref, s1_ref, zz0_ref, zz1_ref, rc_ref, wo_ref, o_ref):
    ssum = s0_ref[0] + s1_ref[0]
    zsum = zz0_ref[0] + zz1_ref[0] + 1e-9
    recip = 1.0 / zsum
    dn = (((1,), (1,)), ((), ()))
    zrep = lax.dot_general(recip, rc_ref[...], dn,
                           preferred_element_type=jnp.float32)
    o_ref[...] = lax.dot_general(ssum * zrep, wo_ref[...], dn,
                                 preferred_element_type=jnp.float32)


def _final(Sp, Zp, Wo):
    BN = 1000
    grid = (N // BN,)
    rc = (jnp.arange(D)[:, None] // DH == jnp.arange(H)[None, :]).astype(jnp.float32)
    return pl.pallas_call(
        _final_body,
        grid=grid,
        in_specs=[
            pl.BlockSpec((1, BN, D), lambda i: (0, i, 0)),
            pl.BlockSpec((1, BN, D), lambda i: (1, i, 0)),
            pl.BlockSpec((1, BN, H), lambda i: (0, i, 0)),
            pl.BlockSpec((1, BN, H), lambda i: (1, i, 0)),
            pl.BlockSpec((D, H), lambda i: (0, 0)),
            pl.BlockSpec((D, D), lambda i: (0, 0)),
        ],
        out_specs=pl.BlockSpec((BN, D), lambda i: (i, 0)),
        out_shape=jax.ShapeDtypeStruct((N, D), jnp.float32),
    )(Sp, Sp, Zp, Zp, rc, Wo)


def kernel(x, edge_index, edge_attr, Wq, Wk, Wv, Wo, Wek, Wev, Wg1, Wg2):
    ei = edge_index.astype(jnp.int32)
    src = ei[0]
    dst = ei[1]
    q, k, v = _qkv(x, Wq, Wk, Wv)
    ek, ev, gate = _edge_dense(edge_attr, Wek, Wev, Wg1, Wg2)
    Sp, Zp = _sc_pass(q, k, v, ek, ev, gate, src, dst)
    return _final(Sp, Zp, Wo)

# --- scband reference (transcript-rebuilt; emitter-appended) ---
"""Pipeline reference for scband-edge-gated-attention-45913200394561 (READ-ONLY COPY).

The authoritative reference and input builder live on the scoring server;
editing this copy changes nothing except your own understanding.
"""

import jax, jax.numpy as jnp
import numpy as np

N = 10000
E = 320000
D_MODEL = 128
H = 16
DH = D_MODEL // H
D_EDGE = 16
D_GATE = 64  # max(d_edge*2, 64)


def setup_inputs(seed: int = 0) -> dict:
    key = jax.random.key(seed)
    ks = jax.random.split(key, 12)
    x = jax.random.normal(ks[0], (N, D_MODEL), dtype=jnp.float32)
    edge_index = jax.random.randint(ks[1], (2, E), 0, N, dtype=jnp.int64)
    edge_attr = jax.random.normal(ks[2], (E, D_EDGE), dtype=jnp.float32)
    sm = 1.0 / np.sqrt(D_MODEL)
    se = 1.0 / np.sqrt(D_EDGE)
    sg = 1.0 / np.sqrt(D_GATE)
    Wq = jax.random.normal(ks[3], (D_MODEL, D_MODEL), dtype=jnp.float32) * sm
    Wk = jax.random.normal(ks[4], (D_MODEL, D_MODEL), dtype=jnp.float32) * sm
    Wv = jax.random.normal(ks[5], (D_MODEL, D_MODEL), dtype=jnp.float32) * sm
    Wo = jax.random.normal(ks[6], (D_MODEL, D_MODEL), dtype=jnp.float32) * sm
    Wek = jax.random.normal(ks[7], (D_MODEL, D_EDGE), dtype=jnp.float32) * se
    Wev = jax.random.normal(ks[8], (D_MODEL, D_EDGE), dtype=jnp.float32) * se
    Wg1 = jax.random.normal(ks[9], (D_GATE, D_EDGE), dtype=jnp.float32) * se
    Wg2 = jax.random.normal(ks[10], (H, D_GATE), dtype=jnp.float32) * sg
    return {"x": x, "edge_index": edge_index, "edge_attr": edge_attr,
            "Wq": Wq, "Wk": Wk, "Wv": Wv, "Wo": Wo,
            "Wek": Wek, "Wev": Wev, "Wg1": Wg1, "Wg2": Wg2}


def reference(x, edge_index, edge_attr, Wq, Wk, Wv, Wo, Wek, Wev, Wg1, Wg2):
    n = x.shape[0]
    e = edge_attr.shape[0]
    src = edge_index[0]
    dst = edge_index[1]
    q = (x @ Wq.T).reshape(n, H, DH)
    k = (x @ Wk.T).reshape(n, H, DH)
    v = (x @ Wv.T).reshape(n, H, DH)
    q_e = q[dst]
    k_e = k[src] + (edge_attr @ Wek.T).reshape(e, H, DH)
    v_e = v[src] + (edge_attr @ Wev.T).reshape(e, H, DH)
    scores = (q_e * k_e).sum(-1) / np.sqrt(DH)
    gate = jax.nn.silu(edge_attr @ Wg1.T) @ Wg2.T
    scores = scores + gate
    mx = jax.ops.segment_max(scores, dst, num_segments=n)
    exp_s = jnp.exp(scores - mx[dst])
    sum_exp = jax.ops.segment_sum(exp_s, dst, num_segments=n)
    att = exp_s / (sum_exp[dst] + 1e-9)
    weighted_v = att[:, :, None] * v_e
    out = jax.ops.segment_sum(weighted_v, dst, num_segments=n)
    return out.reshape(n, D_MODEL) @ Wo.T

if __name__ == "__main__":
    import jax
    _d = setup_inputs()
    print(jax.jit(kernel)(*tuple(_d.values())))

</pallas_src>

<mosaic_0001>
#map = affine_map<(d0, d1) -> (0, 0)>
#map1 = affine_map<(d0, d1) -> (0)>
#map2 = affine_map<(d0, d1) -> (0, 0, 0)>
module attributes {stable_mosaic.version = 14 : i64} {
  func.func @_sc_body(%arg0: i32, %arg1: i32, %arg2: memref<10000x128xf32, #tpu.memory_space<hbm>>, %arg3: memref<10000x128xf32, #tpu.memory_space<hbm>>, %arg4: memref<10000x128xf32, #tpu.memory_space<hbm>>, %arg5: memref<320000x128xf32, #tpu.memory_space<hbm>>, %arg6: memref<320000x128xf32, #tpu.memory_space<hbm>>, %arg7: memref<320000x16xf32, #tpu.memory_space<hbm>>, %arg8: memref<320000xi32, #tpu.memory_space<hbm>>, %arg9: memref<320000xi32, #tpu.memory_space<hbm>>, %arg10: memref<10000x128xf32, #tpu.memory_space<hbm>>, %arg11: memref<2x10000x128xf32, #tpu.memory_space<hbm>>, %arg12: memref<2x1280x128xf32, #tpu.memory_space<hbm>>, %arg13: memref<32xi32, #tpu.memory_space<vmem>>, %arg14: memref<32xi32, #tpu.memory_space<vmem>>, %arg15: memref<32xi32, #tpu.memory_space<vmem>>, %arg16: memref<32x128xf32, #tpu.memory_space<vmem>>, %arg17: memref<32x128xf32, #tpu.memory_space<vmem>>, %arg18: memref<32x128xf32, #tpu.memory_space<vmem>>, %arg19: memref<32x128xf32, #tpu.memory_space<vmem>>, %arg20: memref<32x128xf32, #tpu.memory_space<vmem>>, %arg21: memref<32x16xf32, #tpu.memory_space<vmem>>, %arg22: memref<32x128xf32, #tpu.memory_space<vmem>>, %arg23: memref<10000x128xf32, #tpu.memory_space<vmem_shared>>, %arg24: memref<1280x128xf32, #tpu.memory_space<vmem_shared>>, %arg25: memref<!tpu.dma_semaphore, #tpu.memory_space<semaphore_mem>>, %arg26: memref<!tpu.dma_semaphore, #tpu.memory_space<semaphore_mem>>, %arg27: memref<!tpu.dma_semaphore, #tpu.memory_space<semaphore_mem>>) attributes {dimension_semantics = [#tpu.dimension_semantics<core_parallel>, #tpu.dimension_semantics<subcore_parallel>], iteration_bounds = array<i64: 2, 16>, scalar_prefetch = 0 : i64, scratch_operands = 15 : i64, tpu.core_type = #tpu.core_type<sc_vector_subcore>, window_params = [{transform_indices = #map}, {transform_indices = #map}, {transform_indices = #map}, {transform_indices = #map}, {transform_indices = #map}, {transform_indices = #map}, {transform_indices = #map1}, {transform_indices = #map1}, {transform_indices = #map}, {transform_indices = #map2}, {transform_indices = #map2}]} {
    %mul3A = arith.constant 16 : i32
    %mul3A_0 = arith.muli %arg0, %mul3A : i32
    %add3A = arith.addi %mul3A_0, %arg1 : i32
    %iota3A = tpu.iota {dimensions = array<i32: 0>} : vector<16xi32>
    %mul3A_1 = arith.constant 624 : i32
    %mul3A_2 = arith.muli %arg1, %mul3A_1 : i32
    "tpu.region"() ({
      %run_scoped3A = tpu.sem_alloc : memref<!tpu.dma_semaphore, #tpu.memory_space<semaphore_mem>>
      %dma_start3A = arith.constant 0 : i32
      %dma_start3A_77 = arith.constant 0 : i32
      %dma_start3A_78 = tpu.memref_slice %arg10[%dma_start3A, %dma_start3A_77] : memref<10000x128xf32, #tpu.memory_space<hbm>> -> memref<32x128xf32, #tpu.memory_space<hbm>>
      %dma_start3A_79 = arith.constant 0 : i32
      %dma_start3A_80 = arith.constant 0 : i32
      %dma_start3A_81 = tpu.memref_slice %arg10[%dma_start3A_79, %dma_start3A_80] : memref<10000x128xf32, #tpu.memory_space<hbm>> -> memref<32x128xf32, #tpu.memory_space<hbm>>
      tpu.enqueue_dma source(%dma_start3A_81 : memref<32x128xf32, #tpu.memory_space<hbm>>) target(%arg22 : memref<32x128xf32, #tpu.memory_space<vmem>>) target_semaphore(%run_scoped3A : memref<!tpu.dma_semaphore, #tpu.memory_space<semaphore_mem>>)
      %dma_wait3A = arith.constant 0 : i32
      %dma_wait3A_82 = arith.constant 0 : i32
      %dma_wait3A_83 = tpu.memref_slice %arg10[%dma_wait3A, %dma_wait3A_82] : memref<10000x128xf32, #tpu.memory_space<hbm>> -> memref<32x128xf32, #tpu.memory_space<hbm>>
      %dma_wait3A_84 = arith.constant 0 : i32
      %dma_wait3A_85 = arith.constant 0 : i32
      %dma_wait3A_86 = tpu.memref_slice %arg10[%dma_wait3A_84, %dma_wait3A_85] : memref<10000x128xf32, #tpu.memory_space<hbm>> -> memref<32x128xf32, #tpu.memory_space<hbm>>
      tpu.wait_dma2 semaphore(%run_scoped3A : memref<!tpu.dma_semaphore, #tpu.memory_space<semaphore_mem>>) src(%dma_wait3A_86 : memref<32x128xf32, #tpu.memory_space<hbm>>) dst(%arg22 : memref<32x128xf32, #tpu.memory_space<vmem>>)
      tpu.yield
    }) : () -> ()
    "tpu.region"() ({
      %run_scoped3A = tpu.sem_alloc : memref<!tpu.dma_semaphore, #tpu.memory_space<semaphore_mem>>
      %dma_start3A = arith.constant 0 : i32
      %dma_start3A_77 = arith.constant 0 : i32
      %dma_start3A_78 = tpu.memref_slice %arg16[%dma_start3A, %dma_start3A_77] : memref<32x128xf32, #tpu.memory_space<vmem>> -> memref<16x128xf32, #tpu.memory_space<vmem>>
      %dma_start3A_79 = arith.constant 0 : i32
      %dma_start3A_80 = arith.constant 0 : i32
      %dma_start3A_81 = tpu.memref_slice %arg10[%dma_start3A_79, %dma_start3A_80] : memref<10000x128xf32, #tpu.memory_space<hbm>> -> memref<16x128xf32, #tpu.memory_space<hbm>>
      %dma_start3A_82 = arith.constant 0 : i32
      %dma_start3A_83 = arith.constant 0 : i32
      %dma_start3A_84 = tpu.memref_slice %arg16[%dma_start3A_82, %dma_start3A_83] : memref<32x128xf32, #tpu.memory_space<vmem>> -> memref<16x128xf32, #tpu.memory_space<vmem>>
      %dma_start3A_85 = arith.constant 0 : i32
      %dma_start3A_86 = arith.constant 0 : i32
      %dma_start3A_87 = tpu.memref_slice %arg10[%dma_start3A_85, %dma_start3A_86] : memref<10000x128xf32, #tpu.memory_space<hbm>> -> memref<16x128xf32, #tpu.memory_space<hbm>>
      tpu.enqueue_dma source(%dma_start3A_87 : memref<16x128xf32, #tpu.memory_space<hbm>>) target(%dma_start3A_84 : memref<16x128xf32, #tpu.memory_space<vmem>>) target_semaphore(%run_scoped3A : memref<!tpu.dma_semaphore, #tpu.memory_space<semaphore_mem>>)
      %dma_wait3A = arith.constant 0 : i32
      %dma_wait3A_88 = arith.constant 0 : i32
      %dma_wait3A_89 = tpu.memref_slice %arg16[%dma_wait3A, %dma_wait3A_88] : memref<32x128xf32, #tpu.memory_space<vmem>> -> memref<16x128xf32, #tpu.memory_space<vmem>>
      %dma_wait3A_90 = arith.constant 0 : i32
      %dma_wait3A_91 = arith.constant 0 : i32
      %dma_wait3A_92 = tpu.memref_slice %arg10[%dma_wait3A_90, %dma_wait3A_91] : memref<10000x128xf32, #tpu.memory_space<hbm>> -> memref<16x128xf32, #tpu.memory_space<hbm>>
      %dma_wait3A_93 = arith.constant 0 : i32
      %dma_wait3A_94 = arith.constant 0 : i32
      %dma_wait3A_95 = tpu.memref_slice %arg16[%dma_wait3A_93, %dma_wait3A_94] : memref<32x128xf32, #tpu.memory_space<vmem>> -> memref<16x128xf32, #tpu.memory_space<vmem>>
      %dma_wait3A_96 = arith.constant 0 : i32
      %dma_wait3A_97 = arith.constant 0 : i32
      %dma_wait3A_98 = tpu.memref_slice %arg10[%dma_wait3A_96, %dma_wait3A_97] : memref<10000x128xf32, #tpu.memory_space<hbm>> -> memref<16x128xf32, #tpu.memory_space<hbm>>
      tpu.wait_dma2 semaphore(%run_scoped3A : memref<!tpu.dma_semaphore, #tpu.memory_space<semaphore_mem>>) src(%dma_wait3A_98 : memref<16x128xf32, #tpu.memory_space<hbm>>) dst(%dma_wait3A_95 : memref<16x128xf32, #tpu.memory_space<vmem>>)
      tpu.yield
    }) : () -> ()
    %scan3A = arith.constant 0 : i32
    %scan3A_3 = arith.constant 39 : i32
    %scan3A_4 = arith.addi %scan3A, %scan3A_3 : i32
    %scan3A_5 = arith.constant 1 : i32
    scf.for %scan3A_77 = %scan3A to %scan3A_4 step %scan3A_5  : i32 {
      %mul3A_78 = arith.constant 1 : i32
      %mul3A_79 = arith.muli %scan3A_77, %mul3A_78 : i32
      %add3A_80 = arith.constant 0 : i32
      %add3A_81 = arith.addi %add3A_80, %mul3A_79 : i32
      %mul3A_82 = arith.constant 16 : i32
      %mul3A_83 = arith.muli %add3A_81, %mul3A_82 : i32
      %add3A_84 = arith.addi %mul3A_2, %mul3A_83 : i32
      %add3A_85 = vector.broadcast %add3A_84 : i32 to vector<16xi32>
      %add3A_86 = arith.addi %iota3A, %add3A_85 : vector<16xi32>
      "tpu.region"() ({
        %run_scoped3A = tpu.sem_alloc : memref<!tpu.dma_semaphore, #tpu.memory_space<semaphore_mem>>
        %dma_start3A = arith.constant 0 : i32
        %dma_start3A_87 = arith.constant 0 : i32
        %dma_start3A_88 = tpu.memref_slice %arg16[%dma_start3A, %dma_start3A_87] : memref<32x128xf32, #tpu.memory_space<vmem>> -> memref<16x128xf32, #tpu.memory_space<vmem>>
        %dma_start3A_89 = arith.constant 0 : i32
        %dma_start3A_90 = arith.constant 0 : i32
        %dma_start3A_91 = tpu.memref_slice %arg23[%dma_start3A_89, %dma_start3A_90] : memref<10000x128xf32, #tpu.memory_space<vmem_shared>> -> memref<10000x128xf32, #tpu.memory_space<vmem_shared>>
        tpu.enqueue_indirect_dma source(%dma_start3A_88 : memref<16x128xf32, #tpu.memory_space<vmem>>) target(%dma_start3A_91 : memref<10000x128xf32, #tpu.memory_space<vmem_shared>>) offsets(%add3A_86 : vector<16xi32>) semaphore(%run_scoped3A : memref<!tpu.dma_semaphore, #tpu.memory_space<semaphore_mem>>)
        %dma_wait3A = arith.constant 0 : i32
        %dma_wait3A_92 = arith.constant 0 : i32
        %dma_wait3A_93 = tpu.memref_slice %arg16[%dma_wait3A, %dma_wait3A_92] : memref<32x128xf32, #tpu.memory_space<vmem>> -> memref<16x128xf32, #tpu.memory_space<vmem>>
        %dma_wait3A_94 = arith.constant 0 : i32
        %dma_wait3A_95 = arith.constant 0 : i32
        %dma_wait3A_96 = tpu.memref_slice %arg23[%dma_wait3A_94, %dma_wait3A_95] : memref<10000x128xf32, #tpu.memory_space<vmem_shared>> -> memref<10000x128xf32, #tpu.memory_space<vmem_shared>>
        tpu.wait_indirect_dma semaphore(%run_scoped3A : memref<!tpu.dma_semaphore, #tpu.memory_space<semaphore_mem>>) src(%dma_wait3A_93 : memref<16x128xf32, #tpu.memory_space<vmem>>) dst(%dma_wait3A_96 : memref<10000x128xf32, #tpu.memory_space<vmem_shared>>)
        tpu.yield
      }) : () -> ()
    }
    %scan3A_6 = arith.constant 39 : i32
    %eq3A = arith.constant 15 : i32
    %eq3A_7 = arith.cmpi eq, %arg1, %eq3A : i32
    %convert_element_type3A = arith.extui %eq3A_7 : i1 to i32
    %cond3A = arith.constant 0 : i32
    %cond3A_8 = arith.cmpi ne, %convert_element_type3A, %cond3A : i32
    scf.if %cond3A_8 {
      %add3A_77 = arith.constant 9984 : i32
      %add3A_78 = vector.broadcast %add3A_77 : i32 to vector<16xi32>
      %add3A_79 = arith.addi %iota3A, %add3A_78 : vector<16xi32>
      "tpu.region"() ({
        %run_scoped3A = tpu.sem_alloc : memref<!tpu.dma_semaphore, #tpu.memory_space<semaphore_mem>>
        %dma_start3A = arith.constant 0 : i32
        %dma_start3A_80 = arith.constant 0 : i32
        %dma_start3A_81 = tpu.memref_slice %arg16[%dma_start3A, %dma_start3A_80] : memref<32x128xf32, #tpu.memory_space<vmem>> -> memref<16x128xf32, #tpu.memory_space<vmem>>
        %dma_start3A_82 = arith.constant 0 : i32
        %dma_start3A_83 = arith.constant 0 : i32
        %dma_start3A_84 = tpu.memref_slice %arg23[%dma_start3A_82, %dma_start3A_83] : memref<10000x128xf32, #tpu.memory_space<vmem_shared>> -> memref<10000x128xf32, #tpu.memory_space<vmem_shared>>
        tpu.enqueue_indirect_dma source(%dma_start3A_81 : memref<16x128xf32, #tpu.memory_space<vmem>>) target(%dma_start3A_84 : memref<10000x128xf32, #tpu.memory_space<vmem_shared>>) offsets(%add3A_79 : vector<16xi32>) semaphore(%run_scoped3A : memref<!tpu.dma_semaphore, #tpu.memory_space<semaphore_mem>>)
        %dma_wait3A = arith.constant 0 : i32
        %dma_wait3A_85 = arith.constant 0 : i32
        %dma_wait3A_86 = tpu.memref_slice %arg16[%dma_wait3A, %dma_wait3A_85] : memref<32x128xf32, #tpu.memory_space<vmem>> -> memref<16x128xf32, #tpu.memory_space<vmem>>
        %dma_wait3A_87 = arith.constant 0 : i32
        %dma_wait3A_88 = arith.constant 0 : i32
        %dma_wait3A_89 = tpu.memref_slice %arg23[%dma_wait3A_87, %dma_wait3A_88] : memref<10000x128xf32, #tpu.memory_space<vmem_shared>> -> memref<10000x128xf32, #tpu.memory_space<vmem_shared>>
        tpu.wait_indirect_dma semaphore(%run_scoped3A : memref<!tpu.dma_semaphore, #tpu.memory_space<semaphore_mem>>) src(%dma_wait3A_86 : memref<16x128xf32, #tpu.memory_space<vmem>>) dst(%dma_wait3A_89 : memref<10000x128xf32, #tpu.memory_space<vmem_shared>>)
        tpu.yield
      }) : () -> ()
    } else {
    }
    %mul3A_9 = arith.constant 80 : i32
    %mul3A_10 = arith.muli %arg1, %mul3A_9 : i32
    %add3A_11 = arith.constant 0 : i32
    %add3A_12 = arith.addi %mul3A_10, %add3A_11 : i32
    %add3A_13 = vector.broadcast %add3A_12 : i32 to vector<16xi32>
    %add3A_14 = arith.addi %iota3A, %add3A_13 : vector<16xi32>
    "tpu.region"() ({
      %run_scoped3A = tpu.sem_alloc : memref<!tpu.dma_semaphore, #tpu.memory_space<semaphore_mem>>
      %dma_start3A = arith.constant 0 : i32
      %dma_start3A_77 = arith.constant 0 : i32
      %dma_start3A_78 = tpu.memref_slice %arg16[%dma_start3A, %dma_start3A_77] : memref<32x128xf32, #tpu.memory_space<vmem>> -> memref<16x128xf32, #tpu.memory_space<vmem>>
      %dma_start3A_79 = arith.constant 0 : i32
      %dma_start3A_80 = arith.constant 0 : i32
      %dma_start3A_81 = tpu.memref_slice %arg24[%dma_start3A_79, %dma_start3A_80] : memref<1280x128xf32, #tpu.memory_space<vmem_shared>> -> memref<1280x128xf32, #tpu.memory_space<vmem_shared>>
      tpu.enqueue_indirect_dma source(%dma_start3A_78 : memref<16x128xf32, #tpu.memory_space<vmem>>) target(%dma_start3A_81 : memref<1280x128xf32, #tpu.memory_space<vmem_shared>>) offsets(%add3A_14 : vector<16xi32>) semaphore(%run_scoped3A : memref<!tpu.dma_semaphore, #tpu.memory_space<semaphore_mem>>)
      %dma_wait3A = arith.constant 0 : i32
      %dma_wait3A_82 = arith.constant 0 : i32
      %dma_wait3A_83 = tpu.memref_slice %arg16[%dma_wait3A, %dma_wait3A_82] : memref<32x128xf32, #tpu.memory_space<vmem>> -> memref<16x128xf32, #tpu.memory_space<vmem>>
      %dma_wait3A_84 = arith.constant 0 : i32
      %dma_wait3A_85 = arith.constant 0 : i32
      %dma_wait3A_86 = tpu.memref_slice %arg24[%dma_wait3A_84, %dma_wait3A_85] : memref<1280x128xf32, #tpu.memory_space<vmem_shared>> -> memref<1280x128xf32, #tpu.memory_space<vmem_shared>>
      tpu.wait_indirect_dma semaphore(%run_scoped3A : memref<!tpu.dma_semaphore, #tpu.memory_space<semaphore_mem>>) src(%dma_wait3A_83 : memref<16x128xf32, #tpu.memory_space<vmem>>) dst(%dma_wait3A_86 : memref<1280x128xf32, #tpu.memory_space<vmem_shared>>)
      tpu.yield
    }) : () -> ()
    %add3A_15 = arith.constant 16 : i32
    %add3A_16 = arith.addi %mul3A_10, %add3A_15 : i32
    %add3A_17 = vector.broadcast %add3A_16 : i32 to vector<16xi32>
    %add3A_18 = arith.addi %iota3A, %add3A_17 : vector<16xi32>
    "tpu.region"() ({
      %run_scoped3A = tpu.sem_alloc : memref<!tpu.dma_semaphore, #tpu.memory_space<semaphore_mem>>
      %dma_start3A = arith.constant 0 : i32
      %dma_start3A_77 = arith.constant 0 : i32
      %dma_start3A_78 = tpu.memref_slice %arg16[%dma_start3A, %dma_start3A_77] : memref<32x128xf32, #tpu.memory_space<vmem>> -> memref<16x128xf32, #tpu.memory_space<vmem>>
      %dma_start3A_79 = arith.constant 0 : i32
      %dma_start3A_80 = arith.constant 0 : i32
      %dma_start3A_81 = tpu.memref_slice %arg24[%dma_start3A_79, %dma_start3A_80] : memref<1280x128xf32, #tpu.memory_space<vmem_shared>> -> memref<1280x128xf32, #tpu.memory_space<vmem_shared>>
      tpu.enqueue_indirect_dma source(%dma_start3A_78 : memref<16x128xf32, #tpu.memory_space<vmem>>) target(%dma_start3A_81 : memref<1280x128xf32, #tpu.memory_space<vmem_shared>>) offsets(%add3A_18 : vector<16xi32>) semaphore(%run_scoped3A : memref<!tpu.dma_semaphore, #tpu.memory_space<semaphore_mem>>)
      %dma_wait3A = arith.constant 0 : i32
      %dma_wait3A_82 = arith.constant 0 : i32
      %dma_wait3A_83 = tpu.memref_slice %arg16[%dma_wait3A, %dma_wait3A_82] : memref<32x128xf32, #tpu.memory_space<vmem>> -> memref<16x128xf32, #tpu.memory_space<vmem>>
      %dma_wait3A_84 = arith.constant 0 : i32
      %dma_wait3A_85 = arith.constant 0 : i32
      %dma_wait3A_86 = tpu.memref_slice %arg24[%dma_wait3A_84, %dma_wait3A_85] : memref<1280x128xf32, #tpu.memory_space<vmem_shared>> -> memref<1280x128xf32, #tpu.memory_space<vmem_shared>>
      tpu.wait_indirect_dma semaphore(%run_scoped3A : memref<!tpu.dma_semaphore, #tpu.memory_space<semaphore_mem>>) src(%dma_wait3A_83 : memref<16x128xf32, #tpu.memory_space<vmem>>) dst(%dma_wait3A_86 : memref<1280x128xf32, #tpu.memory_space<vmem_shared>>)
      tpu.yield
    }) : () -> ()
    %add3A_19 = arith.constant 32 : i32
    %add3A_20 = arith.addi %mul3A_10, %add3A_19 : i32
    %add3A_21 = vector.broadcast %add3A_20 : i32 to vector<16xi32>
    %add3A_22 = arith.addi %iota3A, %add3A_21 : vector<16xi32>
    "tpu.region"() ({
      %run_scoped3A = tpu.sem_alloc : memref<!tpu.dma_semaphore, #tpu.memory_space<semaphore_mem>>
      %dma_start3A = arith.constant 0 : i32
      %dma_start3A_77 = arith.constant 0 : i32
      %dma_start3A_78 = tpu.memref_slice %arg16[%dma_start3A, %dma_start3A_77] : memref<32x128xf32, #tpu.memory_space<vmem>> -> memref<16x128xf32, #tpu.memory_space<vmem>>
      %dma_start3A_79 = arith.constant 0 : i32
      %dma_start3A_80 = arith.constant 0 : i32
      %dma_start3A_81 = tpu.memref_slice %arg24[%dma_start3A_79, %dma_start3A_80] : memref<1280x128xf32, #tpu.memory_space<vmem_shared>> -> memref<1280x128xf32, #tpu.memory_space<vmem_shared>>
      tpu.enqueue_indirect_dma source(%dma_start3A_78 : memref<16x128xf32, #tpu.memory_space<vmem>>) target(%dma_start3A_81 : memref<1280x128xf32, #tpu.memory_space<vmem_shared>>) offsets(%add3A_22 : vector<16xi32>) semaphore(%run_scoped3A : memref<!tpu.dma_semaphore, #tpu.memory_space<semaphore_mem>>)
      %dma_wait3A = arith.constant 0 : i32
      %dma_wait3A_82 = arith.constant 0 : i32
      %dma_wait3A_83 = tpu.memref_slice %arg16[%dma_wait3A, %dma_wait3A_82] : memref<32x128xf32, #tpu.memory_space<vmem>> -> memref<16x128xf32, #tpu.memory_space<vmem>>
      %dma_wait3A_84 = arith.constant 0 : i32
      %dma_wait3A_85 = arith.constant 0 : i32
      %dma_wait3A_86 = tpu.memref_slice %arg24[%dma_wait3A_84, %dma_wait3A_85] : memref<1280x128xf32, #tpu.memory_space<vmem_shared>> -> memref<1280x128xf32, #tpu.memory_space<vmem_shared>>
      tpu.wait_indirect_dma semaphore(%run_scoped3A : memref<!tpu.dma_semaphore, #tpu.memory_space<semaphore_mem>>) src(%dma_wait3A_83 : memref<16x128xf32, #tpu.memory_space<vmem>>) dst(%dma_wait3A_86 : memref<1280x128xf32, #tpu.memory_space<vmem_shared>>)
      tpu.yield
    }) : () -> ()
    %add3A_23 = arith.constant 48 : i32
    %add3A_24 = arith.addi %mul3A_10, %add3A_23 : i32
    %add3A_25 = vector.broadcast %add3A_24 : i32 to vector<16xi32>
    %add3A_26 = arith.addi %iota3A, %add3A_25 : vector<16xi32>
    "tpu.region"() ({
      %run_scoped3A = tpu.sem_alloc : memref<!tpu.dma_semaphore, #tpu.memory_space<semaphore_mem>>
      %dma_start3A = arith.constant 0 : i32
      %dma_start3A_77 = arith.constant 0 : i32
      %dma_start3A_78 = tpu.memref_slice %arg16[%dma_start3A, %dma_start3A_77] : memref<32x128xf32, #tpu.memory_space<vmem>> -> memref<16x128xf32, #tpu.memory_space<vmem>>
      %dma_start3A_79 = arith.constant 0 : i32
      %dma_start3A_80 = arith.constant 0 : i32
      %dma_start3A_81 = tpu.memref_slice %arg24[%dma_start3A_79, %dma_start3A_80] : memref<1280x128xf32, #tpu.memory_space<vmem_shared>> -> memref<1280x128xf32, #tpu.memory_space<vmem_shared>>
      tpu.enqueue_indirect_dma source(%dma_start3A_78 : memref<16x128xf32, #tpu.memory_space<vmem>>) target(%dma_start3A_81 : memref<1280x128xf32, #tpu.memory_space<vmem_shared>>) offsets(%add3A_26 : vector<16xi32>) semaphore(%run_scoped3A : memref<!tpu.dma_semaphore, #tpu.memory_space<semaphore_mem>>)
      %dma_wait3A = arith.constant 0 : i32
      %dma_wait3A_82 = arith.constant 0 : i32
      %dma_wait3A_83 = tpu.memref_slice %arg16[%dma_wait3A, %dma_wait3A_82] : memref<32x128xf32, #tpu.memory_space<vmem>> -> memref<16x128xf32, #tpu.memory_space<vmem>>
      %dma_wait3A_84 = arith.constant 0 : i32
      %dma_wait3A_85 = arith.constant 0 : i32
      %dma_wait3A_86 = tpu.memref_slice %arg24[%dma_wait3A_84, %dma_wait3A_85] : memref<1280x128xf32, #tpu.memory_space<vmem_shared>> -> memref<1280x128xf32, #tpu.memory_space<vmem_shared>>
      tpu.wait_indirect_dma semaphore(%run_scoped3A : memref<!tpu.dma_semaphore, #tpu.memory_space<semaphore_mem>>) src(%dma_wait3A_83 : memref<16x128xf32, #tpu.memory_space<vmem>>) dst(%dma_wait3A_86 : memref<1280x128xf32, #tpu.memory_space<vmem_shared>>)
      tpu.yield
    }) : () -> ()
    %add3A_27 = arith.constant 64 : i32
    %add3A_28 = arith.addi %mul3A_10, %add3A_27 : i32
    %add3A_29 = vector.broadcast %add3A_28 : i32 to vector<16xi32>
    %add3A_30 = arith.addi %iota3A, %add3A_29 : vector<16xi32>
    "tpu.region"() ({
      %run_scoped3A = tpu.sem_alloc : memref<!tpu.dma_semaphore, #tpu.memory_space<semaphore_mem>>
      %dma_start3A = arith.constant 0 : i32
      %dma_start3A_77 = arith.constant 0 : i32
      %dma_start3A_78 = tpu.memref_slice %arg16[%dma_start3A, %dma_start3A_77] : memref<32x128xf32, #tpu.memory_space<vmem>> -> memref<16x128xf32, #tpu.memory_space<vmem>>
      %dma_start3A_79 = arith.constant 0 : i32
      %dma_start3A_80 = arith.constant 0 : i32
      %dma_start3A_81 = tpu.memref_slice %arg24[%dma_start3A_79, %dma_start3A_80] : memref<1280x128xf32, #tpu.memory_space<vmem_shared>> -> memref<1280x128xf32, #tpu.memory_space<vmem_shared>>
      tpu.enqueue_indirect_dma source(%dma_start3A_78 : memref<16x128xf32, #tpu.memory_space<vmem>>) target(%dma_start3A_81 : memref<1280x128xf32, #tpu.memory_space<vmem_shared>>) offsets(%add3A_30 : vector<16xi32>) semaphore(%run_scoped3A : memref<!tpu.dma_semaphore, #tpu.memory_space<semaphore_mem>>)
      %dma_wait3A = arith.constant 0 : i32
      %dma_wait3A_82 = arith.constant 0 : i32
      %dma_wait3A_83 = tpu.memref_slice %arg16[%dma_wait3A, %dma_wait3A_82] : memref<32x128xf32, #tpu.memory_space<vmem>> -> memref<16x128xf32, #tpu.memory_space<vmem>>
      %dma_wait3A_84 = arith.constant 0 : i32
      %dma_wait3A_85 = arith.constant 0 : i32
      %dma_wait3A_86 = tpu.memref_slice %arg24[%dma_wait3A_84, %dma_wait3A_85] : memref<1280x128xf32, #tpu.memory_space<vmem_shared>> -> memref<1280x128xf32, #tpu.memory_space<vmem_shared>>
      tpu.wait_indirect_dma semaphore(%run_scoped3A : memref<!tpu.dma_semaphore, #tpu.memory_space<semaphore_mem>>) src(%dma_wait3A_83 : memref<16x128xf32, #tpu.memory_space<vmem>>) dst(%dma_wait3A_86 : memref<1280x128xf32, #tpu.memory_space<vmem_shared>>)
      tpu.yield
    }) : () -> ()
    %barrier3A = arith.constant 0 : index
    tpu.barrier barrier_id(%barrier3A)
    %scan3A_31 = arith.constant 0 : i32
    %scan3A_32 = arith.constant 313 : i32
    %scan3A_33 = arith.addi %scan3A_31, %scan3A_32 : i32
    %scan3A_34 = arith.constant 1 : i32
    scf.for %scan3A_77 = %scan3A_31 to %scan3A_33 step %scan3A_34  : i32 {
      %mul3A_78 = arith.constant 1 : i32
      %mul3A_79 = arith.muli %scan3A_77, %mul3A_78 : i32
      %add3A_80 = arith.constant 0 : i32
      %add3A_81 = arith.addi %add3A_80, %mul3A_79 : i32
      %mul3A_82 = arith.constant 32 : i32
      %mul3A_83 = arith.muli %mul3A_82, %add3A_81 : i32
      %add3A_84 = arith.addi %add3A, %mul3A_83 : i32
      %lt3A = arith.constant 10000 : i32
      %lt3A_85 = arith.cmpi slt, %add3A_84, %lt3A : i32
      %convert_element_type3A_86 = arith.extui %lt3A_85 : i1 to i32
      %cond3A_87 = arith.constant 0 : i32
      %cond3A_88 = arith.cmpi ne, %convert_element_type3A_86, %cond3A_87 : i32
      scf.if %cond3A_88 {
        %mul3A_89 = arith.constant 32 : i32
        %mul3A_90 = arith.muli %add3A_84, %mul3A_89 : i32
        "tpu.region"() ({
          %run_scoped3A = tpu.sem_alloc : memref<!tpu.dma_semaphore, #tpu.memory_space<semaphore_mem>>
          %dma_start3A_188 = tpu.memref_slice %arg8[%mul3A_90] : memref<320000xi32, #tpu.memory_space<hbm>> -> memref<32xi32, #tpu.memory_space<hbm>>
          %dma_start3A_189 = tpu.memref_slice %arg8[%mul3A_90] : memref<320000xi32, #tpu.memory_space<hbm>> -> memref<32xi32, #tpu.memory_space<hbm>>
          tpu.enqueue_dma source(%dma_start3A_189 : memref<32xi32, #tpu.memory_space<hbm>>) target(%arg13 : memref<32xi32, #tpu.memory_space<vmem>>) target_semaphore(%run_scoped3A : memref<!tpu.dma_semaphore, #tpu.memory_space<semaphore_mem>>)
          %dma_wait3A_190 = tpu.memref_slice %arg8[%mul3A_90] : memref<320000xi32, #tpu.memory_space<hbm>> -> memref<32xi32, #tpu.memory_space<hbm>>
          %dma_wait3A_191 = tpu.memref_slice %arg8[%mul3A_90] : memref<320000xi32, #tpu.memory_space<hbm>> -> memref<32xi32, #tpu.memory_space<hbm>>
          tpu.wait_dma2 semaphore(%run_scoped3A : memref<!tpu.dma_semaphore, #tpu.memory_space<semaphore_mem>>) src(%dma_wait3A_191 : memref<32xi32, #tpu.memory_space<hbm>>) dst(%arg13 : memref<32xi32, #tpu.memory_space<vmem>>)
          tpu.yield
        }) : () -> ()
        "tpu.region"() ({
          %run_scoped3A = tpu.sem_alloc : memref<!tpu.dma_semaphore, #tpu.memory_space<semaphore_mem>>
          %dma_start3A_188 = tpu.memref_slice %arg9[%mul3A_90] : memref<320000xi32, #tpu.memory_space<hbm>> -> memref<32xi32, #tpu.memory_space<hbm>>
          %dma_start3A_189 = tpu.memref_slice %arg9[%mul3A_90] : memref<320000xi32, #tpu.memory_space<hbm>> -> memref<32xi32, #tpu.memory_space<hbm>>
          tpu.enqueue_dma source(%dma_start3A_189 : memref<32xi32, #tpu.memory_space<hbm>>) target(%arg14 : memref<32xi32, #tpu.memory_space<vmem>>) target_semaphore(%run_scoped3A : memref<!tpu.dma_semaphore, #tpu.memory_space<semaphore_mem>>)
          %dma_wait3A_190 = tpu.memref_slice %arg9[%mul3A_90] : memref<320000xi32, #tpu.memory_space<hbm>> -> memref<32xi32, #tpu.memory_space<hbm>>
          %dma_wait3A_191 = tpu.memref_slice %arg9[%mul3A_90] : memref<320000xi32, #tpu.memory_space<hbm>> -> memref<32xi32, #tpu.memory_space<hbm>>
          tpu.wait_dma2 semaphore(%run_scoped3A : memref<!tpu.dma_semaphore, #tpu.memory_space<semaphore_mem>>) src(%dma_wait3A_191 : memref<32xi32, #tpu.memory_space<hbm>>) dst(%arg14 : memref<32xi32, #tpu.memory_space<vmem>>)
          tpu.yield
        }) : () -> ()
        %dma_start3A = arith.constant 0 : i32
        %dma_start3A_91 = arith.constant 0 : i32
        %dma_start3A_92 = tpu.memref_slice %arg2[%dma_start3A, %dma_start3A_91] : memref<10000x128xf32, #tpu.memory_space<hbm>> -> memref<10000x128xf32, #tpu.memory_space<hbm>>
        tpu.enqueue_indirect_dma source(%dma_start3A_92 : memref<10000x128xf32, #tpu.memory_space<hbm>>) target(%arg16 : memref<32x128xf32, #tpu.memory_space<vmem>>) offsets(%arg14 : memref<32xi32, #tpu.memory_space<vmem>>) semaphore(%arg25 : memref<!tpu.dma_semaphore, #tpu.memory_space<semaphore_mem>>)
        %dma_start3A_93 = arith.constant 0 : i32
        %dma_start3A_94 = arith.constant 0 : i32
        %dma_start3A_95 = tpu.memref_slice %arg3[%dma_start3A_93, %dma_start3A_94] : memref<10000x128xf32, #tpu.memory_space<hbm>> -> memref<10000x128xf32, #tpu.memory_space<hbm>>
        tpu.enqueue_indirect_dma source(%dma_start3A_95 : memref<10000x128xf32, #tpu.memory_space<hbm>>) target(%arg17 : memref<32x128xf32, #tpu.memory_space<vmem>>) offsets(%arg13 : memref<32xi32, #tpu.memory_space<vmem>>) semaphore(%arg26 : memref<!tpu.dma_semaphore, #tpu.memory_space<semaphore_mem>>)
        %dma_start3A_96 = arith.constant 0 : i32
        %dma_start3A_97 = arith.constant 0 : i32
        %dma_start3A_98 = tpu.memref_slice %arg4[%dma_start3A_96, %dma_start3A_97] : memref<10000x128xf32, #tpu.memory_space<hbm>> -> memref<10000x128xf32, #tpu.memory_space<hbm>>
        tpu.enqueue_indirect_dma source(%dma_start3A_98 : memref<10000x128xf32, #tpu.memory_space<hbm>>) target(%arg19 : memref<32x128xf32, #tpu.memory_space<vmem>>) offsets(%arg13 : memref<32xi32, #tpu.memory_space<vmem>>) semaphore(%arg27 : memref<!tpu.dma_semaphore, #tpu.memory_space<semaphore_mem>>)
        "tpu.region"() ({
          %run_scoped3A = tpu.sem_alloc : memref<!tpu.dma_semaphore, #tpu.memory_space<semaphore_mem>>
          %dma_start3A_188 = arith.constant 0 : i32
          %dma_start3A_189 = tpu.memref_slice %arg5[%mul3A_90, %dma_start3A_188] : memref<320000x128xf32, #tpu.memory_space<hbm>> -> memref<32x128xf32, #tpu.memory_space<hbm>>
          %dma_start3A_190 = arith.constant 0 : i32
          %dma_start3A_191 = tpu.memref_slice %arg5[%mul3A_90, %dma_start3A_190] : memref<320000x128xf32, #tpu.memory_space<hbm>> -> memref<32x128xf32, #tpu.memory_space<hbm>>
          tpu.enqueue_dma source(%dma_start3A_191 : memref<32x128xf32, #tpu.memory_space<hbm>>) target(%arg18 : memref<32x128xf32, #tpu.memory_space<vmem>>) target_semaphore(%run_scoped3A : memref<!tpu.dma_semaphore, #tpu.memory_space<semaphore_mem>>)
          %dma_wait3A_192 = arith.constant 0 : i32
          %dma_wait3A_193 = tpu.memref_slice %arg5[%mul3A_90, %dma_wait3A_192] : memref<320000x128xf32, #tpu.memory_space<hbm>> -> memref<32x128xf32, #tpu.memory_space<hbm>>
          %dma_wait3A_194 = arith.constant 0 : i32
          %dma_wait3A_195 = tpu.memref_slice %arg5[%mul3A_90, %dma_wait3A_194] : memref<320000x128xf32, #tpu.memory_space<hbm>> -> memref<32x128xf32, #tpu.memory_space<hbm>>
          tpu.wait_dma2 semaphore(%run_scoped3A : memref<!tpu.dma_semaphore, #tpu.memory_space<semaphore_mem>>) src(%dma_wait3A_195 : memref<32x128xf32, #tpu.memory_space<hbm>>) dst(%arg18 : memref<32x128xf32, #tpu.memory_space<vmem>>)
          tpu.yield
        }) : () -> ()
        "tpu.region"() ({
          %run_scoped3A = tpu.sem_alloc : memref<!tpu.dma_semaphore, #tpu.memory_space<semaphore_mem>>
          %dma_start3A_188 = arith.constant 0 : i32
          %dma_start3A_189 = tpu.memref_slice %arg6[%mul3A_90, %dma_start3A_188] : memref<320000x128xf32, #tpu.memory_space<hbm>> -> memref<32x128xf32, #tpu.memory_space<hbm>>
          %dma_start3A_190 = arith.constant 0 : i32
          %dma_start3A_191 = tpu.memref_slice %arg6[%mul3A_90, %dma_start3A_190] : memref<320000x128xf32, #tpu.memory_space<hbm>> -> memref<32x128xf32, #tpu.memory_space<hbm>>
          tpu.enqueue_dma source(%dma_start3A_191 : memref<32x128xf32, #tpu.memory_space<hbm>>) target(%arg20 : memref<32x128xf32, #tpu.memory_space<vmem>>) target_semaphore(%run_scoped3A : memref<!tpu.dma_semaphore, #tpu.memory_space<semaphore_mem>>)
          %dma_wait3A_192 = arith.constant 0 : i32
          %dma_wait3A_193 = tpu.memref_slice %arg6[%mul3A_90, %dma_wait3A_192] : memref<320000x128xf32, #tpu.memory_space<hbm>> -> memref<32x128xf32, #tpu.memory_space<hbm>>
          %dma_wait3A_194 = arith.constant 0 : i32
          %dma_wait3A_195 = tpu.memref_slice %arg6[%mul3A_90, %dma_wait3A_194] : memref<320000x128xf32, #tpu.memory_space<hbm>> -> memref<32x128xf32, #tpu.memory_space<hbm>>
          tpu.wait_dma2 semaphore(%run_scoped3A : memref<!tpu.dma_semaphore, #tpu.memory_space<semaphore_mem>>) src(%dma_wait3A_195 : memref<32x128xf32, #tpu.memory_space<hbm>>) dst(%arg20 : memref<32x128xf32, #tpu.memory_space<vmem>>)
          tpu.yield
        }) : () -> ()
        "tpu.region"() ({
          %run_scoped3A = tpu.sem_alloc : memref<!tpu.dma_semaphore, #tpu.memory_space<semaphore_mem>>
          %dma_start3A_188 = arith.constant 0 : i32
          %dma_start3A_189 = tpu.memref_slice %arg7[%mul3A_90, %dma_start3A_188] : memref<320000x16xf32, #tpu.memory_space<hbm>> -> memref<32x16xf32, #tpu.memory_space<hbm>>
          %dma_start3A_190 = arith.constant 0 : i32
          %dma_start3A_191 = tpu.memref_slice %arg7[%mul3A_90, %dma_start3A_190] : memref<320000x16xf32, #tpu.memory_space<hbm>> -> memref<32x16xf32, #tpu.memory_space<hbm>>
          tpu.enqueue_dma source(%dma_start3A_191 : memref<32x16xf32, #tpu.memory_space<hbm>>) target(%arg21 : memref<32x16xf32, #tpu.memory_space<vmem>>) target_semaphore(%run_scoped3A : memref<!tpu.dma_semaphore, #tpu.memory_space<semaphore_mem>>)
          %dma_wait3A_192 = arith.constant 0 : i32
          %dma_wait3A_193 = tpu.memref_slice %arg7[%mul3A_90, %dma_wait3A_192] : memref<320000x16xf32, #tpu.memory_space<hbm>> -> memref<32x16xf32, #tpu.memory_space<hbm>>
          %dma_wait3A_194 = arith.constant 0 : i32
          %dma_wait3A_195 = tpu.memref_slice %arg7[%mul3A_90, %dma_wait3A_194] : memref<320000x16xf32, #tpu.memory_space<hbm>> -> memref<32x16xf32, #tpu.memory_space<hbm>>
          tpu.wait_dma2 semaphore(%run_scoped3A : memref<!tpu.dma_semaphore, #tpu.memory_space<semaphore_mem>>) src(%dma_wait3A_195 : memref<32x16xf32, #tpu.memory_space<hbm>>) dst(%arg21 : memref<32x16xf32, #tpu.memory_space<vmem>>)
          tpu.yield
        }) : () -> ()
        %dma_wait3A = arith.constant 0 : i32
        %dma_wait3A_99 = arith.constant 0 : i32
        %dma_wait3A_100 = tpu.memref_slice %arg2[%dma_wait3A, %dma_wait3A_99] : memref<10000x128xf32, #tpu.memory_space<hbm>> -> memref<10000x128xf32, #tpu.memory_space<hbm>>
        tpu.wait_indirect_dma semaphore(%arg25 : memref<!tpu.dma_semaphore, #tpu.memory_space<semaphore_mem>>) src(%dma_wait3A_100 : memref<10000x128xf32, #tpu.memory_space<hbm>>) dst(%arg16 : memref<32x128xf32, #tpu.memory_space<vmem>>)
        %dma_wait3A_101 = arith.constant 0 : i32
        %dma_wait3A_102 = arith.constant 0 : i32
        %dma_wait3A_103 = tpu.memref_slice %arg3[%dma_wait3A_101, %dma_wait3A_102] : memref<10000x128xf32, #tpu.memory_space<hbm>> -> memref<10000x128xf32, #tpu.memory_space<hbm>>
        tpu.wait_indirect_dma semaphore(%arg26 : memref<!tpu.dma_semaphore, #tpu.memory_space<semaphore_mem>>) src(%dma_wait3A_103 : memref<10000x128xf32, #tpu.memory_space<hbm>>) dst(%arg17 : memref<32x128xf32, #tpu.memory_space<vmem>>)
        %dma_wait3A_104 = arith.constant 0 : i32
        %dma_wait3A_105 = arith.constant 0 : i32
        %dma_wait3A_106 = tpu.memref_slice %arg4[%dma_wait3A_104, %dma_wait3A_105] : memref<10000x128xf32, #tpu.memory_space<hbm>> -> memref<10000x128xf32, #tpu.memory_space<hbm>>
        tpu.wait_indirect_dma semaphore(%arg27 : memref<!tpu.dma_semaphore, #tpu.memory_space<semaphore_mem>>) src(%dma_wait3A_106 : memref<10000x128xf32, #tpu.memory_space<hbm>>) dst(%arg19 : memref<32x128xf32, #tpu.memory_space<vmem>>)
        %add3A_107 = arith.constant 0 : i32
        %add3A_108 = vector.broadcast %add3A_107 : i32 to vector<16xi32>
        %add3A_109 = arith.addi %iota3A, %add3A_108 : vector<16xi32>
        %get3A = arith.constant 0 : index
        %get3A_110 = tpu.vector_load %arg14[%get3A] {strides = array<i32>} : memref<32xi32, #tpu.memory_space<vmem>>, vector<16xi32>,
        %shift_right_logical3A = arith.constant 3 : i32
        %shift_right_logical3A_111 = vector.broadcast %shift_right_logical3A : i32 to vector<16xi32>
        %shift_right_logical3A_112 = arith.shrui %get3A_110, %shift_right_logical3A_111 : vector<16xi32>
        %swap3A = arith.constant 0 : index
        %swap3A_113 = tpu.vector_load %arg15[%swap3A] {strides = array<i32>} : memref<32xi32, #tpu.memory_space<vmem>>, vector<16xi32>,
        tpu.vector_store %arg15[%swap3A], %shift_right_logical3A_112 {strides = array<i32>} : memref<32xi32, #tpu.memory_space<vmem>>, vector<16xi32>,
        %and3A = arith.constant 7 : i32
        %and3A_114 = vector.broadcast %and3A : i32 to vector<16xi32>
        %and3A_115 = arith.andi %get3A_110, %and3A_114 : vector<16xi32>
        %mul3A_116 = arith.constant 16 : i32
        %mul3A_117 = vector.broadcast %mul3A_116 : i32 to vector<16xi32>
        %mul3A_118 = arith.muli %and3A_115, %mul3A_117 : vector<16xi32>
        %scan3A_119 = arith.constant 0 : i32
        %scan3A_120 = arith.constant 16 : i32
        %scan3A_121 = arith.addi %scan3A_119, %scan3A_120 : i32
        %scan3A_122 = arith.constant 1 : i32
        scf.for %scan3A_188 = %scan3A_119 to %scan3A_121 step %scan3A_122  : i32 {
          %mul3A_189 = arith.constant 1 : i32
          %mul3A_190 = arith.muli %scan3A_188, %mul3A_189 : i32
          %add3A_191 = arith.constant 0 : i32
          %add3A_192 = arith.addi %add3A_191, %mul3A_190 : i32
          %broadcast_in_dim3A_193 = arith.constant 0.000000e+00 : f32
          %broadcast_in_dim3A_194 = vector.broadcast %broadcast_in_dim3A_193 : f32 to vector<16xf32>
          %mul3A_195 = arith.constant 8 : i32
          %mul3A_196 = arith.muli %add3A_192, %mul3A_195 : i32
          %add3A_197 = arith.constant 0 : i32
          %add3A_198 = arith.addi %mul3A_196, %add3A_197 : i32
          %broadcast_in_dim3A_199 = vector.broadcast %add3A_198 : i32 to vector<16xi32>
          %gather3A = tpu.vector_load_idx %arg16[%add3A_109, %broadcast_in_dim3A_199] : memref<32x128xf32, #tpu.memory_space<vmem>>[vector<16xi32>, vector<16xi32>], vector<16xf32>,
          %gather3A_200 = tpu.vector_load_idx %arg17[%add3A_109, %broadcast_in_dim3A_199] : memref<32x128xf32, #tpu.memory_space<vmem>>[vector<16xi32>, vector<16xi32>], vector<16xf32>,
          %gather3A_201 = tpu.vector_load_idx %arg18[%add3A_109, %broadcast_in_dim3A_199] : memref<32x128xf32, #tpu.memory_space<vmem>>[vector<16xi32>, vector<16xi32>], vector<16xf32>,
          %add3A_202 = arith.addf %gather3A_200, %gather3A_201 : vector<16xf32>
          %mul3A_203 = arith.mulf %gather3A, %add3A_202 : vector<16xf32>
          %add3A_204 = arith.addf %broadcast_in_dim3A_194, %mul3A_203 : vector<16xf32>
          %mul3A_205 = arith.constant 8 : i32
          %mul3A_206 = arith.muli %add3A_192, %mul3A_205 : i32
          %add3A_207 = arith.constant 1 : i32
          %add3A_208 = arith.addi %mul3A_206, %add3A_207 : i32
          %broadcast_in_dim3A_209 = vector.broadcast %add3A_208 : i32 to vector<16xi32>
          %gather3A_210 = tpu.vector_load_idx %arg16[%add3A_109, %broadcast_in_dim3A_209] : memref<32x128xf32, #tpu.memory_space<vmem>>[vector<16xi32>, vector<16xi32>], vector<16xf32>,
          %gather3A_211 = tpu.vector_load_idx %arg17[%add3A_109, %broadcast_in_dim3A_209] : memref<32x128xf32, #tpu.memory_space<vmem>>[vector<16xi32>, vector<16xi32>], vector<16xf32>,
          %gather3A_212 = tpu.vector_load_idx %arg18[%add3A_109, %broadcast_in_dim3A_209] : memref<32x128xf32, #tpu.memory_space<vmem>>[vector<16xi32>, vector<16xi32>], vector<16xf32>,
          %add3A_213 = arith.addf %gather3A_211, %gather3A_212 : vector<16xf32>
          %mul3A_214 = arith.mulf %gather3A_210, %add3A_213 : vector<16xf32>
          %add3A_215 = arith.addf %add3A_204, %mul3A_214 : vector<16xf32>
          %mul3A_216 = arith.constant 8 : i32
          %mul3A_217 = arith.muli %add3A_192, %mul3A_216 : i32
          %add3A_218 = arith.constant 2 : i32
          %add3A_219 = arith.addi %mul3A_217, %add3A_218 : i32
          %broadcast_in_dim3A_220 = vector.broadcast %add3A_219 : i32 to vector<16xi32>
          %gather3A_221 = tpu.vector_load_idx %arg16[%add3A_109, %broadcast_in_dim3A_220] : memref<32x128xf32, #tpu.memory_space<vmem>>[vector<16xi32>, vector<16xi32>], vector<16xf32>,
          %gather3A_222 = tpu.vector_load_idx %arg17[%add3A_109, %broadcast_in_dim3A_220] : memref<32x128xf32, #tpu.memory_space<vmem>>[vector<16xi32>, vector<16xi32>], vector<16xf32>,
          %gather3A_223 = tpu.vector_load_idx %arg18[%add3A_109, %broadcast_in_dim3A_220] : memref<32x128xf32, #tpu.memory_space<vmem>>[vector<16xi32>, vector<16xi32>], vector<16xf32>,
          %add3A_224 = arith.addf %gather3A_222, %gather3A_223 : vector<16xf32>
          %mul3A_225 = arith.mulf %gather3A_221, %add3A_224 : vector<16xf32>
          %add3A_226 = arith.addf %add3A_215, %mul3A_225 : vector<16xf32>
          %mul3A_227 = arith.constant 8 : i32
          %mul3A_228 = arith.muli %add3A_192, %mul3A_227 : i32
          %add3A_229 = arith.constant 3 : i32
          %add3A_230 = arith.addi %mul3A_228, %add3A_229 : i32
          %broadcast_in_dim3A_231 = vector.broadcast %add3A_230 : i32 to vector<16xi32>
          %gather3A_232 = tpu.vector_load_idx %arg16[%add3A_109, %broadcast_in_dim3A_231] : memref<32x128xf32, #tpu.memory_space<vmem>>[vector<16xi32>, vector<16xi32>], vector<16xf32>,
          %gather3A_233 = tpu.vector_load_idx %arg17[%add3A_109, %broadcast_in_dim3A_231] : memref<32x128xf32, #tpu.memory_space<vmem>>[vector<16xi32>, vector<16xi32>], vector<16xf32>,
          %gather3A_234 = tpu.vector_load_idx %arg18[%add3A_109, %broadcast_in_dim3A_231] : memref<32x128xf32, #tpu.memory_space<vmem>>[vector<16xi32>, vector<16xi32>], vector<16xf32>,
          %add3A_235 = arith.addf %gather3A_233, %gather3A_234 : vector<16xf32>
          %mul3A_236 = arith.mulf %gather3A_232, %add3A_235 : vector<16xf32>
          %add3A_237 = arith.addf %add3A_226, %mul3A_236 : vector<16xf32>
          %mul3A_238 = arith.constant 8 : i32
          %mul3A_239 = arith.muli %add3A_192, %mul3A_238 : i32
          %add3A_240 = arith.constant 4 : i32
          %add3A_241 = arith.addi %mul3A_239, %add3A_240 : i32
          %broadcast_in_dim3A_242 = vector.broadcast %add3A_241 : i32 to vector<16xi32>
          %gather3A_243 = tpu.vector_load_idx %arg16[%add3A_109, %broadcast_in_dim3A_242] : memref<32x128xf32, #tpu.memory_space<vmem>>[vector<16xi32>, vector<16xi32>], vector<16xf32>,
          %gather3A_244 = tpu.vector_load_idx %arg17[%add3A_109, %broadcast_in_dim3A_242] : memref<32x128xf32, #tpu.memory_space<vmem>>[vector<16xi32>, vector<16xi32>], vector<16xf32>,
          %gather3A_245 = tpu.vector_load_idx %arg18[%add3A_109, %broadcast_in_dim3A_242] : memref<32x128xf32, #tpu.memory_space<vmem>>[vector<16xi32>, vector<16xi32>], vector<16xf32>,
          %add3A_246 = arith.addf %gather3A_244, %gather3A_245 : vector<16xf32>
          %mul3A_247 = arith.mulf %gather3A_243, %add3A_246 : vector<16xf32>
          %add3A_248 = arith.addf %add3A_237, %mul3A_247 : vector<16xf32>
          %mul3A_249 = arith.constant 8 : i32
          %mul3A_250 = arith.muli %add3A_192, %mul3A_249 : i32
          %add3A_251 = arith.constant 5 : i32
          %add3A_252 = arith.addi %mul3A_250, %add3A_251 : i32
          %broadcast_in_dim3A_253 = vector.broadcast %add3A_252 : i32 to vector<16xi32>
          %gather3A_254 = tpu.vector_load_idx %arg16[%add3A_109, %broadcast_in_dim3A_253] : memref<32x128xf32, #tpu.memory_space<vmem>>[vector<16xi32>, vector<16xi32>], vector<16xf32>,
          %gather3A_255 = tpu.vector_load_idx %arg17[%add3A_109, %broadcast_in_dim3A_253] : memref<32x128xf32, #tpu.memory_space<vmem>>[vector<16xi32>, vector<16xi32>], vector<16xf32>,
          %gather3A_256 = tpu.vector_load_idx %arg18[%add3A_109, %broadcast_in_dim3A_253] : memref<32x128xf32, #tpu.memory_space<vmem>>[vector<16xi32>, vector<16xi32>], vector<16xf32>,
          %add3A_257 = arith.addf %gather3A_255, %gather3A_256 : vector<16xf32>
          %mul3A_258 = arith.mulf %gather3A_254, %add3A_257 : vector<16xf32>
          %add3A_259 = arith.addf %add3A_248, %mul3A_258 : vector<16xf32>
          %mul3A_260 = arith.constant 8 : i32
          %mul3A_261 = arith.muli %add3A_192, %mul3A_260 : i32
          %add3A_262 = arith.constant 6 : i32
          %add3A_263 = arith.addi %mul3A_261, %add3A_262 : i32
          %broadcast_in_dim3A_264 = vector.broadcast %add3A_263 : i32 to vector<16xi32>
          %gather3A_265 = tpu.vector_load_idx %arg16[%add3A_109, %broadcast_in_dim3A_264] : memref<32x128xf32, #tpu.memory_space<vmem>>[vector<16xi32>, vector<16xi32>], vector<16xf32>,
          %gather3A_266 = tpu.vector_load_idx %arg17[%add3A_109, %broadcast_in_dim3A_264] : memref<32x128xf32, #tpu.memory_space<vmem>>[vector<16xi32>, vector<16xi32>], vector<16xf32>,
          %gather3A_267 = tpu.vector_load_idx %arg18[%add3A_109, %broadcast_in_dim3A_264] : memref<32x128xf32, #tpu.memory_space<vmem>>[vector<16xi32>, vector<16xi32>], vector<16xf32>,
          %add3A_268 = arith.addf %gather3A_266, %gather3A_267 : vector<16xf32>
          %mul3A_269 = arith.mulf %gather3A_265, %add3A_268 : vector<16xf32>
          %add3A_270 = arith.addf %add3A_259, %mul3A_269 : vector<16xf32>
          %mul3A_271 = arith.constant 8 : i32
          %mul3A_272 = arith.muli %add3A_192, %mul3A_271 : i32
          %add3A_273 = arith.constant 7 : i32
          %add3A_274 = arith.addi %mul3A_272, %add3A_273 : i32
          %broadcast_in_dim3A_275 = vector.broadcast %add3A_274 : i32 to vector<16xi32>
          %gather3A_276 = tpu.vector_load_idx %arg16[%add3A_109, %broadcast_in_dim3A_275] : memref<32x128xf32, #tpu.memory_space<vmem>>[vector<16xi32>, vector<16xi32>], vector<16xf32>,
          %gather3A_277 = tpu.vector_load_idx %arg17[%add3A_109, %broadcast_in_dim3A_275] : memref<32x128xf32, #tpu.memory_space<vmem>>[vector<16xi32>, vector<16xi32>], vector<16xf32>,
          %gather3A_278 = tpu.vector_load_idx %arg18[%add3A_109, %broadcast_in_dim3A_275] : memref<32x128xf32, #tpu.memory_space<vmem>>[vector<16xi32>, vector<16xi32>], vector<16xf32>,
          %add3A_279 = arith.addf %gather3A_277, %gather3A_278 : vector<16xf32>
          %mul3A_280 = arith.mulf %gather3A_276, %add3A_279 : vector<16xf32>
          %add3A_281 = arith.addf %add3A_270, %mul3A_280 : vector<16xf32>
          %broadcast_in_dim3A_282 = vector.broadcast %add3A_192 : i32 to vector<16xi32>
          %mul3A_283 = arith.constant 0.353553385 : f32
          %mul3A_284 = vector.broadcast %mul3A_283 : f32 to vector<16xf32>
          %mul3A_285 = arith.mulf %add3A_281, %mul3A_284 : vector<16xf32>
          %gather3A_286 = tpu.vector_load_idx %arg21[%add3A_109, %broadcast_in_dim3A_282] : memref<32x16xf32, #tpu.memory_space<vmem>>[vector<16xi32>, vector<16xi32>], vector<16xf32>,
          %add3A_287 = arith.addf %mul3A_285, %gather3A_286 : vector<16xf32>
          %add3A_288 = vector.broadcast %add3A_192 : i32 to vector<16xi32>
          %add3A_289 = arith.addi %mul3A_118, %add3A_288 : vector<16xi32>
          %exp3A = math.exp %add3A_287 : vector<16xf32>
          tpu.vector_store_idx %arg22[%add3A_109, %add3A_289], %exp3A : memref<32x128xf32, #tpu.memory_space<vmem>>[vector<16xi32>, vector<16xi32>], vector<16xf32>,
        }
        %scan3A_123 = arith.constant 16 : i32
        %scan3A_124 = arith.constant 0 : i32
        %scan3A_125 = arith.constant 16 : i32
        %scan3A_126 = arith.addi %scan3A_124, %scan3A_125 : i32
        %scan3A_127 = arith.constant 1 : i32
        scf.for %scan3A_188 = %scan3A_124 to %scan3A_126 step %scan3A_127  : i32 {
          %mul3A_189 = arith.constant 1 : i32
          %mul3A_190 = arith.muli %scan3A_188, %mul3A_189 : i32
          %add3A_191 = arith.constant 0 : i32
          %add3A_192 = arith.addi %add3A_191, %mul3A_190 : i32
          %add3A_193 = vector.broadcast %add3A_192 : i32 to vector<16xi32>
          %add3A_194 = arith.addi %mul3A_118, %add3A_193 : vector<16xi32>
          %gather3A = tpu.vector_load_idx %arg22[%add3A_109, %add3A_194] : memref<32x128xf32, #tpu.memory_space<vmem>>[vector<16xi32>, vector<16xi32>], vector<16xf32>,
          %mul3A_195 = arith.constant 8 : i32
          %mul3A_196 = arith.muli %add3A_192, %mul3A_195 : i32
          %add3A_197 = arith.constant 0 : i32
          %add3A_198 = arith.addi %mul3A_196, %add3A_197 : i32
          %broadcast_in_dim3A_199 = vector.broadcast %add3A_198 : i32 to vector<16xi32>
          %gather3A_200 = tpu.vector_load_idx %arg19[%add3A_109, %broadcast_in_dim3A_199] : memref<32x128xf32, #tpu.memory_space<vmem>>[vector<16xi32>, vector<16xi32>], vector<16xf32>,
          %gather3A_201 = tpu.vector_load_idx %arg20[%add3A_109, %broadcast_in_dim3A_199] : memref<32x128xf32, #tpu.memory_space<vmem>>[vector<16xi32>, vector<16xi32>], vector<16xf32>,
          %add3A_202 = arith.addf %gather3A_200, %gather3A_201 : vector<16xf32>
          %mul3A_203 = arith.mulf %gather3A, %add3A_202 : vector<16xf32>
          tpu.vector_store_idx %arg19[%add3A_109, %broadcast_in_dim3A_199], %mul3A_203 : memref<32x128xf32, #tpu.memory_space<vmem>>[vector<16xi32>, vector<16xi32>], vector<16xf32>,
          %mul3A_204 = arith.constant 8 : i32
          %mul3A_205 = arith.muli %add3A_192, %mul3A_204 : i32
          %add3A_206 = arith.constant 1 : i32
          %add3A_207 = arith.addi %mul3A_205, %add3A_206 : i32
          %broadcast_in_dim3A_208 = vector.broadcast %add3A_207 : i32 to vector<16xi32>
          %gather3A_209 = tpu.vector_load_idx %arg19[%add3A_109, %broadcast_in_dim3A_208] : memref<32x128xf32, #tpu.memory_space<vmem>>[vector<16xi32>, vector<16xi32>], vector<16xf32>,
          %gather3A_210 = tpu.vector_load_idx %arg20[%add3A_109, %broadcast_in_dim3A_208] : memref<32x128xf32, #tpu.memory_space<vmem>>[vector<16xi32>, vector<16xi32>], vector<16xf32>,
          %add3A_211 = arith.addf %gather3A_209, %gather3A_210 : vector<16xf32>
          %mul3A_212 = arith.mulf %gather3A, %add3A_211 : vector<16xf32>
          tpu.vector_store_idx %arg19[%add3A_109, %broadcast_in_dim3A_208], %mul3A_212 : memref<32x128xf32, #tpu.memory_space<vmem>>[vector<16xi32>, vector<16xi32>], vector<16xf32>,
          %mul3A_213 = arith.constant 8 : i32
          %mul3A_214 = arith.muli %add3A_192, %mul3A_213 : i32
          %add3A_215 = arith.constant 2 : i32
          %add3A_216 = arith.addi %mul3A_214, %add3A_215 : i32
          %broadcast_in_dim3A_217 = vector.broadcast %add3A_216 : i32 to vector<16xi32>
          %gather3A_218 = tpu.vector_load_idx %arg19[%add3A_109, %broadcast_in_dim3A_217] : memref<32x128xf32, #tpu.memory_space<vmem>>[vector<16xi32>, vector<16xi32>], vector<16xf32>,
          %gather3A_219 = tpu.vector_load_idx %arg20[%add3A_109, %broadcast_in_dim3A_217] : memref<32x128xf32, #tpu.memory_space<vmem>>[vector<16xi32>, vector<16xi32>], vector<16xf32>,
          %add3A_220 = arith.addf %gather3A_218, %gather3A_219 : vector<16xf32>
          %mul3A_221 = arith.mulf %gather3A, %add3A_220 : vector<16xf32>
          tpu.vector_store_idx %arg19[%add3A_109, %broadcast_in_dim3A_217], %mul3A_221 : memref<32x128xf32, #tpu.memory_space<vmem>>[vector<16xi32>, vector<16xi32>], vector<16xf32>,
          %mul3A_222 = arith.constant 8 : i32
          %mul3A_223 = arith.muli %add3A_192, %mul3A_222 : i32
          %add3A_224 = arith.constant 3 : i32
          %add3A_225 = arith.addi %mul3A_223, %add3A_224 : i32
          %broadcast_in_dim3A_226 = vector.broadcast %add3A_225 : i32 to vector<16xi32>
          %gather3A_227 = tpu.vector_load_idx %arg19[%add3A_109, %broadcast_in_dim3A_226] : memref<32x128xf32, #tpu.memory_space<vmem>>[vector<16xi32>, vector<16xi32>], vector<16xf32>,
          %gather3A_228 = tpu.vector_load_idx %arg20[%add3A_109, %broadcast_in_dim3A_226] : memref<32x128xf32, #tpu.memory_space<vmem>>[vector<16xi32>, vector<16xi32>], vector<16xf32>,
          %add3A_229 = arith.addf %gather3A_227, %gather3A_228 : vector<16xf32>
          %mul3A_230 = arith.mulf %gather3A, %add3A_229 : vector<16xf32>
          tpu.vector_store_idx %arg19[%add3A_109, %broadcast_in_dim3A_226], %mul3A_230 : memref<32x128xf32, #tpu.memory_space<vmem>>[vector<16xi32>, vector<16xi32>], vector<16xf32>,
          %mul3A_231 = arith.constant 8 : i32
          %mul3A_232 = arith.muli %add3A_192, %mul3A_231 : i32
          %add3A_233 = arith.constant 4 : i32
          %add3A_234 = arith.addi %mul3A_232, %add3A_233 : i32
          %broadcast_in_dim3A_235 = vector.broadcast %add3A_234 : i32 to vector<16xi32>
          %gather3A_236 = tpu.vector_load_idx %arg19[%add3A_109, %broadcast_in_dim3A_235] : memref<32x128xf32, #tpu.memory_space<vmem>>[vector<16xi32>, vector<16xi32>], vector<16xf32>,
          %gather3A_237 = tpu.vector_load_idx %arg20[%add3A_109, %broadcast_in_dim3A_235] : memref<32x128xf32, #tpu.memory_space<vmem>>[vector<16xi32>, vector<16xi32>], vector<16xf32>,
          %add3A_238 = arith.addf %gather3A_236, %gather3A_237 : vector<16xf32>
          %mul3A_239 = arith.mulf %gather3A, %add3A_238 : vector<16xf32>
          tpu.vector_store_idx %arg19[%add3A_109, %broadcast_in_dim3A_235], %mul3A_239 : memref<32x128xf32, #tpu.memory_space<vmem>>[vector<16xi32>, vector<16xi32>], vector<16xf32>,
          %mul3A_240 = arith.constant 8 : i32
          %mul3A_241 = arith.muli %add3A_192, %mul3A_240 : i32
          %add3A_242 = arith.constant 5 : i32
          %add3A_243 = arith.addi %mul3A_241, %add3A_242 : i32
          %broadcast_in_dim3A_244 = vector.broadcast %add3A_243 : i32 to vector<16xi32>
          %gather3A_245 = tpu.vector_load_idx %arg19[%add3A_109, %broadcast_in_dim3A_244] : memref<32x128xf32, #tpu.memory_space<vmem>>[vector<16xi32>, vector<16xi32>], vector<16xf32>,
          %gather3A_246 = tpu.vector_load_idx %arg20[%add3A_109, %broadcast_in_dim3A_244] : memref<32x128xf32, #tpu.memory_space<vmem>>[vector<16xi32>, vector<16xi32>], vector<16xf32>,
          %add3A_247 = arith.addf %gather3A_245, %gather3A_246 : vector<16xf32>
          %mul3A_248 = arith.mulf %gather3A, %add3A_247 : vector<16xf32>
          tpu.vector_store_idx %arg19[%add3A_109, %broadcast_in_dim3A_244], %mul3A_248 : memref<32x128xf32, #tpu.memory_space<vmem>>[vector<16xi32>, vector<16xi32>], vector<16xf32>,
          %mul3A_249 = arith.constant 8 : i32
          %mul3A_250 = arith.muli %add3A_192, %mul3A_249 : i32
          %add3A_251 = arith.constant 6 : i32
          %add3A_252 = arith.addi %mul3A_250, %add3A_251 : i32
          %broadcast_in_dim3A_253 = vector.broadcast %add3A_252 : i32 to vector<16xi32>
          %gather3A_254 = tpu.vector_load_idx %arg19[%add3A_109, %broadcast_in_dim3A_253] : memref<32x128xf32, #tpu.memory_space<vmem>>[vector<16xi32>, vector<16xi32>], vector<16xf32>,
          %gather3A_255 = tpu.vector_load_idx %arg20[%add3A_109, %broadcast_in_dim3A_253] : memref<32x128xf32, #tpu.memory_space<vmem>>[vector<16xi32>, vector<16xi32>], vector<16xf32>,
          %add3A_256 = arith.addf %gather3A_254, %gather3A_255 : vector<16xf32>
          %mul3A_257 = arith.mulf %gather3A, %add3A_256 : vector<16xf32>
          tpu.vector_store_idx %arg19[%add3A_109, %broadcast_in_dim3A_253], %mul3A_257 : memref<32x128xf32, #tpu.memory_space<vmem>>[vector<16xi32>, vector<16xi32>], vector<16xf32>,
          %mul3A_258 = arith.constant 8 : i32
          %mul3A_259 = arith.muli %add3A_192, %mul3A_258 : i32
          %add3A_260 = arith.constant 7 : i32
          %add3A_261 = arith.addi %mul3A_259, %add3A_260 : i32
          %broadcast_in_dim3A_262 = vector.broadcast %add3A_261 : i32 to vector<16xi32>
          %gather3A_263 = tpu.vector_load_idx %arg19[%add3A_109, %broadcast_in_dim3A_262] : memref<32x128xf32, #tpu.memory_space<vmem>>[vector<16xi32>, vector<16xi32>], vector<16xf32>,
          %gather3A_264 = tpu.vector_load_idx %arg20[%add3A_109, %broadcast_in_dim3A_262] : memref<32x128xf32, #tpu.memory_space<vmem>>[vector<16xi32>, vector<16xi32>], vector<16xf32>,
          %add3A_265 = arith.addf %gather3A_263, %gather3A_264 : vector<16xf32>
          %mul3A_266 = arith.mulf %gather3A, %add3A_265 : vector<16xf32>
          tpu.vector_store_idx %arg19[%add3A_109, %broadcast_in_dim3A_262], %mul3A_266 : memref<32x128xf32, #tpu.memory_space<vmem>>[vector<16xi32>, vector<16xi32>], vector<16xf32>,
        }
        %scan3A_128 = arith.constant 16 : i32
        %add3A_129 = arith.constant 16 : i32
        %add3A_130 = vector.broadcast %add3A_129 : i32 to vector<16xi32>
        %add3A_131 = arith.addi %iota3A, %add3A_130 : vector<16xi32>
        %get3A_132 = arith.constant 16 : index
        %get3A_133 = tpu.vector_load %arg14[%get3A_132] {strides = array<i32>} : memref<32xi32, #tpu.memory_space<vmem>>, vector<16xi32>,
        %shift_right_logical3A_134 = arith.constant 3 : i32
        %shift_right_logical3A_135 = vector.broadcast %shift_right_logical3A_134 : i32 to vector<16xi32>
        %shift_right_logical3A_136 = arith.shrui %get3A_133, %shift_right_logical3A_135 : vector<16xi32>
        %swap3A_137 = arith.constant 16 : index
        %swap3A_138 = tpu.vector_load %arg15[%swap3A_137] {strides = array<i32>} : memref<32xi32, #tpu.memory_space<vmem>>, vector<16xi32>,
        tpu.vector_store %arg15[%swap3A_137], %shift_right_logical3A_136 {strides = array<i32>} : memref<32xi32, #tpu.memory_space<vmem>>, vector<16xi32>,
        %and3A_139 = arith.constant 7 : i32
        %and3A_140 = vector.broadcast %and3A_139 : i32 to vector<16xi32>
        %and3A_141 = arith.andi %get3A_133, %and3A_140 : vector<16xi32>
        %mul3A_142 = arith.constant 16 : i32
        %mul3A_143 = vector.broadcast %mul3A_142 : i32 to vector<16xi32>
        %mul3A_144 = arith.muli %and3A_141, %mul3A_143 : vector<16xi32>
        %scan3A_145 = arith.constant 0 : i32
        %scan3A_146 = arith.constant 16 : i32
        %scan3A_147 = arith.addi %scan3A_145, %scan3A_146 : i32
        %scan3A_148 = arith.constant 1 : i32
        scf.for %scan3A_188 = %scan3A_145 to %scan3A_147 step %scan3A_148  : i32 {
          %mul3A_189 = arith.constant 1 : i32
          %mul3A_190 = arith.muli %scan3A_188, %mul3A_189 : i32
          %add3A_191 = arith.constant 0 : i32
          %add3A_192 = arith.addi %add3A_191, %mul3A_190 : i32
          %broadcast_in_dim3A_193 = arith.constant 0.000000e+00 : f32
          %broadcast_in_dim3A_194 = vector.broadcast %broadcast_in_dim3A_193 : f32 to vector<16xf32>
          %mul3A_195 = arith.constant 8 : i32
          %mul3A_196 = arith.muli %add3A_192, %mul3A_195 : i32
          %add3A_197 = arith.constant 0 : i32
          %add3A_198 = arith.addi %mul3A_196, %add3A_197 : i32
          %broadcast_in_dim3A_199 = vector.broadcast %add3A_198 : i32 to vector<16xi32>
          %gather3A = tpu.vector_load_idx %arg16[%add3A_131, %broadcast_in_dim3A_199] : memref<32x128xf32, #tpu.memory_space<vmem>>[vector<16xi32>, vector<16xi32>], vector<16xf32>,
          %gather3A_200 = tpu.vector_load_idx %arg17[%add3A_131, %broadcast_in_dim3A_199] : memref<32x128xf32, #tpu.memory_space<vmem>>[vector<16xi32>, vector<16xi32>], vector<16xf32>,
          %gather3A_201 = tpu.vector_load_idx %arg18[%add3A_131, %broadcast_in_dim3A_199] : memref<32x128xf32, #tpu.memory_space<vmem>>[vector<16xi32>, vector<16xi32>], vector<16xf32>,
          %add3A_202 = arith.addf %gather3A_200, %gather3A_201 : vector<16xf32>
          %mul3A_203 = arith.mulf %gather3A, %add3A_202 : vector<16xf32>
          %add3A_204 = arith.addf %broadcast_in_dim3A_194, %mul3A_203 : vector<16xf32>
          %mul3A_205 = arith.constant 8 : i32
          %mul3A_206 = arith.muli %add3A_192, %mul3A_205 : i32
          %add3A_207 = arith.constant 1 : i32
          %add3A_208 = arith.addi %mul3A_206, %add3A_207 : i32
          %broadcast_in_dim3A_209 = vector.broadcast %add3A_208 : i32 to vector<16xi32>
          %gather3A_210 = tpu.vector_load_idx %arg16[%add3A_131, %broadcast_in_dim3A_209] : memref<32x128xf32, #tpu.memory_space<vmem>>[vector<16xi32>, vector<16xi32>], vector<16xf32>,
          %gather3A_211 = tpu.vector_load_idx %arg17[%add3A_131, %broadcast_in_dim3A_209] : memref<32x128xf32, #tpu.memory_space<vmem>>[vector<16xi32>, vector<16xi32>], vector<16xf32>,
          %gather3A_212 = tpu.vector_load_idx %arg18[%add3A_131, %broadcast_in_dim3A_209] : memref<32x128xf32, #tpu.memory_space<vmem>>[vector<16xi32>, vector<16xi32>], vector<16xf32>,
          %add3A_213 = arith.addf %gather3A_211, %gather3A_212 : vector<16xf32>
          %mul3A_214 = arith.mulf %gather3A_210, %add3A_213 : vector<16xf32>
          %add3A_215 = arith.addf %add3A_204, %mul3A_214 : vector<16xf32>
          %mul3A_216 = arith.constant 8 : i32
          %mul3A_217 = arith.muli %add3A_192, %mul3A_216 : i32
          %add3A_218 = arith.constant 2 : i32
          %add3A_219 = arith.addi %mul3A_217, %add3A_218 : i32
          %broadcast_in_dim3A_220 = vector.broadcast %add3A_219 : i32 to vector<16xi32>
          %gather3A_221 = tpu.vector_load_idx %arg16[%add3A_131, %broadcast_in_dim3A_220] : memref<32x128xf32, #tpu.memory_space<vmem>>[vector<16xi32>, vector<16xi32>], vector<16xf32>,
          %gather3A_222 = tpu.vector_load_idx %arg17[%add3A_131, %broadcast_in_dim3A_220] : memref<32x128xf32, #tpu.memory_space<vmem>>[vector<16xi32>, vector<16xi32>], vector<16xf32>,
          %gather3A_223 = tpu.vector_load_idx %arg18[%add3A_131, %broadcast_in_dim3A_220] : memref<32x128xf32, #tpu.memory_space<vmem>>[vector<16xi32>, vector<16xi32>], vector<16xf32>,
          %add3A_224 = arith.addf %gather3A_222, %gather3A_223 : vector<16xf32>
          %mul3A_225 = arith.mulf %gather3A_221, %add3A_224 : vector<16xf32>
          %add3A_226 = arith.addf %add3A_215, %mul3A_225 : vector<16xf32>
          %mul3A_227 = arith.constant 8 : i32
          %mul3A_228 = arith.muli %add3A_192, %mul3A_227 : i32
          %add3A_229 = arith.constant 3 : i32
          %add3A_230 = arith.addi %mul3A_228, %add3A_229 : i32
          %broadcast_in_dim3A_231 = vector.broadcast %add3A_230 : i32 to vector<16xi32>
          %gather3A_232 = tpu.vector_load_idx %arg16[%add3A_131, %broadcast_in_dim3A_231] : memref<32x128xf32, #tpu.memory_space<vmem>>[vector<16xi32>, vector<16xi32>], vector<16xf32>,
          %gather3A_233 = tpu.vector_load_idx %arg17[%add3A_131, %broadcast_in_dim3A_231] : memref<32x128xf32, #tpu.memory_space<vmem>>[vector<16xi32>, vector<16xi32>], vector<16xf32>,
          %gather3A_234 = tpu.vector_load_idx %arg18[%add3A_131, %broadcast_in_dim3A_231] : memref<32x128xf32, #tpu.memory_space<vmem>>[vector<16xi32>, vector<16xi32>], vector<16xf32>,
          %add3A_235 = arith.addf %gather3A_233, %gather3A_234 : vector<16xf32>
          %mul3A_236 = arith.mulf %gather3A_232, %add3A_235 : vector<16xf32>
          %add3A_237 = arith.addf %add3A_226, %mul3A_236 : vector<16xf32>
          %mul3A_238 = arith.constant 8 : i32
          %mul3A_239 = arith.muli %add3A_192, %mul3A_238 : i32
          %add3A_240 = arith.constant 4 : i32
          %add3A_241 = arith.addi %mul3A_239, %add3A_240 : i32
          %broadcast_in_dim3A_242 = vector.broadcast %add3A_241 : i32 to vector<16xi32>
          %gather3A_243 = tpu.vector_load_idx %arg16[%add3A_131, %broadcast_in_dim3A_242] : memref<32x128xf32, #tpu.memory_space<vmem>>[vector<16xi32>, vector<16xi32>], vector<16xf32>,
          %gather3A_244 = tpu.vector_load_idx %arg17[%add3A_131, %broadcast_in_dim3A_242] : memref<32x128xf32, #tpu.memory_space<vmem>>[vector<16xi32>, vector<16xi32>], vector<16xf32>,
          %gather3A_245 = tpu.vector_load_idx %arg18[%add3A_131, %broadcast_in_dim3A_242] : memref<32x128xf32, #tpu.memory_space<vmem>>[vector<16xi32>, vector<16xi32>], vector<16xf32>,
          %add3A_246 = arith.addf %gather3A_244, %gather3A_245 : vector<16xf32>
          %mul3A_247 = arith.mulf %gather3A_243, %add3A_246 : vector<16xf32>
          %add3A_248 = arith.addf %add3A_237, %mul3A_247 : vector<16xf32>
          %mul3A_249 = arith.constant 8 : i32
          %mul3A_250 = arith.muli %add3A_192, %mul3A_249 : i32
          %add3A_251 = arith.constant 5 : i32
          %add3A_252 = arith.addi %mul3A_250, %add3A_251 : i32
          %broadcast_in_dim3A_253 = vector.broadcast %add3A_252 : i32 to vector<16xi32>
          %gather3A_254 = tpu.vector_load_idx %arg16[%add3A_131, %broadcast_in_dim3A_253] : memref<32x128xf32, #tpu.memory_space<vmem>>[vector<16xi32>, vector<16xi32>], vector<16xf32>,
          %gather3A_255 = tpu.vector_load_idx %arg17[%add3A_131, %broadcast_in_dim3A_253] : memref<32x128xf32, #tpu.memory_space<vmem>>[vector<16xi32>, vector<16xi32>], vector<16xf32>,
          %gather3A_256 = tpu.vector_load_idx %arg18[%add3A_131, %broadcast_in_dim3A_253] : memref<32x128xf32, #tpu.memory_space<vmem>>[vector<16xi32>, vector<16xi32>], vector<16xf32>,
          %add3A_257 = arith.addf %gather3A_255, %gather3A_256 : vector<16xf32>
          %mul3A_258 = arith.mulf %gather3A_254, %add3A_257 : vector<16xf32>
          %add3A_259 = arith.addf %add3A_248, %mul3A_258 : vector<16xf32>
          %mul3A_260 = arith.constant 8 : i32
          %mul3A_261 = arith.muli %add3A_192, %mul3A_260 : i32
          %add3A_262 = arith.constant 6 : i32
          %add3A_263 = arith.addi %mul3A_261, %add3A_262 : i32
          %broadcast_in_dim3A_264 = vector.broadcast %add3A_263 : i32 to vector<16xi32>
          %gather3A_265 = tpu.vector_load_idx %arg16[%add3A_131, %broadcast_in_dim3A_264] : memref<32x128xf32, #tpu.memory_space<vmem>>[vector<16xi32>, vector<16xi32>], vector<16xf32>,
          %gather3A_266 = tpu.vector_load_idx %arg17[%add3A_131, %broadcast_in_dim3A_264] : memref<32x128xf32, #tpu.memory_space<vmem>>[vector<16xi32>, vector<16xi32>], vector<16xf32>,
          %gather3A_267 = tpu.vector_load_idx %arg18[%add3A_131, %broadcast_in_dim3A_264] : memref<32x128xf32, #tpu.memory_space<vmem>>[vector<16xi32>, vector<16xi32>], vector<16xf32>,
          %add3A_268 = arith.addf %gather3A_266, %gather3A_267 : vector<16xf32>
          %mul3A_269 = arith.mulf %gather3A_265, %add3A_268 : vector<16xf32>
          %add3A_270 = arith.addf %add3A_259, %mul3A_269 : vector<16xf32>
          %mul3A_271 = arith.constant 8 : i32
          %mul3A_272 = arith.muli %add3A_192, %mul3A_271 : i32
          %add3A_273 = arith.constant 7 : i32
          %add3A_274 = arith.addi %mul3A_272, %add3A_273 : i32
          %broadcast_in_dim3A_275 = vector.broadcast %add3A_274 : i32 to vector<16xi32>
          %gather3A_276 = tpu.vector_load_idx %arg16[%add3A_131, %broadcast_in_dim3A_275] : memref<32x128xf32, #tpu.memory_space<vmem>>[vector<16xi32>, vector<16xi32>], vector<16xf32>,
          %gather3A_277 = tpu.vector_load_idx %arg17[%add3A_131, %broadcast_in_dim3A_275] : memref<32x128xf32, #tpu.memory_space<vmem>>[vector<16xi32>, vector<16xi32>], vector<16xf32>,
          %gather3A_278 = tpu.vector_load_idx %arg18[%add3A_131, %broadcast_in_dim3A_275] : memref<32x128xf32, #tpu.memory_space<vmem>>[vector<16xi32>, vector<16xi32>], vector<16xf32>,
          %add3A_279 = arith.addf %gather3A_277, %gather3A_278 : vector<16xf32>
          %mul3A_280 = arith.mulf %gather3A_276, %add3A_279 : vector<16xf32>
          %add3A_281 = arith.addf %add3A_270, %mul3A_280 : vector<16xf32>
          %broadcast_in_dim3A_282 = vector.broadcast %add3A_192 : i32 to vector<16xi32>
          %mul3A_283 = arith.constant 0.353553385 : f32
          %mul3A_284 = vector.broadcast %mul3A_283 : f32 to vector<16xf32>
          %mul3A_285 = arith.mulf %add3A_281, %mul3A_284 : vector<16xf32>
          %gather3A_286 = tpu.vector_load_idx %arg21[%add3A_131, %broadcast_in_dim3A_282] : memref<32x16xf32, #tpu.memory_space<vmem>>[vector<16xi32>, vector<16xi32>], vector<16xf32>,
          %add3A_287 = arith.addf %mul3A_285, %gather3A_286 : vector<16xf32>
          %add3A_288 = vector.broadcast %add3A_192 : i32 to vector<16xi32>
          %add3A_289 = arith.addi %mul3A_144, %add3A_288 : vector<16xi32>
          %exp3A = math.exp %add3A_287 : vector<16xf32>
          tpu.vector_store_idx %arg22[%add3A_131, %add3A_289], %exp3A : memref<32x128xf32, #tpu.memory_space<vmem>>[vector<16xi32>, vector<16xi32>], vector<16xf32>,
        }
        %scan3A_149 = arith.constant 16 : i32
        %scan3A_150 = arith.constant 0 : i32
        %scan3A_151 = arith.constant 16 : i32
        %scan3A_152 = arith.addi %scan3A_150, %scan3A_151 : i32
        %scan3A_153 = arith.constant 1 : i32
        scf.for %scan3A_188 = %scan3A_150 to %scan3A_152 step %scan3A_153  : i32 {
          %mul3A_189 = arith.constant 1 : i32
          %mul3A_190 = arith.muli %scan3A_188, %mul3A_189 : i32
          %add3A_191 = arith.constant 0 : i32
          %add3A_192 = arith.addi %add3A_191, %mul3A_190 : i32
          %add3A_193 = vector.broadcast %add3A_192 : i32 to vector<16xi32>
          %add3A_194 = arith.addi %mul3A_144, %add3A_193 : vector<16xi32>
          %gather3A = tpu.vector_load_idx %arg22[%add3A_131, %add3A_194] : memref<32x128xf32, #tpu.memory_space<vmem>>[vector<16xi32>, vector<16xi32>], vector<16xf32>,
          %mul3A_195 = arith.constant 8 : i32
          %mul3A_196 = arith.muli %add3A_192, %mul3A_195 : i32
          %add3A_197 = arith.constant 0 : i32
          %add3A_198 = arith.addi %mul3A_196, %add3A_197 : i32
          %broadcast_in_dim3A_199 = vector.broadcast %add3A_198 : i32 to vector<16xi32>
          %gather3A_200 = tpu.vector_load_idx %arg19[%add3A_131, %broadcast_in_dim3A_199] : memref<32x128xf32, #tpu.memory_space<vmem>>[vector<16xi32>, vector<16xi32>], vector<16xf32>,
          %gather3A_201 = tpu.vector_load_idx %arg20[%add3A_131, %broadcast_in_dim3A_199] : memref<32x128xf32, #tpu.memory_space<vmem>>[vector<16xi32>, vector<16xi32>], vector<16xf32>,
          %add3A_202 = arith.addf %gather3A_200, %gather3A_201 : vector<16xf32>
          %mul3A_203 = arith.mulf %gather3A, %add3A_202 : vector<16xf32>
          tpu.vector_store_idx %arg19[%add3A_131, %broadcast_in_dim3A_199], %mul3A_203 : memref<32x128xf32, #tpu.memory_space<vmem>>[vector<16xi32>, vector<16xi32>], vector<16xf32>,
          %mul3A_204 = arith.constant 8 : i32
          %mul3A_205 = arith.muli %add3A_192, %mul3A_204 : i32
          %add3A_206 = arith.constant 1 : i32
          %add3A_207 = arith.addi %mul3A_205, %add3A_206 : i32
          %broadcast_in_dim3A_208 = vector.broadcast %add3A_207 : i32 to vector<16xi32>
          %gather3A_209 = tpu.vector_load_idx %arg19[%add3A_131, %broadcast_in_dim3A_208] : memref<32x128xf32, #tpu.memory_space<vmem>>[vector<16xi32>, vector<16xi32>], vector<16xf32>,
          %gather3A_210 = tpu.vector_load_idx %arg20[%add3A_131, %broadcast_in_dim3A_208] : memref<32x128xf32, #tpu.memory_space<vmem>>[vector<16xi32>, vector<16xi32>], vector<16xf32>,
          %add3A_211 = arith.addf %gather3A_209, %gather3A_210 : vector<16xf32>
          %mul3A_212 = arith.mulf %gather3A, %add3A_211 : vector<16xf32>
          tpu.vector_store_idx %arg19[%add3A_131, %broadcast_in_dim3A_208], %mul3A_212 : memref<32x128xf32, #tpu.memory_space<vmem>>[vector<16xi32>, vector<16xi32>], vector<16xf32>,
          %mul3A_213 = arith.constant 8 : i32
          %mul3A_214 = arith.muli %add3A_192, %mul3A_213 : i32
          %add3A_215 = arith.constant 2 : i32
          %add3A_216 = arith.addi %mul3A_214, %add3A_215 : i32
          %broadcast_in_dim3A_217 = vector.broadcast %add3A_216 : i32 to vector<16xi32>
          %gather3A_218 = tpu.vector_load_idx %arg19[%add3A_131, %broadcast_in_dim3A_217] : memref<32x128xf32, #tpu.memory_space<vmem>>[vector<16xi32>, vector<16xi32>], vector<16xf32>,
          %gather3A_219 = tpu.vector_load_idx %arg20[%add3A_131, %broadcast_in_dim3A_217] : memref<32x128xf32, #tpu.memory_space<vmem>>[vector<16xi32>, vector<16xi32>], vector<16xf32>,
          %add3A_220 = arith.addf %gather3A_218, %gather3A_219 : vector<16xf32>
          %mul3A_221 = arith.mulf %gather3A, %add3A_220 : vector<16xf32>
          tpu.vector_store_idx %arg19[%add3A_131, %broadcast_in_dim3A_217], %mul3A_221 : memref<32x128xf32, #tpu.memory_space<vmem>>[vector<16xi32>, vector<16xi32>], vector<16xf32>,
          %mul3A_222 = arith.constant 8 : i32
          %mul3A_223 = arith.muli %add3A_192, %mul3A_222 : i32
          %add3A_224 = arith.constant 3 : i32
          %add3A_225 = arith.addi %mul3A_223, %add3A_224 : i32
          %broadcast_in_dim3A_226 = vector.broadcast %add3A_225 : i32 to vector<16xi32>
          %gather3A_227 = tpu.vector_load_idx %arg19[%add3A_131, %broadcast_in_dim3A_226] : memref<32x128xf32, #tpu.memory_space<vmem>>[vector<16xi32>, vector<16xi32>], vector<16xf32>,
          %gather3A_228 = tpu.vector_load_idx %arg20[%add3A_131, %broadcast_in_dim3A_226] : memref<32x128xf32, #tpu.memory_space<vmem>>[vector<16xi32>, vector<16xi32>], vector<16xf32>,
          %add3A_229 = arith.addf %gather3A_227, %gather3A_228 : vector<16xf32>
          %mul3A_230 = arith.mulf %gather3A, %add3A_229 : vector<16xf32>
          tpu.vector_store_idx %arg19[%add3A_131, %broadcast_in_dim3A_226], %mul3A_230 : memref<32x128xf32, #tpu.memory_space<vmem>>[vector<16xi32>, vector<16xi32>], vector<16xf32>,
          %mul3A_231 = arith.constant 8 : i32
          %mul3A_232 = arith.muli %add3A_192, %mul3A_231 : i32
          %add3A_233 = arith.constant 4 : i32
          %add3A_234 = arith.addi %mul3A_232, %add3A_233 : i32
          %broadcast_in_dim3A_235 = vector.broadcast %add3A_234 : i32 to vector<16xi32>
          %gather3A_236 = tpu.vector_load_idx %arg19[%add3A_131, %broadcast_in_dim3A_235] : memref<32x128xf32, #tpu.memory_space<vmem>>[vector<16xi32>, vector<16xi32>], vector<16xf32>,
          %gather3A_237 = tpu.vector_load_idx %arg20[%add3A_131, %broadcast_in_dim3A_235] : memref<32x128xf32, #tpu.memory_space<vmem>>[vector<16xi32>, vector<16xi32>], vector<16xf32>,
          %add3A_238 = arith.addf %gather3A_236, %gather3A_237 : vector<16xf32>
          %mul3A_239 = arith.mulf %gather3A, %add3A_238 : vector<16xf32>
          tpu.vector_store_idx %arg19[%add3A_131, %broadcast_in_dim3A_235], %mul3A_239 : memref<32x128xf32, #tpu.memory_space<vmem>>[vector<16xi32>, vector<16xi32>], vector<16xf32>,
          %mul3A_240 = arith.constant 8 : i32
          %mul3A_241 = arith.muli %add3A_192, %mul3A_240 : i32
          %add3A_242 = arith.constant 5 : i32
          %add3A_243 = arith.addi %mul3A_241, %add3A_242 : i32
          %broadcast_in_dim3A_244 = vector.broadcast %add3A_243 : i32 to vector<16xi32>
          %gather3A_245 = tpu.vector_load_idx %arg19[%add3A_131, %broadcast_in_dim3A_244] : memref<32x128xf32, #tpu.memory_space<vmem>>[vector<16xi32>, vector<16xi32>], vector<16xf32>,
          %gather3A_246 = tpu.vector_load_idx %arg20[%add3A_131, %broadcast_in_dim3A_244] : memref<32x128xf32, #tpu.memory_space<vmem>>[vector<16xi32>, vector<16xi32>], vector<16xf32>,
          %add3A_247 = arith.addf %gather3A_245, %gather3A_246 : vector<16xf32>
          %mul3A_248 = arith.mulf %gather3A, %add3A_247 : vector<16xf32>
          tpu.vector_store_idx %arg19[%add3A_131, %broadcast_in_dim3A_244], %mul3A_248 : memref<32x128xf32, #tpu.memory_space<vmem>>[vector<16xi32>, vector<16xi32>], vector<16xf32>,
          %mul3A_249 = arith.constant 8 : i32
          %mul3A_250 = arith.muli %add3A_192, %mul3A_249 : i32
          %add3A_251 = arith.constant 6 : i32
          %add3A_252 = arith.addi %mul3A_250, %add3A_251 : i32
          %broadcast_in_dim3A_253 = vector.broadcast %add3A_252 : i32 to vector<16xi32>
          %gather3A_254 = tpu.vector_load_idx %arg19[%add3A_131, %broadcast_in_dim3A_253] : memref<32x128xf32, #tpu.memory_space<vmem>>[vector<16xi32>, vector<16xi32>], vector<16xf32>,
          %gather3A_255 = tpu.vector_load_idx %arg20[%add3A_131, %broadcast_in_dim3A_253] : memref<32x128xf32, #tpu.memory_space<vmem>>[vector<16xi32>, vector<16xi32>], vector<16xf32>,
          %add3A_256 = arith.addf %gather3A_254, %gather3A_255 : vector<16xf32>
          %mul3A_257 = arith.mulf %gather3A, %add3A_256 : vector<16xf32>
          tpu.vector_store_idx %arg19[%add3A_131, %broadcast_in_dim3A_253], %mul3A_257 : memref<32x128xf32, #tpu.memory_space<vmem>>[vector<16xi32>, vector<16xi32>], vector<16xf32>,
          %mul3A_258 = arith.constant 8 : i32
          %mul3A_259 = arith.muli %add3A_192, %mul3A_258 : i32
          %add3A_260 = arith.constant 7 : i32
          %add3A_261 = arith.addi %mul3A_259, %add3A_260 : i32
          %broadcast_in_dim3A_262 = vector.broadcast %add3A_261 : i32 to vector<16xi32>
          %gather3A_263 = tpu.vector_load_idx %arg19[%add3A_131, %broadcast_in_dim3A_262] : memref<32x128xf32, #tpu.memory_space<vmem>>[vector<16xi32>, vector<16xi32>], vector<16xf32>,
          %gather3A_264 = tpu.vector_load_idx %arg20[%add3A_131, %broadcast_in_dim3A_262] : memref<32x128xf32, #tpu.memory_space<vmem>>[vector<16xi32>, vector<16xi32>], vector<16xf32>,
          %add3A_265 = arith.addf %gather3A_263, %gather3A_264 : vector<16xf32>
          %mul3A_266 = arith.mulf %gather3A, %add3A_265 : vector<16xf32>
          tpu.vector_store_idx %arg19[%add3A_131, %broadcast_in_dim3A_262], %mul3A_266 : memref<32x128xf32, #tpu.memory_space<vmem>>[vector<16xi32>, vector<16xi32>], vector<16xf32>,
        }
        %scan3A_154 = arith.constant 16 : i32
        "tpu.region"() ({
          %run_scoped3A = tpu.sem_alloc : memref<!tpu.dma_semaphore, #tpu.memory_space<semaphore_mem>>
          %dma_start3A_188 = arith.constant 0 : i32
          %dma_start3A_189 = arith.constant 0 : i32
          %dma_start3A_190 = tpu.memref_slice %arg24[%dma_start3A_188, %dma_start3A_189] : memref<1280x128xf32, #tpu.memory_space<vmem_shared>> -> memref<1280x128xf32, #tpu.memory_space<vmem_shared>>
          tpu.enqueue_indirect_dma source(%arg22 : memref<32x128xf32, #tpu.memory_space<vmem>>) target(%dma_start3A_190 : memref<1280x128xf32, #tpu.memory_space<vmem_shared>>) offsets(%arg15 : memref<32xi32, #tpu.memory_space<vmem>>) semaphore(%run_scoped3A : memref<!tpu.dma_semaphore, #tpu.memory_space<semaphore_mem>>) {add = true}
          %dma_wait3A_191 = arith.constant 0 : i32
          %dma_wait3A_192 = arith.constant 0 : i32
          %dma_wait3A_193 = tpu.memref_slice %arg24[%dma_wait3A_191, %dma_wait3A_192] : memref<1280x128xf32, #tpu.memory_space<vmem_shared>> -> memref<1280x128xf32, #tpu.memory_space<vmem_shared>>
          tpu.wait_indirect_dma semaphore(%run_scoped3A : memref<!tpu.dma_semaphore, #tpu.memory_space<semaphore_mem>>) src(%arg22 : memref<32x128xf32, #tpu.memory_space<vmem>>) dst(%dma_wait3A_193 : memref<1280x128xf32, #tpu.memory_space<vmem_shared>>)
          tpu.yield
        }) : () -> ()
        "tpu.region"() ({
          %run_scoped3A = tpu.sem_alloc : memref<!tpu.dma_semaphore, #tpu.memory_space<semaphore_mem>>
          %dma_start3A_188 = arith.constant 0 : i32
          %dma_start3A_189 = arith.constant 0 : i32
          %dma_start3A_190 = tpu.memref_slice %arg23[%dma_start3A_188, %dma_start3A_189] : memref<10000x128xf32, #tpu.memory_space<vmem_shared>> -> memref<10000x128xf32, #tpu.memory_space<vmem_shared>>
          tpu.enqueue_indirect_dma source(%arg19 : memref<32x128xf32, #tpu.memory_space<vmem>>) target(%dma_start3A_190 : memref<10000x128xf32, #tpu.memory_space<vmem_shared>>) offsets(%arg14 : memref<32xi32, #tpu.memory_space<vmem>>) semaphore(%run_scoped3A : memref<!tpu.dma_semaphore, #tpu.memory_space<semaphore_mem>>) {add = true}
          %dma_wait3A_191 = arith.constant 0 : i32
          %dma_wait3A_192 = arith.constant 0 : i32
          %dma_wait3A_193 = tpu.memref_slice %arg23[%dma_wait3A_191, %dma_wait3A_192] : memref<10000x128xf32, #tpu.memory_space<vmem_shared>> -> memref<10000x128xf32, #tpu.memory_space<vmem_shared>>
          tpu.wait_indirect_dma semaphore(%run_scoped3A : memref<!tpu.dma_semaphore, #tpu.memory_space<semaphore_mem>>) src(%arg19 : memref<32x128xf32, #tpu.memory_space<vmem>>) dst(%dma_wait3A_193 : memref<10000x128xf32, #tpu.memory_space<vmem_shared>>)
          tpu.yield
        }) : () -> ()
        %broadcast_in_dim3A = arith.constant 0.000000e+00 : f32
        %broadcast_in_dim3A_155 = vector.broadcast %broadcast_in_dim3A : f32 to vector<16xf32>
        %add3A_156 = arith.constant 0 : i32
        %add3A_157 = vector.broadcast %add3A_156 : i32 to vector<16xi32>
        %add3A_158 = arith.addi %iota3A, %add3A_157 : vector<16xi32>
        %get3A_159 = arith.constant 0 : index
        %get3A_160 = tpu.vector_load %arg14[%get3A_159] {strides = array<i32>} : memref<32xi32, #tpu.memory_space<vmem>>, vector<16xi32>,
        %and3A_161 = arith.constant 7 : i32
        %and3A_162 = vector.broadcast %and3A_161 : i32 to vector<16xi32>
        %and3A_163 = arith.andi %get3A_160, %and3A_162 : vector<16xi32>
        %mul3A_164 = arith.constant 16 : i32
        %mul3A_165 = vector.broadcast %mul3A_164 : i32 to vector<16xi32>
        %mul3A_166 = arith.muli %and3A_163, %mul3A_165 : vector<16xi32>
        %scan3A_167 = arith.constant 0 : i32
        %scan3A_168 = arith.constant 16 : i32
        %scan3A_169 = arith.addi %scan3A_167, %scan3A_168 : i32
        %scan3A_170 = arith.constant 1 : i32
        scf.for %scan3A_188 = %scan3A_167 to %scan3A_169 step %scan3A_170  : i32 {
          %mul3A_189 = arith.constant 1 : i32
          %mul3A_190 = arith.muli %scan3A_188, %mul3A_189 : i32
          %add3A_191 = arith.constant 0 : i32
          %add3A_192 = arith.addi %add3A_191, %mul3A_190 : i32
          %add3A_193 = vector.broadcast %add3A_192 : i32 to vector<16xi32>
          %add3A_194 = arith.addi %mul3A_166, %add3A_193 : vector<16xi32>
          tpu.vector_store_idx %arg22[%add3A_158, %add3A_194], %broadcast_in_dim3A_155 : memref<32x128xf32, #tpu.memory_space<vmem>>[vector<16xi32>, vector<16xi32>], vector<16xf32>,
        }
        %scan3A_171 = arith.constant 16 : i32
        %add3A_172 = arith.constant 16 : i32
        %add3A_173 = vector.broadcast %add3A_172 : i32 to vector<16xi32>
        %add3A_174 = arith.addi %iota3A, %add3A_173 : vector<16xi32>
        %get3A_175 = arith.constant 16 : index
        %get3A_176 = tpu.vector_load %arg14[%get3A_175] {strides = array<i32>} : memref<32xi32, #tpu.memory_space<vmem>>, vector<16xi32>,
        %and3A_177 = arith.constant 7 : i32
        %and3A_178 = vector.broadcast %and3A_177 : i32 to vector<16xi32>
        %and3A_179 = arith.andi %get3A_176, %and3A_178 : vector<16xi32>
        %mul3A_180 = arith.constant 16 : i32
        %mul3A_181 = vector.broadcast %mul3A_180 : i32 to vector<16xi32>
        %mul3A_182 = arith.muli %and3A_179, %mul3A_181 : vector<16xi32>
        %scan3A_183 = arith.constant 0 : i32
        %scan3A_184 = arith.constant 16 : i32
        %scan3A_185 = arith.addi %scan3A_183, %scan3A_184 : i32
        %scan3A_186 = arith.constant 1 : i32
        scf.for %scan3A_188 = %scan3A_183 to %scan3A_185 step %scan3A_186  : i32 {
          %mul3A_189 = arith.constant 1 : i32
          %mul3A_190 = arith.muli %scan3A_188, %mul3A_189 : i32
          %add3A_191 = arith.constant 0 : i32
          %add3A_192 = arith.addi %add3A_191, %mul3A_190 : i32
          %add3A_193 = vector.broadcast %add3A_192 : i32 to vector<16xi32>
          %add3A_194 = arith.addi %mul3A_182, %add3A_193 : vector<16xi32>
          tpu.vector_store_idx %arg22[%add3A_174, %add3A_194], %broadcast_in_dim3A_155 : memref<32x128xf32, #tpu.memory_space<vmem>>[vector<16xi32>, vector<16xi32>], vector<16xf32>,
        }
        %scan3A_187 = arith.constant 16 : i32
      } else {
      }
    }
    %scan3A_35 = arith.constant 313 : i32
    %barrier3A_36 = arith.constant 0 : index
    tpu.barrier barrier_id(%barrier3A_36)
    %scan3A_37 = arith.constant 0 : i32
    %scan3A_38 = arith.constant 39 : i32
    %scan3A_39 = arith.addi %scan3A_37, %scan3A_38 : i32
    %scan3A_40 = arith.constant 1 : i32
    scf.for %scan3A_77 = %scan3A_37 to %scan3A_39 step %scan3A_40  : i32 {
      %mul3A_78 = arith.constant 1 : i32
      %mul3A_79 = arith.muli %scan3A_77, %mul3A_78 : i32
      %add3A_80 = arith.constant 0 : i32
      %add3A_81 = arith.addi %add3A_80, %mul3A_79 : i32
      %mul3A_82 = arith.constant 16 : i32
      %mul3A_83 = arith.muli %add3A_81, %mul3A_82 : i32
      %add3A_84 = arith.addi %mul3A_2, %mul3A_83 : i32
      %add3A_85 = vector.broadcast %add3A_84 : i32 to vector<16xi32>
      %add3A_86 = arith.addi %iota3A, %add3A_85 : vector<16xi32>
      "tpu.region"() ({
        %run_scoped3A = tpu.sem_alloc : memref<!tpu.dma_semaphore, #tpu.memory_space<semaphore_mem>>
        %dma_start3A = arith.constant 0 : i32
        %dma_start3A_90 = arith.constant 0 : i32
        %dma_start3A_91 = tpu.memref_slice %arg16[%dma_start3A, %dma_start3A_90] : memref<32x128xf32, #tpu.memory_space<vmem>> -> memref<16x128xf32, #tpu.memory_space<vmem>>
        %dma_start3A_92 = arith.constant 0 : i32
        %dma_start3A_93 = arith.constant 0 : i32
        %dma_start3A_94 = tpu.memref_slice %arg23[%dma_start3A_92, %dma_start3A_93] : memref<10000x128xf32, #tpu.memory_space<vmem_shared>> -> memref<10000x128xf32, #tpu.memory_space<vmem_shared>>
        tpu.enqueue_indirect_dma source(%dma_start3A_94 : memref<10000x128xf32, #tpu.memory_space<vmem_shared>>) target(%dma_start3A_91 : memref<16x128xf32, #tpu.memory_space<vmem>>) offsets(%add3A_86 : vector<16xi32>) semaphore(%run_scoped3A : memref<!tpu.dma_semaphore, #tpu.memory_space<semaphore_mem>>)
        %dma_wait3A = arith.constant 0 : i32
        %dma_wait3A_95 = arith.constant 0 : i32
        %dma_wait3A_96 = tpu.memref_slice %arg16[%dma_wait3A, %dma_wait3A_95] : memref<32x128xf32, #tpu.memory_space<vmem>> -> memref<16x128xf32, #tpu.memory_space<vmem>>
        %dma_wait3A_97 = arith.constant 0 : i32
        %dma_wait3A_98 = arith.constant 0 : i32
        %dma_wait3A_99 = tpu.memref_slice %arg23[%dma_wait3A_97, %dma_wait3A_98] : memref<10000x128xf32, #tpu.memory_space<vmem_shared>> -> memref<10000x128xf32, #tpu.memory_space<vmem_shared>>
        tpu.wait_indirect_dma semaphore(%run_scoped3A : memref<!tpu.dma_semaphore, #tpu.memory_space<semaphore_mem>>) src(%dma_wait3A_99 : memref<10000x128xf32, #tpu.memory_space<vmem_shared>>) dst(%dma_wait3A_96 : memref<16x128xf32, #tpu.memory_space<vmem>>)
        tpu.yield
      }) : () -> ()
      %mul3A_87 = arith.constant 16 : i32
      %mul3A_88 = arith.muli %add3A_81, %mul3A_87 : i32
      %add3A_89 = arith.addi %mul3A_2, %mul3A_88 : i32
      "tpu.region"() ({
        %run_scoped3A = tpu.sem_alloc : memref<!tpu.dma_semaphore, #tpu.memory_space<semaphore_mem>>
        %dma_start3A = arith.constant 0 : i32
        %dma_start3A_90 = arith.constant 0 : i32
        %dma_start3A_91 = tpu.memref_slice %arg16[%dma_start3A, %dma_start3A_90] : memref<32x128xf32, #tpu.memory_space<vmem>> -> memref<16x128xf32, #tpu.memory_space<vmem>>
        %dma_start3A_92 = arith.constant 0 : i32
        %dma_start3A_93 = tpu.memref_slice %arg11[%arg0, %add3A_89, %dma_start3A_92] : memref<2x10000x128xf32, #tpu.memory_space<hbm>> -> memref<1x16x128xf32, #tpu.memory_space<hbm>>
        %dma_start3A_94 = tpu.memref_squeeze %dma_start3A_93 : memref<1x16x128xf32, #tpu.memory_space<hbm>> -> memref<16x128xf32, #tpu.memory_space<hbm>>
        %dma_start3A_95 = arith.constant 0 : i32
        %dma_start3A_96 = tpu.memref_slice %arg11[%arg0, %add3A_89, %dma_start3A_95] : memref<2x10000x128xf32, #tpu.memory_space<hbm>> -> memref<1x16x128xf32, #tpu.memory_space<hbm>>
        %dma_start3A_97 = tpu.memref_squeeze %dma_start3A_96 : memref<1x16x128xf32, #tpu.memory_space<hbm>> -> memref<16x128xf32, #tpu.memory_space<hbm>>
        %dma_start3A_98 = arith.constant 0 : i32
        %dma_start3A_99 = arith.constant 0 : i32
        %dma_start3A_100 = tpu.memref_slice %arg16[%dma_start3A_98, %dma_start3A_99] : memref<32x128xf32, #tpu.memory_space<vmem>> -> memref<16x128xf32, #tpu.memory_space<vmem>>
        tpu.enqueue_dma source(%dma_start3A_100 : memref<16x128xf32, #tpu.memory_space<vmem>>) target(%dma_start3A_97 : memref<16x128xf32, #tpu.memory_space<hbm>>) target_semaphore(%run_scoped3A : memref<!tpu.dma_semaphore, #tpu.memory_space<semaphore_mem>>)
        %dma_wait3A = arith.constant 0 : i32
        %dma_wait3A_101 = arith.constant 0 : i32
        %dma_wait3A_102 = tpu.memref_slice %arg16[%dma_wait3A, %dma_wait3A_101] : memref<32x128xf32, #tpu.memory_space<vmem>> -> memref<16x128xf32, #tpu.memory_space<vmem>>
        %dma_wait3A_103 = arith.constant 0 : i32
        %dma_wait3A_104 = tpu.memref_slice %arg11[%arg0, %add3A_89, %dma_wait3A_103] : memref<2x10000x128xf32, #tpu.memory_space<hbm>> -> memref<1x16x128xf32, #tpu.memory_space<hbm>>
        %dma_wait3A_105 = tpu.memref_squeeze %dma_wait3A_104 : memref<1x16x128xf32, #tpu.memory_space<hbm>> -> memref<16x128xf32, #tpu.memory_space<hbm>>
        %dma_wait3A_106 = arith.constant 0 : i32
        %dma_wait3A_107 = tpu.memref_slice %arg11[%arg0, %add3A_89, %dma_wait3A_106] : memref<2x10000x128xf32, #tpu.memory_space<hbm>> -> memref<1x16x128xf32, #tpu.memory_space<hbm>>
        %dma_wait3A_108 = tpu.memref_squeeze %dma_wait3A_107 : memref<1x16x128xf32, #tpu.memory_space<hbm>> -> memref<16x128xf32, #tpu.memory_space<hbm>>
        %dma_wait3A_109 = arith.constant 0 : i32
        %dma_wait3A_110 = arith.constant 0 : i32
        %dma_wait3A_111 = tpu.memref_slice %arg16[%dma_wait3A_109, %dma_wait3A_110] : memref<32x128xf32, #tpu.memory_space<vmem>> -> memref<16x128xf32, #tpu.memory_space<vmem>>
        tpu.wait_dma2 semaphore(%run_scoped3A : memref<!tpu.dma_semaphore, #tpu.memory_space<semaphore_mem>>) src(%dma_wait3A_111 : memref<16x128xf32, #tpu.memory_space<vmem>>) dst(%dma_wait3A_108 : memref<16x128xf32, #tpu.memory_space<hbm>>)
        tpu.yield
      }) : () -> ()
    }
    %scan3A_41 = arith.constant 39 : i32
    %eq3A_42 = arith.constant 15 : i32
    %eq3A_43 = arith.cmpi eq, %arg1, %eq3A_42 : i32
    %convert_element_type3A_44 = arith.extui %eq3A_43 : i1 to i32
    %cond3A_45 = arith.constant 0 : i32
    %cond3A_46 = arith.cmpi ne, %convert_element_type3A_44, %cond3A_45 : i32
    scf.if %cond3A_46 {
      %add3A_77 = arith.constant 9984 : i32
      %add3A_78 = vector.broadcast %add3A_77 : i32 to vector<16xi32>
      %add3A_79 = arith.addi %iota3A, %add3A_78 : vector<16xi32>
      "tpu.region"() ({
        %run_scoped3A = tpu.sem_alloc : memref<!tpu.dma_semaphore, #tpu.memory_space<semaphore_mem>>
        %dma_start3A = arith.constant 0 : i32
        %dma_start3A_80 = arith.constant 0 : i32
        %dma_start3A_81 = tpu.memref_slice %arg16[%dma_start3A, %dma_start3A_80] : memref<32x128xf32, #tpu.memory_space<vmem>> -> memref<16x128xf32, #tpu.memory_space<vmem>>
        %dma_start3A_82 = arith.constant 0 : i32
        %dma_start3A_83 = arith.constant 0 : i32
        %dma_start3A_84 = tpu.memref_slice %arg23[%dma_start3A_82, %dma_start3A_83] : memref<10000x128xf32, #tpu.memory_space<vmem_shared>> -> memref<10000x128xf32, #tpu.memory_space<vmem_shared>>
        tpu.enqueue_indirect_dma source(%dma_start3A_84 : memref<10000x128xf32, #tpu.memory_space<vmem_shared>>) target(%dma_start3A_81 : memref<16x128xf32, #tpu.memory_space<vmem>>) offsets(%add3A_79 : vector<16xi32>) semaphore(%run_scoped3A : memref<!tpu.dma_semaphore, #tpu.memory_space<semaphore_mem>>)
        %dma_wait3A = arith.constant 0 : i32
        %dma_wait3A_85 = arith.constant 0 : i32
        %dma_wait3A_86 = tpu.memref_slice %arg16[%dma_wait3A, %dma_wait3A_85] : memref<32x128xf32, #tpu.memory_space<vmem>> -> memref<16x128xf32, #tpu.memory_space<vmem>>
        %dma_wait3A_87 = arith.constant 0 : i32
        %dma_wait3A_88 = arith.constant 0 : i32
        %dma_wait3A_89 = tpu.memref_slice %arg23[%dma_wait3A_87, %dma_wait3A_88] : memref<10000x128xf32, #tpu.memory_space<vmem_shared>> -> memref<10000x128xf32, #tpu.memory_space<vmem_shared>>
        tpu.wait_indirect_dma semaphore(%run_scoped3A : memref<!tpu.dma_semaphore, #tpu.memory_space<semaphore_mem>>) src(%dma_wait3A_89 : memref<10000x128xf32, #tpu.memory_space<vmem_shared>>) dst(%dma_wait3A_86 : memref<16x128xf32, #tpu.memory_space<vmem>>)
        tpu.yield
      }) : () -> ()
      "tpu.region"() ({
        %run_scoped3A = tpu.sem_alloc : memref<!tpu.dma_semaphore, #tpu.memory_space<semaphore_mem>>
        %dma_start3A = arith.constant 0 : i32
        %dma_start3A_80 = arith.constant 0 : i32
        %dma_start3A_81 = tpu.memref_slice %arg16[%dma_start3A, %dma_start3A_80] : memref<32x128xf32, #tpu.memory_space<vmem>> -> memref<16x128xf32, #tpu.memory_space<vmem>>
        %dma_start3A_82 = arith.constant 9984 : i32
        %dma_start3A_83 = arith.constant 0 : i32
        %dma_start3A_84 = tpu.memref_slice %arg11[%arg0, %dma_start3A_82, %dma_start3A_83] : memref<2x10000x128xf32, #tpu.memory_space<hbm>> -> memref<1x16x128xf32, #tpu.memory_space<hbm>>
        %dma_start3A_85 = tpu.memref_squeeze %dma_start3A_84 : memref<1x16x128xf32, #tpu.memory_space<hbm>> -> memref<16x128xf32, #tpu.memory_space<hbm>>
        %dma_start3A_86 = arith.constant 9984 : i32
        %dma_start3A_87 = arith.constant 0 : i32
        %dma_start3A_88 = tpu.memref_slice %arg11[%arg0, %dma_start3A_86, %dma_start3A_87] : memref<2x10000x128xf32, #tpu.memory_space<hbm>> -> memref<1x16x128xf32, #tpu.memory_space<hbm>>
        %dma_start3A_89 = tpu.memref_squeeze %dma_start3A_88 : memref<1x16x128xf32, #tpu.memory_space<hbm>> -> memref<16x128xf32, #tpu.memory_space<hbm>>
        %dma_start3A_90 = arith.constant 0 : i32
        %dma_start3A_91 = arith.constant 0 : i32
        %dma_start3A_92 = tpu.memref_slice %arg16[%dma_start3A_90, %dma_start3A_91] : memref<32x128xf32, #tpu.memory_space<vmem>> -> memref<16x128xf32, #tpu.memory_space<vmem>>
        tpu.enqueue_dma source(%dma_start3A_92 : memref<16x128xf32, #tpu.memory_space<vmem>>) target(%dma_start3A_89 : memref<16x128xf32, #tpu.memory_space<hbm>>) target_semaphore(%run_scoped3A : memref<!tpu.dma_semaphore, #tpu.memory_space<semaphore_mem>>)
        %dma_wait3A = arith.constant 0 : i32
        %dma_wait3A_93 = arith.constant 0 : i32
        %dma_wait3A_94 = tpu.memref_slice %arg16[%dma_wait3A, %dma_wait3A_93] : memref<32x128xf32, #tpu.memory_space<vmem>> -> memref<16x128xf32, #tpu.memory_space<vmem>>
        %dma_wait3A_95 = arith.constant 9984 : i32
        %dma_wait3A_96 = arith.constant 0 : i32
        %dma_wait3A_97 = tpu.memref_slice %arg11[%arg0, %dma_wait3A_95, %dma_wait3A_96] : memref<2x10000x128xf32, #tpu.memory_space<hbm>> -> memref<1x16x128xf32, #tpu.memory_space<hbm>>
        %dma_wait3A_98 = tpu.memref_squeeze %dma_wait3A_97 : memref<1x16x128xf32, #tpu.memory_space<hbm>> -> memref<16x128xf32, #tpu.memory_space<hbm>>
        %dma_wait3A_99 = arith.constant 9984 : i32
        %dma_wait3A_100 = arith.constant 0 : i32
        %dma_wait3A_101 = tpu.memref_slice %arg11[%arg0, %dma_wait3A_99, %dma_wait3A_100] : memref<2x10000x128xf32, #tpu.memory_space<hbm>> -> memref<1x16x128xf32, #tpu.memory_space<hbm>>
        %dma_wait3A_102 = tpu.memref_squeeze %dma_wait3A_101 : memref<1x16x128xf32, #tpu.memory_space<hbm>> -> memref<16x128xf32, #tpu.memory_space<hbm>>
        %dma_wait3A_103 = arith.constant 0 : i32
        %dma_wait3A_104 = arith.constant 0 : i32
        %dma_wait3A_105 = tpu.memref_slice %arg16[%dma_wait3A_103, %dma_wait3A_104] : memref<32x128xf32, #tpu.memory_space<vmem>> -> memref<16x128xf32, #tpu.memory_space<vmem>>
        tpu.wait_dma2 semaphore(%run_scoped3A : memref<!tpu.dma_semaphore, #tpu.memory_space<semaphore_mem>>) src(%dma_wait3A_105 : memref<16x128xf32, #tpu.memory_space<vmem>>) dst(%dma_wait3A_102 : memref<16x128xf32, #tpu.memory_space<hbm>>)
        tpu.yield
      }) : () -> ()
    } else {
    }
    %add3A_47 = arith.constant 0 : i32
    %add3A_48 = arith.addi %mul3A_10, %add3A_47 : i32
    %add3A_49 = vector.broadcast %add3A_48 : i32 to vector<16xi32>
    %add3A_50 = arith.addi %iota3A, %add3A_49 : vector<16xi32>
    "tpu.region"() ({
      %run_scoped3A = tpu.sem_alloc : memref<!tpu.dma_semaphore, #tpu.memory_space<semaphore_mem>>
      %dma_start3A = arith.constant 0 : i32
      %dma_start3A_77 = arith.constant 0 : i32
      %dma_start3A_78 = tpu.memref_slice %arg17[%dma_start3A, %dma_start3A_77] : memref<32x128xf32, #tpu.memory_space<vmem>> -> memref<16x128xf32, #tpu.memory_space<vmem>>
      %dma_start3A_79 = arith.constant 0 : i32
      %dma_start3A_80 = arith.constant 0 : i32
      %dma_start3A_81 = tpu.memref_slice %arg24[%dma_start3A_79, %dma_start3A_80] : memref<1280x128xf32, #tpu.memory_space<vmem_shared>> -> memref<1280x128xf32, #tpu.memory_space<vmem_shared>>
      tpu.enqueue_indirect_dma source(%dma_start3A_81 : memref<1280x128xf32, #tpu.memory_space<vmem_shared>>) target(%dma_start3A_78 : memref<16x128xf32, #tpu.memory_space<vmem>>) offsets(%add3A_50 : vector<16xi32>) semaphore(%run_scoped3A : memref<!tpu.dma_semaphore, #tpu.memory_space<semaphore_mem>>)
      %dma_wait3A = arith.constant 0 : i32
      %dma_wait3A_82 = arith.constant 0 : i32
      %dma_wait3A_83 = tpu.memref_slice %arg17[%dma_wait3A, %dma_wait3A_82] : memref<32x128xf32, #tpu.memory_space<vmem>> -> memref<16x128xf32, #tpu.memory_space<vmem>>
      %dma_wait3A_84 = arith.constant 0 : i32
      %dma_wait3A_85 = arith.constant 0 : i32
      %dma_wait3A_86 = tpu.memref_slice %arg24[%dma_wait3A_84, %dma_wait3A_85] : memref<1280x128xf32, #tpu.memory_space<vmem_shared>> -> memref<1280x128xf32, #tpu.memory_space<vmem_shared>>
      tpu.wait_indirect_dma semaphore(%run_scoped3A : memref<!tpu.dma_semaphore, #tpu.memory_space<semaphore_mem>>) src(%dma_wait3A_86 : memref<1280x128xf32, #tpu.memory_space<vmem_shared>>) dst(%dma_wait3A_83 : memref<16x128xf32, #tpu.memory_space<vmem>>)
      tpu.yield
    }) : () -> ()
    %add3A_51 = arith.constant 0 : i32
    %add3A_52 = arith.addi %mul3A_10, %add3A_51 : i32
    "tpu.region"() ({
      %run_scoped3A = tpu.sem_alloc : memref<!tpu.dma_semaphore, #tpu.memory_space<semaphore_mem>>
      %dma_start3A = arith.constant 0 : i32
      %dma_start3A_77 = arith.constant 0 : i32
      %dma_start3A_78 = tpu.memref_slice %arg17[%dma_start3A, %dma_start3A_77] : memref<32x128xf32, #tpu.memory_space<vmem>> -> memref<16x128xf32, #tpu.memory_space<vmem>>
      %dma_start3A_79 = arith.constant 0 : i32
      %dma_start3A_80 = tpu.memref_slice %arg12[%arg0, %add3A_52, %dma_start3A_79] : memref<2x1280x128xf32, #tpu.memory_space<hbm>> -> memref<1x16x128xf32, #tpu.memory_space<hbm>>
      %dma_start3A_81 = tpu.memref_squeeze %dma_start3A_80 : memref<1x16x128xf32, #tpu.memory_space<hbm>> -> memref<16x128xf32, #tpu.memory_space<hbm>>
      %dma_start3A_82 = arith.constant 0 : i32
      %dma_start3A_83 = tpu.memref_slice %arg12[%arg0, %add3A_52, %dma_start3A_82] : memref<2x1280x128xf32, #tpu.memory_space<hbm>> -> memref<1x16x128xf32, #tpu.memory_space<hbm>>
      %dma_start3A_84 = tpu.memref_squeeze %dma_start3A_83 : memref<1x16x128xf32, #tpu.memory_space<hbm>> -> memref<16x128xf32, #tpu.memory_space<hbm>>
      %dma_start3A_85 = arith.constant 0 : i32
      %dma_start3A_86 = arith.constant 0 : i32
      %dma_start3A_87 = tpu.memref_slice %arg17[%dma_start3A_85, %dma_start3A_86] : memref<32x128xf32, #tpu.memory_space<vmem>> -> memref<16x128xf32, #tpu.memory_space<vmem>>
      tpu.enqueue_dma source(%dma_start3A_87 : memref<16x128xf32, #tpu.memory_space<vmem>>) target(%dma_start3A_84 : memref<16x128xf32, #tpu.memory_space<hbm>>) target_semaphore(%run_scoped3A : memref<!tpu.dma_semaphore, #tpu.memory_space<semaphore_mem>>)
      %dma_wait3A = arith.constant 0 : i32
      %dma_wait3A_88 = arith.constant 0 : i32
      %dma_wait3A_89 = tpu.memref_slice %arg17[%dma_wait3A, %dma_wait3A_88] : memref<32x128xf32, #tpu.memory_space<vmem>> -> memref<16x128xf32, #tpu.memory_space<vmem>>
      %dma_wait3A_90 = arith.constant 0 : i32
      %dma_wait3A_91 = tpu.memref_slice %arg12[%arg0, %add3A_52, %dma_wait3A_90] : memref<2x1280x128xf32, #tpu.memory_space<hbm>> -> memref<1x16x128xf32, #tpu.memory_space<hbm>>
      %dma_wait3A_92 = tpu.memref_squeeze %dma_wait3A_91 : memref<1x16x128xf32, #tpu.memory_space<hbm>> -> memref<16x128xf32, #tpu.memory_space<hbm>>
      %dma_wait3A_93 = arith.constant 0 : i32
      %dma_wait3A_94 = tpu.memref_slice %arg12[%arg0, %add3A_52, %dma_wait3A_93] : memref<2x1280x128xf32, #tpu.memory_space<hbm>> -> memref<1x16x128xf32, #tpu.memory_space<hbm>>
      %dma_wait3A_95 = tpu.memref_squeeze %dma_wait3A_94 : memref<1x16x128xf32, #tpu.memory_space<hbm>> -> memref<16x128xf32, #tpu.memory_space<hbm>>
      %dma_wait3A_96 = arith.constant 0 : i32
      %dma_wait3A_97 = arith.constant 0 : i32
      %dma_wait3A_98 = tpu.memref_slice %arg17[%dma_wait3A_96, %dma_wait3A_97] : memref<32x128xf32, #tpu.memory_space<vmem>> -> memref<16x128xf32, #tpu.memory_space<vmem>>
      tpu.wait_dma2 semaphore(%run_scoped3A : memref<!tpu.dma_semaphore, #tpu.memory_space<semaphore_mem>>) src(%dma_wait3A_98 : memref<16x128xf32, #tpu.memory_space<vmem>>) dst(%dma_wait3A_95 : memref<16x128xf32, #tpu.memory_space<hbm>>)
      tpu.yield
    }) : () -> ()
    %add3A_53 = arith.constant 16 : i32
    %add3A_54 = arith.addi %mul3A_10, %add3A_53 : i32
    %add3A_55 = vector.broadcast %add3A_54 : i32 to vector<16xi32>
    %add3A_56 = arith.addi %iota3A, %add3A_55 : vector<16xi32>
    "tpu.region"() ({
      %run_scoped3A = tpu.sem_alloc : memref<!tpu.dma_semaphore, #tpu.memory_space<semaphore_mem>>
      %dma_start3A = arith.constant 0 : i32
      %dma_start3A_77 = arith.constant 0 : i32
      %dma_start3A_78 = tpu.memref_slice %arg17[%dma_start3A, %dma_start3A_77] : memref<32x128xf32, #tpu.memory_space<vmem>> -> memref<16x128xf32, #tpu.memory_space<vmem>>
      %dma_start3A_79 = arith.constant 0 : i32
      %dma_start3A_80 = arith.constant 0 : i32
      %dma_start3A_81 = tpu.memref_slice %arg24[%dma_start3A_79, %dma_start3A_80] : memref<1280x128xf32, #tpu.memory_space<vmem_shared>> -> memref<1280x128xf32, #tpu.memory_space<vmem_shared>>
      tpu.enqueue_indirect_dma source(%dma_start3A_81 : memref<1280x128xf32, #tpu.memory_space<vmem_shared>>) target(%dma_start3A_78 : memref<16x128xf32, #tpu.memory_space<vmem>>) offsets(%add3A_56 : vector<16xi32>) semaphore(%run_scoped3A : memref<!tpu.dma_semaphore, #tpu.memory_space<semaphore_mem>>)
      %dma_wait3A = arith.constant 0 : i32
      %dma_wait3A_82 = arith.constant 0 : i32
      %dma_wait3A_83 = tpu.memref_slice %arg17[%dma_wait3A, %dma_wait3A_82] : memref<32x128xf32, #tpu.memory_space<vmem>> -> memref<16x128xf32, #tpu.memory_space<vmem>>
      %dma_wait3A_84 = arith.constant 0 : i32
      %dma_wait3A_85 = arith.constant 0 : i32
      %dma_wait3A_86 = tpu.memref_slice %arg24[%dma_wait3A_84, %dma_wait3A_85] : memref<1280x128xf32, #tpu.memory_space<vmem_shared>> -> memref<1280x128xf32, #tpu.memory_space<vmem_shared>>
      tpu.wait_indirect_dma semaphore(%run_scoped3A : memref<!tpu.dma_semaphore, #tpu.memory_space<semaphore_mem>>) src(%dma_wait3A_86 : memref<1280x128xf32, #tpu.memory_space<vmem_shared>>) dst(%dma_wait3A_83 : memref<16x128xf32, #tpu.memory_space<vmem>>)
      tpu.yield
    }) : () -> ()
    %add3A_57 = arith.constant 16 : i32
    %add3A_58 = arith.addi %mul3A_10, %add3A_57 : i32
    "tpu.region"() ({
      %run_scoped3A = tpu.sem_alloc : memref<!tpu.dma_semaphore, #tpu.memory_space<semaphore_mem>>
      %dma_start3A = arith.constant 0 : i32
      %dma_start3A_77 = arith.constant 0 : i32
      %dma_start3A_78 = tpu.memref_slice %arg17[%dma_start3A, %dma_start3A_77] : memref<32x128xf32, #tpu.memory_space<vmem>> -> memref<16x128xf32, #tpu.memory_space<vmem>>
      %dma_start3A_79 = arith.constant 0 : i32
      %dma_start3A_80 = tpu.memref_slice %arg12[%arg0, %add3A_58, %dma_start3A_79] : memref<2x1280x128xf32, #tpu.memory_space<hbm>> -> memref<1x16x128xf32, #tpu.memory_space<hbm>>
      %dma_start3A_81 = tpu.memref_squeeze %dma_start3A_80 : memref<1x16x128xf32, #tpu.memory_space<hbm>> -> memref<16x128xf32, #tpu.memory_space<hbm>>
      %dma_start3A_82 = arith.constant 0 : i32
      %dma_start3A_83 = tpu.memref_slice %arg12[%arg0, %add3A_58, %dma_start3A_82] : memref<2x1280x128xf32, #tpu.memory_space<hbm>> -> memref<1x16x128xf32, #tpu.memory_space<hbm>>
      %dma_start3A_84 = tpu.memref_squeeze %dma_start3A_83 : memref<1x16x128xf32, #tpu.memory_space<hbm>> -> memref<16x128xf32, #tpu.memory_space<hbm>>
      %dma_start3A_85 = arith.constant 0 : i32
      %dma_start3A_86 = arith.constant 0 : i32
      %dma_start3A_87 = tpu.memref_slice %arg17[%dma_start3A_85, %dma_start3A_86] : memref<32x128xf32, #tpu.memory_space<vmem>> -> memref<16x128xf32, #tpu.memory_space<vmem>>
      tpu.enqueue_dma source(%dma_start3A_87 : memref<16x128xf32, #tpu.memory_space<vmem>>) target(%dma_start3A_84 : memref<16x128xf32, #tpu.memory_space<hbm>>) target_semaphore(%run_scoped3A : memref<!tpu.dma_semaphore, #tpu.memory_space<semaphore_mem>>)
      %dma_wait3A = arith.constant 0 : i32
      %dma_wait3A_88 = arith.constant 0 : i32
      %dma_wait3A_89 = tpu.memref_slice %arg17[%dma_wait3A, %dma_wait3A_88] : memref<32x128xf32, #tpu.memory_space<vmem>> -> memref<16x128xf32, #tpu.memory_space<vmem>>
      %dma_wait3A_90 = arith.constant 0 : i32
      %dma_wait3A_91 = tpu.memref_slice %arg12[%arg0, %add3A_58, %dma_wait3A_90] : memref<2x1280x128xf32, #tpu.memory_space<hbm>> -> memref<1x16x128xf32, #tpu.memory_space<hbm>>
      %dma_wait3A_92 = tpu.memref_squeeze %dma_wait3A_91 : memref<1x16x128xf32, #tpu.memory_space<hbm>> -> memref<16x128xf32, #tpu.memory_space<hbm>>
      %dma_wait3A_93 = arith.constant 0 : i32
      %dma_wait3A_94 = tpu.memref_slice %arg12[%arg0, %add3A_58, %dma_wait3A_93] : memref<2x1280x128xf32, #tpu.memory_space<hbm>> -> memref<1x16x128xf32, #tpu.memory_space<hbm>>
      %dma_wait3A_95 = tpu.memref_squeeze %dma_wait3A_94 : memref<1x16x128xf32, #tpu.memory_space<hbm>> -> memref<16x128xf32, #tpu.memory_space<hbm>>
      %dma_wait3A_96 = arith.constant 0 : i32
      %dma_wait3A_97 = arith.constant 0 : i32
      %dma_wait3A_98 = tpu.memref_slice %arg17[%dma_wait3A_96, %dma_wait3A_97] : memref<32x128xf32, #tpu.memory_space<vmem>> -> memref<16x128xf32, #tpu.memory_space<vmem>>
      tpu.wait_dma2 semaphore(%run_scoped3A : memref<!tpu.dma_semaphore, #tpu.memory_space<semaphore_mem>>) src(%dma_wait3A_98 : memref<16x128xf32, #tpu.memory_space<vmem>>) dst(%dma_wait3A_95 : memref<16x128xf32, #tpu.memory_space<hbm>>)
      tpu.yield
    }) : () -> ()
    %add3A_59 = arith.constant 32 : i32
    %add3A_60 = arith.addi %mul3A_10, %add3A_59 : i32
    %add3A_61 = vector.broadcast %add3A_60 : i32 to vector<16xi32>
    %add3A_62 = arith.addi %iota3A, %add3A_61 : vector<16xi32>
    "tpu.region"() ({
      %run_scoped3A = tpu.sem_alloc : memref<!tpu.dma_semaphore, #tpu.memory_space<semaphore_mem>>
      %dma_start3A = arith.constant 0 : i32
      %dma_start3A_77 = arith.constant 0 : i32
      %dma_start3A_78 = tpu.memref_slice %arg17[%dma_start3A, %dma_start3A_77] : memref<32x128xf32, #tpu.memory_space<vmem>> -> memref<16x128xf32, #tpu.memory_space<vmem>>
      %dma_start3A_79 = arith.constant 0 : i32
      %dma_start3A_80 = arith.constant 0 : i32
      %dma_start3A_81 = tpu.memref_slice %arg24[%dma_start3A_79, %dma_start3A_80] : memref<1280x128xf32, #tpu.memory_space<vmem_shared>> -> memref<1280x128xf32, #tpu.memory_space<vmem_shared>>
      tpu.enqueue_indirect_dma source(%dma_start3A_81 : memref<1280x128xf32, #tpu.memory_space<vmem_shared>>) target(%dma_start3A_78 : memref<16x128xf32, #tpu.memory_space<vmem>>) offsets(%add3A_62 : vector<16xi32>) semaphore(%run_scoped3A : memref<!tpu.dma_semaphore, #tpu.memory_space<semaphore_mem>>)
      %dma_wait3A = arith.constant 0 : i32
      %dma_wait3A_82 = arith.constant 0 : i32
      %dma_wait3A_83 = tpu.memref_slice %arg17[%dma_wait3A, %dma_wait3A_82] : memref<32x128xf32, #tpu.memory_space<vmem>> -> memref<16x128xf32, #tpu.memory_space<vmem>>
      %dma_wait3A_84 = arith.constant 0 : i32
      %dma_wait3A_85 = arith.constant 0 : i32
      %dma_wait3A_86 = tpu.memref_slice %arg24[%dma_wait3A_84, %dma_wait3A_85] : memref<1280x128xf32, #tpu.memory_space<vmem_shared>> -> memref<1280x128xf32, #tpu.memory_space<vmem_shared>>
      tpu.wait_indirect_dma semaphore(%run_scoped3A : memref<!tpu.dma_semaphore, #tpu.memory_space<semaphore_mem>>) src(%dma_wait3A_86 : memref<1280x128xf32, #tpu.memory_space<vmem_shared>>) dst(%dma_wait3A_83 : memref<16x128xf32, #tpu.memory_space<vmem>>)
      tpu.yield
    }) : () -> ()
    %add3A_63 = arith.constant 32 : i32
    %add3A_64 = arith.addi %mul3A_10, %add3A_63 : i32
    "tpu.region"() ({
      %run_scoped3A = tpu.sem_alloc : memref<!tpu.dma_semaphore, #tpu.memory_space<semaphore_mem>>
      %dma_start3A = arith.constant 0 : i32
      %dma_start3A_77 = arith.constant 0 : i32
      %dma_start3A_78 = tpu.memref_slice %arg17[%dma_start3A, %dma_start3A_77] : memref<32x128xf32, #tpu.memory_space<vmem>> -> memref<16x128xf32, #tpu.memory_space<vmem>>
      %dma_start3A_79 = arith.constant 0 : i32
      %dma_start3A_80 = tpu.memref_slice %arg12[%arg0, %add3A_64, %dma_start3A_79] : memref<2x1280x128xf32, #tpu.memory_space<hbm>> -> memref<1x16x128xf32, #tpu.memory_space<hbm>>
      %dma_start3A_81 = tpu.memref_squeeze %dma_start3A_80 : memref<1x16x128xf32, #tpu.memory_space<hbm>> -> memref<16x128xf32, #tpu.memory_space<hbm>>
      %dma_start3A_82 = arith.constant 0 : i32
      %dma_start3A_83 = tpu.memref_slice %arg12[%arg0, %add3A_64, %dma_start3A_82] : memref<2x1280x128xf32, #tpu.memory_space<hbm>> -> memref<1x16x128xf32, #tpu.memory_space<hbm>>
      %dma_start3A_84 = tpu.memref_squeeze %dma_start3A_83 : memref<1x16x128xf32, #tpu.memory_space<hbm>> -> memref<16x128xf32, #tpu.memory_space<hbm>>
      %dma_start3A_85 = arith.constant 0 : i32
      %dma_start3A_86 = arith.constant 0 : i32
      %dma_start3A_87 = tpu.memref_slice %arg17[%dma_start3A_85, %dma_start3A_86] : memref<32x128xf32, #tpu.memory_space<vmem>> -> memref<16x128xf32, #tpu.memory_space<vmem>>
      tpu.enqueue_dma source(%dma_start3A_87 : memref<16x128xf32, #tpu.memory_space<vmem>>) target(%dma_start3A_84 : memref<16x128xf32, #tpu.memory_space<hbm>>) target_semaphore(%run_scoped3A : memref<!tpu.dma_semaphore, #tpu.memory_space<semaphore_mem>>)
      %dma_wait3A = arith.constant 0 : i32
      %dma_wait3A_88 = arith.constant 0 : i32
      %dma_wait3A_89 = tpu.memref_slice %arg17[%dma_wait3A, %dma_wait3A_88] : memref<32x128xf32, #tpu.memory_space<vmem>> -> memref<16x128xf32, #tpu.memory_space<vmem>>
      %dma_wait3A_90 = arith.constant 0 : i32
      %dma_wait3A_91 = tpu.memref_slice %arg12[%arg0, %add3A_64, %dma_wait3A_90] : memref<2x1280x128xf32, #tpu.memory_space<hbm>> -> memref<1x16x128xf32, #tpu.memory_space<hbm>>
      %dma_wait3A_92 = tpu.memref_squeeze %dma_wait3A_91 : memref<1x16x128xf32, #tpu.memory_space<hbm>> -> memref<16x128xf32, #tpu.memory_space<hbm>>
      %dma_wait3A_93 = arith.constant 0 : i32
      %dma_wait3A_94 = tpu.memref_slice %arg12[%arg0, %add3A_64, %dma_wait3A_93] : memref<2x1280x128xf32, #tpu.memory_space<hbm>> -> memref<1x16x128xf32, #tpu.memory_space<hbm>>
      %dma_wait3A_95 = tpu.memref_squeeze %dma_wait3A_94 : memref<1x16x128xf32, #tpu.memory_space<hbm>> -> memref<16x128xf32, #tpu.memory_space<hbm>>
      %dma_wait3A_96 = arith.constant 0 : i32
      %dma_wait3A_97 = arith.constant 0 : i32
      %dma_wait3A_98 = tpu.memref_slice %arg17[%dma_wait3A_96, %dma_wait3A_97] : memref<32x128xf32, #tpu.memory_space<vmem>> -> memref<16x128xf32, #tpu.memory_space<vmem>>
      tpu.wait_dma2 semaphore(%run_scoped3A : memref<!tpu.dma_semaphore, #tpu.memory_space<semaphore_mem>>) src(%dma_wait3A_98 : memref<16x128xf32, #tpu.memory_space<vmem>>) dst(%dma_wait3A_95 : memref<16x128xf32, #tpu.memory_space<hbm>>)
      tpu.yield
    }) : () -> ()
    %add3A_65 = arith.constant 48 : i32
    %add3A_66 = arith.addi %mul3A_10, %add3A_65 : i32
    %add3A_67 = vector.broadcast %add3A_66 : i32 to vector<16xi32>
    %add3A_68 = arith.addi %iota3A, %add3A_67 : vector<16xi32>
    "tpu.region"() ({
      %run_scoped3A = tpu.sem_alloc : memref<!tpu.dma_semaphore, #tpu.memory_space<semaphore_mem>>
      %dma_start3A = arith.constant 0 : i32
      %dma_start3A_77 = arith.constant 0 : i32
      %dma_start3A_78 = tpu.memref_slice %arg17[%dma_start3A, %dma_start3A_77] : memref<32x128xf32, #tpu.memory_space<vmem>> -> memref<16x128xf32, #tpu.memory_space<vmem>>
      %dma_start3A_79 = arith.constant 0 : i32
      %dma_start3A_80 = arith.constant 0 : i32
      %dma_start3A_81 = tpu.memref_slice %arg24[%dma_start3A_79, %dma_start3A_80] : memref<1280x128xf32, #tpu.memory_space<vmem_shared>> -> memref<1280x128xf32, #tpu.memory_space<vmem_shared>>
      tpu.enqueue_indirect_dma source(%dma_start3A_81 : memref<1280x128xf32, #tpu.memory_space<vmem_shared>>) target(%dma_start3A_78 : memref<16x128xf32, #tpu.memory_space<vmem>>) offsets(%add3A_68 : vector<16xi32>) semaphore(%run_scoped3A : memref<!tpu.dma_semaphore, #tpu.memory_space<semaphore_mem>>)
      %dma_wait3A = arith.constant 0 : i32
      %dma_wait3A_82 = arith.constant 0 : i32
      %dma_wait3A_83 = tpu.memref_slice %arg17[%dma_wait3A, %dma_wait3A_82] : memref<32x128xf32, #tpu.memory_space<vmem>> -> memref<16x128xf32, #tpu.memory_space<vmem>>
      %dma_wait3A_84 = arith.constant 0 : i32
      %dma_wait3A_85 = arith.constant 0 : i32
      %dma_wait3A_86 = tpu.memref_slice %arg24[%dma_wait3A_84, %dma_wait3A_85] : memref<1280x128xf32, #tpu.memory_space<vmem_shared>> -> memref<1280x128xf32, #tpu.memory_space<vmem_shared>>
      tpu.wait_indirect_dma semaphore(%run_scoped3A : memref<!tpu.dma_semaphore, #tpu.memory_space<semaphore_mem>>) src(%dma_wait3A_86 : memref<1280x128xf32, #tpu.memory_space<vmem_shared>>) dst(%dma_wait3A_83 : memref<16x128xf32, #tpu.memory_space<vmem>>)
      tpu.yield
    }) : () -> ()
    %add3A_69 = arith.constant 48 : i32
    %add3A_70 = arith.addi %mul3A_10, %add3A_69 : i32
    "tpu.region"() ({
      %run_scoped3A = tpu.sem_alloc : memref<!tpu.dma_semaphore, #tpu.memory_space<semaphore_mem>>
      %dma_start3A = arith.constant 0 : i32
      %dma_start3A_77 = arith.constant 0 : i32
      %dma_start3A_78 = tpu.memref_slice %arg17[%dma_start3A, %dma_start3A_77] : memref<32x128xf32, #tpu.memory_space<vmem>> -> memref<16x128xf32, #tpu.memory_space<vmem>>
      %dma_start3A_79 = arith.constant 0 : i32
      %dma_start3A_80 = tpu.memref_slice %arg12[%arg0, %add3A_70, %dma_start3A_79] : memref<2x1280x128xf32, #tpu.memory_space<hbm>> -> memref<1x16x128xf32, #tpu.memory_space<hbm>>
      %dma_start3A_81 = tpu.memref_squeeze %dma_start3A_80 : memref<1x16x128xf32, #tpu.memory_space<hbm>> -> memref<16x128xf32, #tpu.memory_space<hbm>>
      %dma_start3A_82 = arith.constant 0 : i32
      %dma_start3A_83 = tpu.memref_slice %arg12[%arg0, %add3A_70, %dma_start3A_82] : memref<2x1280x128xf32, #tpu.memory_space<hbm>> -> memref<1x16x128xf32, #tpu.memory_space<hbm>>
      %dma_start3A_84 = tpu.memref_squeeze %dma_start3A_83 : memref<1x16x128xf32, #tpu.memory_space<hbm>> -> memref<16x128xf32, #tpu.memory_space<hbm>>
      %dma_start3A_85 = arith.constant 0 : i32
      %dma_start3A_86 = arith.constant 0 : i32
      %dma_start3A_87 = tpu.memref_slice %arg17[%dma_start3A_85, %dma_start3A_86] : memref<32x128xf32, #tpu.memory_space<vmem>> -> memref<16x128xf32, #tpu.memory_space<vmem>>
      tpu.enqueue_dma source(%dma_start3A_87 : memref<16x128xf32, #tpu.memory_space<vmem>>) target(%dma_start3A_84 : memref<16x128xf32, #tpu.memory_space<hbm>>) target_semaphore(%run_scoped3A : memref<!tpu.dma_semaphore, #tpu.memory_space<semaphore_mem>>)
      %dma_wait3A = arith.constant 0 : i32
      %dma_wait3A_88 = arith.constant 0 : i32
      %dma_wait3A_89 = tpu.memref_slice %arg17[%dma_wait3A, %dma_wait3A_88] : memref<32x128xf32, #tpu.memory_space<vmem>> -> memref<16x128xf32, #tpu.memory_space<vmem>>
      %dma_wait3A_90 = arith.constant 0 : i32
      %dma_wait3A_91 = tpu.memref_slice %arg12[%arg0, %add3A_70, %dma_wait3A_90] : memref<2x1280x128xf32, #tpu.memory_space<hbm>> -> memref<1x16x128xf32, #tpu.memory_space<hbm>>
      %dma_wait3A_92 = tpu.memref_squeeze %dma_wait3A_91 : memref<1x16x128xf32, #tpu.memory_space<hbm>> -> memref<16x128xf32, #tpu.memory_space<hbm>>
      %dma_wait3A_93 = arith.constant 0 : i32
      %dma_wait3A_94 = tpu.memref_slice %arg12[%arg0, %add3A_70, %dma_wait3A_93] : memref<2x1280x128xf32, #tpu.memory_space<hbm>> -> memref<1x16x128xf32, #tpu.memory_space<hbm>>
      %dma_wait3A_95 = tpu.memref_squeeze %dma_wait3A_94 : memref<1x16x128xf32, #tpu.memory_space<hbm>> -> memref<16x128xf32, #tpu.memory_space<hbm>>
      %dma_wait3A_96 = arith.constant 0 : i32
      %dma_wait3A_97 = arith.constant 0 : i32
      %dma_wait3A_98 = tpu.memref_slice %arg17[%dma_wait3A_96, %dma_wait3A_97] : memref<32x128xf32, #tpu.memory_space<vmem>> -> memref<16x128xf32, #tpu.memory_space<vmem>>
      tpu.wait_dma2 semaphore(%run_scoped3A : memref<!tpu.dma_semaphore, #tpu.memory_space<semaphore_mem>>) src(%dma_wait3A_98 : memref<16x128xf32, #tpu.memory_space<vmem>>) dst(%dma_wait3A_95 : memref<16x128xf32, #tpu.memory_space<hbm>>)
      tpu.yield
    }) : () -> ()
    %add3A_71 = arith.constant 64 : i32
    %add3A_72 = arith.addi %mul3A_10, %add3A_71 : i32
    %add3A_73 = vector.broadcast %add3A_72 : i32 to vector<16xi32>
    %add3A_74 = arith.addi %iota3A, %add3A_73 : vector<16xi32>
    "tpu.region"() ({
      %run_scoped3A = tpu.sem_alloc : memref<!tpu.dma_semaphore, #tpu.memory_space<semaphore_mem>>
      %dma_start3A = arith.constant 0 : i32
      %dma_start3A_77 = arith.constant 0 : i32
      %dma_start3A_78 = tpu.memref_slice %arg17[%dma_start3A, %dma_start3A_77] : memref<32x128xf32, #tpu.memory_space<vmem>> -> memref<16x128xf32, #tpu.memory_space<vmem>>
      %dma_start3A_79 = arith.constant 0 : i32
      %dma_start3A_80 = arith.constant 0 : i32
      %dma_start3A_81 = tpu.memref_slice %arg24[%dma_start3A_79, %dma_start3A_80] : memref<1280x128xf32, #tpu.memory_space<vmem_shared>> -> memref<1280x128xf32, #tpu.memory_space<vmem_shared>>
      tpu.enqueue_indirect_dma source(%dma_start3A_81 : memref<1280x128xf32, #tpu.memory_space<vmem_shared>>) target(%dma_start3A_78 : memref<16x128xf32, #tpu.memory_space<vmem>>) offsets(%add3A_74 : vector<16xi32>) semaphore(%run_scoped3A : memref<!tpu.dma_semaphore, #tpu.memory_space<semaphore_mem>>)
      %dma_wait3A = arith.constant 0 : i32
      %dma_wait3A_82 = arith.constant 0 : i32
      %dma_wait3A_83 = tpu.memref_slice %arg17[%dma_wait3A, %dma_wait3A_82] : memref<32x128xf32, #tpu.memory_space<vmem>> -> memref<16x128xf32, #tpu.memory_space<vmem>>
      %dma_wait3A_84 = arith.constant 0 : i32
      %dma_wait3A_85 = arith.constant 0 : i32
      %dma_wait3A_86 = tpu.memref_slice %arg24[%dma_wait3A_84, %dma_wait3A_85] : memref<1280x128xf32, #tpu.memory_space<vmem_shared>> -> memref<1280x128xf32, #tpu.memory_space<vmem_shared>>
      tpu.wait_indirect_dma semaphore(%run_scoped3A : memref<!tpu.dma_semaphore, #tpu.memory_space<semaphore_mem>>) src(%dma_wait3A_86 : memref<1280x128xf32, #tpu.memory_space<vmem_shared>>) dst(%dma_wait3A_83 : memref<16x128xf32, #tpu.memory_space<vmem>>)
      tpu.yield
    }) : () -> ()
    %add3A_75 = arith.constant 64 : i32
    %add3A_76 = arith.addi %mul3A_10, %add3A_75 : i32
    "tpu.region"() ({
      %run_scoped3A = tpu.sem_alloc : memref<!tpu.dma_semaphore, #tpu.memory_space<semaphore_mem>>
      %dma_start3A = arith.constant 0 : i32
      %dma_start3A_77 = arith.constant 0 : i32
      %dma_start3A_78 = tpu.memref_slice %arg17[%dma_start3A, %dma_start3A_77] : memref<32x128xf32, #tpu.memory_space<vmem>> -> memref<16x128xf32, #tpu.memory_space<vmem>>
      %dma_start3A_79 = arith.constant 0 : i32
      %dma_start3A_80 = tpu.memref_slice %arg12[%arg0, %add3A_76, %dma_start3A_79] : memref<2x1280x128xf32, #tpu.memory_space<hbm>> -> memref<1x16x128xf32, #tpu.memory_space<hbm>>
      %dma_start3A_81 = tpu.memref_squeeze %dma_start3A_80 : memref<1x16x128xf32, #tpu.memory_space<hbm>> -> memref<16x128xf32, #tpu.memory_space<hbm>>
      %dma_start3A_82 = arith.constant 0 : i32
      %dma_start3A_83 = tpu.memref_slice %arg12[%arg0, %add3A_76, %dma_start3A_82] : memref<2x1280x128xf32, #tpu.memory_space<hbm>> -> memref<1x16x128xf32, #tpu.memory_space<hbm>>
      %dma_start3A_84 = tpu.memref_squeeze %dma_start3A_83 : memref<1x16x128xf32, #tpu.memory_space<hbm>> -> memref<16x128xf32, #tpu.memory_space<hbm>>
      %dma_start3A_85 = arith.constant 0 : i32
      %dma_start3A_86 = arith.constant 0 : i32
      %dma_start3A_87 = tpu.memref_slice %arg17[%dma_start3A_85, %dma_start3A_86] : memref<32x128xf32, #tpu.memory_space<vmem>> -> memref<16x128xf32, #tpu.memory_space<vmem>>
      tpu.enqueue_dma source(%dma_start3A_87 : memref<16x128xf32, #tpu.memory_space<vmem>>) target(%dma_start3A_84 : memref<16x128xf32, #tpu.memory_space<hbm>>) target_semaphore(%run_scoped3A : memref<!tpu.dma_semaphore, #tpu.memory_space<semaphore_mem>>)
      %dma_wait3A = arith.constant 0 : i32
      %dma_wait3A_88 = arith.constant 0 : i32
      %dma_wait3A_89 = tpu.memref_slice %arg17[%dma_wait3A, %dma_wait3A_88] : memref<32x128xf32, #tpu.memory_space<vmem>> -> memref<16x128xf32, #tpu.memory_space<vmem>>
      %dma_wait3A_90 = arith.constant 0 : i32
      %dma_wait3A_91 = tpu.memref_slice %arg12[%arg0, %add3A_76, %dma_wait3A_90] : memref<2x1280x128xf32, #tpu.memory_space<hbm>> -> memref<1x16x128xf32, #tpu.memory_space<hbm>>
      %dma_wait3A_92 = tpu.memref_squeeze %dma_wait3A_91 : memref<1x16x128xf32, #tpu.memory_space<hbm>> -> memref<16x128xf32, #tpu.memory_space<hbm>>
      %dma_wait3A_93 = arith.constant 0 : i32
      %dma_wait3A_94 = tpu.memref_slice %arg12[%arg0, %add3A_76, %dma_wait3A_93] : memref<2x1280x128xf32, #tpu.memory_space<hbm>> -> memref<1x16x128xf32, #tpu.memory_space<hbm>>
      %dma_wait3A_95 = tpu.memref_squeeze %dma_wait3A_94 : memref<1x16x128xf32, #tpu.memory_space<hbm>> -> memref<16x128xf32, #tpu.memory_space<hbm>>
      %dma_wait3A_96 = arith.constant 0 : i32
      %dma_wait3A_97 = arith.constant 0 : i32
      %dma_wait3A_98 = tpu.memref_slice %arg17[%dma_wait3A_96, %dma_wait3A_97] : memref<32x128xf32, #tpu.memory_space<vmem>> -> memref<16x128xf32, #tpu.memory_space<vmem>>
      tpu.wait_dma2 semaphore(%run_scoped3A : memref<!tpu.dma_semaphore, #tpu.memory_space<semaphore_mem>>) src(%dma_wait3A_98 : memref<16x128xf32, #tpu.memory_space<vmem>>) dst(%dma_wait3A_95 : memref<16x128xf32, #tpu.memory_space<hbm>>)
      tpu.yield
    }) : () -> ()
    return
  }
}

module attributes {stable_mosaic.version = 14 : i64} {
  func.func @_edge_body(%arg0: i32, %arg1: memref<4000x16xf32, #tpu.memory_space<vmem>>, %arg2: memref<128x16xf32, #tpu.memory_space<vmem>>, %arg3: memref<128x16xf32, #tpu.memory_space<vmem>>, %arg4: memref<64x16xf32, #tpu.memory_space<vmem>>, %arg5: memref<16x64xf32, #tpu.memory_space<vmem>>, %arg6: memref<4000x128xf32, #tpu.memory_space<vmem>>, %arg7: memref<4000x128xf32, #tpu.memory_space<vmem>>, %arg8: memref<4000x16xf32, #tpu.memory_space<vmem>>) attributes {dimension_semantics = [#tpu.dimension_semantics<arbitrary>], iteration_bounds = array<i64: 80>, scalar_prefetch = 0 : i64, scratch_operands = 0 : i64, tpu.core_type = #tpu.core_type<tc>, window_params = [{transform_indices = @transform_0, window_bounds = array<i64: 4000, 16>}, {pipeline_mode = #tpu.pipeline_mode<synchronous>, transform_indices = @transform_1, window_bounds = array<i64: 128, 16>}, {pipeline_mode = #tpu.pipeline_mode<synchronous>, transform_indices = @transform_2, window_bounds = array<i64: 128, 16>}, {pipeline_mode = #tpu.pipeline_mode<synchronous>, transform_indices = @transform_3, window_bounds = array<i64: 64, 16>}, {pipeline_mode = #tpu.pipeline_mode<synchronous>, transform_indices = @transform_4, window_bounds = array<i64: 16, 64>}, {transform_indices = @transform_5, window_bounds = array<i64: 4000, 128>}, {transform_indices = @transform_6, window_bounds = array<i64: 4000, 128>}, {transform_indices = @transform_7, window_bounds = array<i64: 4000, 16>}]} {
    %get3A = arith.constant 0 : index
    %get3A_0 = arith.constant 0 : index
    %get3A_1 = vector.load %arg1[%get3A, %get3A_0] : memref<4000x16xf32, #tpu.memory_space<vmem>>, vector<4000x16xf32>
    %get3A_2 = arith.constant 0 : index
    %get3A_3 = arith.constant 0 : index
    %get3A_4 = vector.load %arg2[%get3A_2, %get3A_3] : memref<128x16xf32, #tpu.memory_space<vmem>>, vector<128x16xf32>
    %dot_general3A = arith.constant dense<0.000000e+00> : vector<4000x128xf32>
    %dot_general3A_5 = tpu.matmul %get3A_1, %get3A_4, %dot_general3A {dimension_numbers = #tpu.dot_dimension_numbers<[1], [1], [0], [0], [0, 0, 1, 0], [], []>, transpose_lhs_hint = false} : vector<4000x16xf32>, vector<128x16xf32>, vector<4000x128xf32> -> vector<4000x128xf32>
    %swap3A = arith.constant 0 : index
    %swap3A_6 = arith.constant 0 : index
    %swap3A_7 = vector.load %arg6[%swap3A, %swap3A_6] : memref<4000x128xf32, #tpu.memory_space<vmem>>, vector<4000x128xf32>
    tpu.vector_store %arg6[%swap3A, %swap3A_6], %dot_general3A_5 {strides = array<i32>} : memref<4000x128xf32, #tpu.memory_space<vmem>>, vector<4000x128xf32>,
    %get3A_8 = arith.constant 0 : index
    %get3A_9 = arith.constant 0 : index
    %get3A_10 = vector.load %arg3[%get3A_8, %get3A_9] : memref<128x16xf32, #tpu.memory_space<vmem>>, vector<128x16xf32>
    %dot_general3A_11 = arith.constant dense<0.000000e+00> : vector<4000x128xf32>
    %dot_general3A_12 = tpu.matmul %get3A_1, %get3A_10, %dot_general3A_11 {dimension_numbers = #tpu.dot_dimension_numbers<[1], [1], [0], [0], [0, 0, 1, 0], [], []>, transpose_lhs_hint = false} : vector<4000x16xf32>, vector<128x16xf32>, vector<4000x128xf32> -> vector<4000x128xf32>
    %swap3A_13 = arith.constant 0 : index
    %swap3A_14 = arith.constant 0 : index
    %swap3A_15 = vector.load %arg7[%swap3A_13, %swap3A_14] : memref<4000x128xf32, #tpu.memory_space<vmem>>, vector<4000x128xf32>
    tpu.vector_store %arg7[%swap3A_13, %swap3A_14], %dot_general3A_12 {strides = array<i32>} : memref<4000x128xf32, #tpu.memory_space<vmem>>, vector<4000x128xf32>,
    %get3A_16 = arith.constant 0 : index
    %get3A_17 = arith.constant 0 : index
    %get3A_18 = vector.load %arg4[%get3A_16, %get3A_17] : memref<64x16xf32, #tpu.memory_space<vmem>>, vector<64x16xf32>
    %dot_general3A_19 = arith.constant dense<0.000000e+00> : vector<4000x64xf32>
    %dot_general3A_20 = tpu.matmul %get3A_1, %get3A_18, %dot_general3A_19 {dimension_numbers = #tpu.dot_dimension_numbers<[1], [1], [0], [0], [0, 0, 1, 0], [], []>, transpose_lhs_hint = false} : vector<4000x16xf32>, vector<64x16xf32>, vector<4000x64xf32> -> vector<4000x64xf32>
    %logistic3A = arith.negf %dot_general3A_20 : vector<4000x64xf32>
    %logistic3A_21 = math.exp %logistic3A : vector<4000x64xf32>
    %logistic3A_22 = arith.constant 1.000000e+00 : f32
    %logistic3A_23 = vector.broadcast %logistic3A_22 : f32 to vector<4000x64xf32>
    %logistic3A_24 = arith.addf %logistic3A_23, %logistic3A_21 : vector<4000x64xf32>
    %logistic3A_25 = arith.divf %logistic3A_23, %logistic3A_24 : vector<4000x64xf32>
    %mul3A = arith.mulf %dot_general3A_20, %logistic3A_25 : vector<4000x64xf32>
    %get3A_26 = arith.constant 0 : index
    %get3A_27 = arith.constant 0 : index
    %get3A_28 = vector.load %arg5[%get3A_26, %get3A_27] : memref<16x64xf32, #tpu.memory_space<vmem>>, vector<16x64xf32>
    %dot_general3A_29 = arith.constant dense<0.000000e+00> : vector<4000x16xf32>
    %dot_general3A_30 = tpu.matmul %mul3A, %get3A_28, %dot_general3A_29 {dimension_numbers = #tpu.dot_dimension_numbers<[1], [1], [0], [0], [0, 0, 1, 0], [], []>, transpose_lhs_hint = false} : vector<4000x64xf32>, vector<16x64xf32>, vector<4000x16xf32> -> vector<4000x16xf32>
    %swap3A_31 = arith.constant 0 : index
    %swap3A_32 = arith.constant 0 : index
    %swap3A_33 = vector.load %arg8[%swap3A_31, %swap3A_32] : memref<4000x16xf32, #tpu.memory_space<vmem>>, vector<4000x16xf32>
    tpu.vector_store %arg8[%swap3A_31, %swap3A_32], %dot_general3A_30 {strides = array<i32>} : memref<4000x16xf32, #tpu.memory_space<vmem>>, vector<4000x16xf32>,
    return
  }
  func.func @transform_0(%arg0: i32) -> (i32, i32) {
    %c0_i32 = arith.constant 0 : i32
    %c0_i32_0 = arith.constant 0 : i32
    return %arg0, %c0_i32 : i32, i32
  }
  func.func @transform_1(%arg0: i32) -> (i32, i32) {
    %c0_i32 = arith.constant 0 : i32
    %c0_i32_0 = arith.constant 0 : i32
    %c0_i32_1 = arith.constant 0 : i32
    return %c0_i32, %c0_i32_0 : i32, i32
  }
  func.func @transform_2(%arg0: i32) -> (i32, i32) {
    %c0_i32 = arith.constant 0 : i32
    %c0_i32_0 = arith.constant 0 : i32
    %c0_i32_1 = arith.constant 0 : i32
    return %c0_i32, %c0_i32_0 : i32, i32
  }
  func.func @transform_3(%arg0: i32) -> (i32, i32) {
    %c0_i32 = arith.constant 0 : i32
    %c0_i32_0 = arith.constant 0 : i32
    %c0_i32_1 = arith.constant 0 : i32
    return %c0_i32, %c0_i32_0 : i32, i32
  }
  func.func @transform_4(%arg0: i32) -> (i32, i32) {
    %c0_i32 = arith.constant 0 : i32
    %c0_i32_0 = arith.constant 0 : i32
    %c0_i32_1 = arith.constant 0 : i32
    return %c0_i32, %c0_i32_0 : i32, i32
  }
  func.func @transform_5(%arg0: i32) -> (i32, i32) {
    %c0_i32 = arith.constant 0 : i32
    %c0_i32_0 = arith.constant 0 : i32
    return %arg0, %c0_i32 : i32, i32
  }
  func.func @transform_6(%arg0: i32) -> (i32, i32) {
    %c0_i32 = arith.constant 0 : i32
    %c0_i32_0 = arith.constant 0 : i32
    return %arg0, %c0_i32 : i32, i32
  }
  func.func @transform_7(%arg0: i32) -> (i32, i32) {
    %c0_i32 = arith.constant 0 : i32
    %c0_i32_0 = arith.constant 0 : i32
    return %arg0, %c0_i32 : i32, i32
  }
}

module attributes {stable_mosaic.version = 14 : i64} {
  func.func @_qkv_body(%arg0: i32, %arg1: memref<1000x128xf32, #tpu.memory_space<vmem>>, %arg2: memref<128x128xf32, #tpu.memory_space<vmem>>, %arg3: memref<128x128xf32, #tpu.memory_space<vmem>>, %arg4: memref<128x128xf32, #tpu.memory_space<vmem>>, %arg5: memref<1000x128xf32, #tpu.memory_space<vmem>>, %arg6: memref<1000x128xf32, #tpu.memory_space<vmem>>, %arg7: memref<1000x128xf32, #tpu.memory_space<vmem>>) attributes {dimension_semantics = [#tpu.dimension_semantics<arbitrary>], iteration_bounds = array<i64: 10>, scalar_prefetch = 0 : i64, scratch_operands = 0 : i64, tpu.core_type = #tpu.core_type<tc>, window_params = [{transform_indices = @transform_0, window_bounds = array<i64: 1000, 128>}, {pipeline_mode = #tpu.pipeline_mode<synchronous>, transform_indices = @transform_1, window_bounds = array<i64: 128, 128>}, {pipeline_mode = #tpu.pipeline_mode<synchronous>, transform_indices = @transform_2, window_bounds = array<i64: 128, 128>}, {pipeline_mode = #tpu.pipeline_mode<synchronous>, transform_indices = @transform_3, window_bounds = array<i64: 128, 128>}, {transform_indices = @transform_4, window_bounds = array<i64: 1000, 128>}, {transform_indices = @transform_5, window_bounds = array<i64: 1000, 128>}, {transform_indices = @transform_6, window_bounds = array<i64: 1000, 128>}]} {
    %get3A = arith.constant 0 : index
    %get3A_0 = arith.constant 0 : index
    %get3A_1 = vector.load %arg1[%get3A, %get3A_0] : memref<1000x128xf32, #tpu.memory_space<vmem>>, vector<1000x128xf32>
    %get3A_2 = arith.constant 0 : index
    %get3A_3 = arith.constant 0 : index
    %get3A_4 = vector.load %arg2[%get3A_2, %get3A_3] : memref<128x128xf32, #tpu.memory_space<vmem>>, vector<128x128xf32>
    %dot_general3A = arith.constant dense<0.000000e+00> : vector<1000x128xf32>
    %dot_general3A_5 = tpu.matmul %get3A_1, %get3A_4, %dot_general3A {dimension_numbers = #tpu.dot_dimension_numbers<[1], [1], [0], [0], [0, 0, 1, 0], [], []>, transpose_lhs_hint = false} : vector<1000x128xf32>, vector<128x128xf32>, vector<1000x128xf32> -> vector<1000x128xf32>
    %swap3A = arith.constant 0 : index
    %swap3A_6 = arith.constant 0 : index
    %swap3A_7 = vector.load %arg5[%swap3A, %swap3A_6] : memref<1000x128xf32, #tpu.memory_space<vmem>>, vector<1000x128xf32>
    tpu.vector_store %arg5[%swap3A, %swap3A_6], %dot_general3A_5 {strides = array<i32>} : memref<1000x128xf32, #tpu.memory_space<vmem>>, vector<1000x128xf32>,
    %get3A_8 = arith.constant 0 : index
    %get3A_9 = arith.constant 0 : index
    %get3A_10 = vector.load %arg3[%get3A_8, %get3A_9] : memref<128x128xf32, #tpu.memory_space<vmem>>, vector<128x128xf32>
    %dot_general3A_11 = arith.constant dense<0.000000e+00> : vector<1000x128xf32>
    %dot_general3A_12 = tpu.matmul %get3A_1, %get3A_10, %dot_general3A_11 {dimension_numbers = #tpu.dot_dimension_numbers<[1], [1], [0], [0], [0, 0, 1, 0], [], []>, transpose_lhs_hint = false} : vector<1000x128xf32>, vector<128x128xf32>, vector<1000x128xf32> -> vector<1000x128xf32>
    %swap3A_13 = arith.constant 0 : index
    %swap3A_14 = arith.constant 0 : index
    %swap3A_15 = vector.load %arg6[%swap3A_13, %swap3A_14] : memref<1000x128xf32, #tpu.memory_space<vmem>>, vector<1000x128xf32>
    tpu.vector_store %arg6[%swap3A_13, %swap3A_14], %dot_general3A_12 {strides = array<i32>} : memref<1000x128xf32, #tpu.memory_space<vmem>>, vector<1000x128xf32>,
    %get3A_16 = arith.constant 0 : index
    %get3A_17 = arith.constant 0 : index
    %get3A_18 = vector.load %arg4[%get3A_16, %get3A_17] : memref<128x128xf32, #tpu.memory_space<vmem>>, vector<128x128xf32>
    %dot_general3A_19 = arith.constant dense<0.000000e+00> : vector<1000x128xf32>
    %dot_general3A_20 = tpu.matmul %get3A_1, %get3A_18, %dot_general3A_19 {dimension_numbers = #tpu.dot_dimension_numbers<[1], [1], [0], [0], [0, 0, 1, 0], [], []>, transpose_lhs_hint = false} : vector<1000x128xf32>, vector<128x128xf32>, vector<1000x128xf32> -> vector<1000x128xf32>
    %swap3A_21 = arith.constant 0 : index
    %swap3A_22 = arith.constant 0 : index
    %swap3A_23 = vector.load %arg7[%swap3A_21, %swap3A_22] : memref<1000x128xf32, #tpu.memory_space<vmem>>, vector<1000x128xf32>
    tpu.vector_store %arg7[%swap3A_21, %swap3A_22], %dot_general3A_20 {strides = array<i32>} : memref<1000x128xf32, #tpu.memory_space<vmem>>, vector<1000x128xf32>,
    return
  }
  func.func @transform_0(%arg0: i32) -> (i32, i32) {
    %c0_i32 = arith.constant 0 : i32
    %c0_i32_0 = arith.constant 0 : i32
    return %arg0, %c0_i32 : i32, i32
  }
  func.func @transform_1(%arg0: i32) -> (i32, i32) {
    %c0_i32 = arith.constant 0 : i32
    %c0_i32_0 = arith.constant 0 : i32
    %c0_i32_1 = arith.constant 0 : i32
    return %c0_i32, %c0_i32_0 : i32, i32
  }
  func.func @transform_2(%arg0: i32) -> (i32, i32) {
    %c0_i32 = arith.constant 0 : i32
    %c0_i32_0 = arith.constant 0 : i32
    %c0_i32_1 = arith.constant 0 : i32
    return %c0_i32, %c0_i32_0 : i32, i32
  }
  func.func @transform_3(%arg0: i32) -> (i32, i32) {
    %c0_i32 = arith.constant 0 : i32
    %c0_i32_0 = arith.constant 0 : i32
    %c0_i32_1 = arith.constant 0 : i32
    return %c0_i32, %c0_i32_0 : i32, i32
  }
  func.func @transform_4(%arg0: i32) -> (i32, i32) {
    %c0_i32 = arith.constant 0 : i32
    %c0_i32_0 = arith.constant 0 : i32
    return %arg0, %c0_i32 : i32, i32
  }
  func.func @transform_5(%arg0: i32) -> (i32, i32) {
    %c0_i32 = arith.constant 0 : i32
    %c0_i32_0 = arith.constant 0 : i32
    return %arg0, %c0_i32 : i32, i32
  }
  func.func @transform_6(%arg0: i32) -> (i32, i32) {
    %c0_i32 = arith.constant 0 : i32
    %c0_i32_0 = arith.constant 0 : i32
    return %arg0, %c0_i32 : i32, i32
  }
}

module attributes {stable_mosaic.version = 14 : i64} {
  func.func @_final_body(%arg0: i32, %arg1: memref<1x1000x128xf32, #tpu.memory_space<vmem>>, %arg2: memref<1x1000x128xf32, #tpu.memory_space<vmem>>, %arg3: memref<1x1000x16xf32, #tpu.memory_space<vmem>>, %arg4: memref<1x1000x16xf32, #tpu.memory_space<vmem>>, %arg5: memref<128x16xf32, #tpu.memory_space<vmem>>, %arg6: memref<128x128xf32, #tpu.memory_space<vmem>>, %arg7: memref<1000x128xf32, #tpu.memory_space<vmem>>) attributes {dimension_semantics = [#tpu.dimension_semantics<arbitrary>], iteration_bounds = array<i64: 10>, scalar_prefetch = 0 : i64, scratch_operands = 0 : i64, tpu.core_type = #tpu.core_type<tc>, window_params = [{transform_indices = @transform_0, window_bounds = array<i64: 1, 1000, 128>}, {transform_indices = @transform_1, window_bounds = array<i64: 1, 1000, 128>}, {transform_indices = @transform_2, window_bounds = array<i64: 1, 1000, 16>}, {transform_indices = @transform_3, window_bounds = array<i64: 1, 1000, 16>}, {pipeline_mode = #tpu.pipeline_mode<synchronous>, transform_indices = @transform_4, window_bounds = array<i64: 128, 16>}, {pipeline_mode = #tpu.pipeline_mode<synchronous>, transform_indices = @transform_5, window_bounds = array<i64: 128, 128>}, {transform_indices = @transform_6, window_bounds = array<i64: 1000, 128>}]} {
    %get3A = arith.constant 0 : index
    %get3A_0 = arith.constant 0 : index
    %get3A_1 = arith.constant 0 : index
    %get3A_2 = vector.load %arg1[%get3A, %get3A_0, %get3A_1] : memref<1x1000x128xf32, #tpu.memory_space<vmem>>, vector<1x1000x128xf32>
    %get3A_3 = vector.shape_cast %get3A_2 : vector<1x1000x128xf32> to vector<1000x128xf32>
    %get3A_4 = arith.constant 0 : index
    %get3A_5 = arith.constant 0 : index
    %get3A_6 = arith.constant 0 : index
    %get3A_7 = vector.load %arg2[%get3A_4, %get3A_5, %get3A_6] : memref<1x1000x128xf32, #tpu.memory_space<vmem>>, vector<1x1000x128xf32>
    %get3A_8 = vector.shape_cast %get3A_7 : vector<1x1000x128xf32> to vector<1000x128xf32>
    %add3A = arith.addf %get3A_3, %get3A_8 : vector<1000x128xf32>
    %get3A_9 = arith.constant 0 : index
    %get3A_10 = arith.constant 0 : index
    %get3A_11 = arith.constant 0 : index
    %get3A_12 = vector.load %arg3[%get3A_9, %get3A_10, %get3A_11] : memref<1x1000x16xf32, #tpu.memory_space<vmem>>, vector<1x1000x16xf32>
    %get3A_13 = vector.shape_cast %get3A_12 : vector<1x1000x16xf32> to vector<1000x16xf32>
    %get3A_14 = arith.constant 0 : index
    %get3A_15 = arith.constant 0 : index
    %get3A_16 = arith.constant 0 : index
    %get3A_17 = vector.load %arg4[%get3A_14, %get3A_15, %get3A_16] : memref<1x1000x16xf32, #tpu.memory_space<vmem>>, vector<1x1000x16xf32>
    %get3A_18 = vector.shape_cast %get3A_17 : vector<1x1000x16xf32> to vector<1000x16xf32>
    %add3A_19 = arith.addf %get3A_13, %get3A_18 : vector<1000x16xf32>
    %add3A_20 = arith.constant 9.99999971E-10 : f32
    %add3A_21 = vector.broadcast %add3A_20 : f32 to vector<1000x16xf32>
    %add3A_22 = arith.addf %add3A_19, %add3A_21 : vector<1000x16xf32>
    %div3A = arith.constant 1.000000e+00 : f32
    %div3A_23 = vector.broadcast %div3A : f32 to vector<1000x16xf32>
    %div3A_24 = arith.divf %div3A_23, %add3A_22 : vector<1000x16xf32>
    %get3A_25 = arith.constant 0 : index
    %get3A_26 = arith.constant 0 : index
    %get3A_27 = vector.load %arg5[%get3A_25, %get3A_26] : memref<128x16xf32, #tpu.memory_space<vmem>>, vector<128x16xf32>
    %dot_general3A = arith.constant dense<0.000000e+00> : vector<1000x128xf32>
    %dot_general3A_28 = tpu.matmul %div3A_24, %get3A_27, %dot_general3A {dimension_numbers = #tpu.dot_dimension_numbers<[1], [1], [0], [0], [0, 0, 1, 0], [], []>, transpose_lhs_hint = false} : vector<1000x16xf32>, vector<128x16xf32>, vector<1000x128xf32> -> vector<1000x128xf32>
    %mul3A = arith.mulf %add3A, %dot_general3A_28 : vector<1000x128xf32>
    %get3A_29 = arith.constant 0 : index
    %get3A_30 = arith.constant 0 : index
    %get3A_31 = vector.load %arg6[%get3A_29, %get3A_30] : memref<128x128xf32, #tpu.memory_space<vmem>>, vector<128x128xf32>
    %dot_general3A_32 = arith.constant dense<0.000000e+00> : vector<1000x128xf32>
    %dot_general3A_33 = tpu.matmul %mul3A, %get3A_31, %dot_general3A_32 {dimension_numbers = #tpu.dot_dimension_numbers<[1], [1], [0], [0], [0, 0, 1, 0], [], []>, transpose_lhs_hint = false} : vector<1000x128xf32>, vector<128x128xf32>, vector<1000x128xf32> -> vector<1000x128xf32>
    %swap3A = arith.constant 0 : index
    %swap3A_34 = arith.constant 0 : index
    %swap3A_35 = vector.load %arg7[%swap3A, %swap3A_34] : memref<1000x128xf32, #tpu.memory_space<vmem>>, vector<1000x128xf32>
    tpu.vector_store %arg7[%swap3A, %swap3A_34], %dot_general3A_33 {strides = array<i32>} : memref<1000x128xf32, #tpu.memory_space<vmem>>, vector<1000x128xf32>,
    return
  }
  func.func @transform_0(%arg0: i32) -> (i32, i32, i32) {
    %c0_i32 = arith.constant 0 : i32
    %c0_i32_0 = arith.constant 0 : i32
    %c0_i32_1 = arith.constant 0 : i32
    return %c0_i32, %arg0, %c0_i32_0 : i32, i32, i32
  }
  func.func @transform_1(%arg0: i32) -> (i32, i32, i32) {
    %c1_i32 = arith.constant 1 : i32
    %c0_i32 = arith.constant 0 : i32
    %c0_i32_0 = arith.constant 0 : i32
    return %c1_i32, %arg0, %c0_i32 : i32, i32, i32
  }
  func.func @transform_2(%arg0: i32) -> (i32, i32, i32) {
    %c0_i32 = arith.constant 0 : i32
    %c0_i32_0 = arith.constant 0 : i32
    %c0_i32_1 = arith.constant 0 : i32
    return %c0_i32, %arg0, %c0_i32_0 : i32, i32, i32
  }
  func.func @transform_3(%arg0: i32) -> (i32, i32, i32) {
    %c1_i32 = arith.constant 1 : i32
    %c0_i32 = arith.constant 0 : i32
    %c0_i32_0 = arith.constant 0 : i32
    return %c1_i32, %arg0, %c0_i32 : i32, i32, i32
  }
  func.func @transform_4(%arg0: i32) -> (i32, i32) {
    %c0_i32 = arith.constant 0 : i32
    %c0_i32_0 = arith.constant 0 : i32
    %c0_i32_1 = arith.constant 0 : i32
    return %c0_i32, %c0_i32_0 : i32, i32
  }
  func.func @transform_5(%arg0: i32) -> (i32, i32) {
    %c0_i32 = arith.constant 0 : i32
    %c0_i32_0 = arith.constant 0 : i32
    %c0_i32_1 = arith.constant 0 : i32
    return %c0_i32, %c0_i32_0 : i32, i32
  }
  func.func @transform_6(%arg0: i32) -> (i32, i32) {
    %c0_i32 = arith.constant 0 : i32
    %c0_i32_0 = arith.constant 0 : i32
    return %arg0, %c0_i32 : i32, i32
  }
}

</mosaic_0001>

<sc_bundles>
// kernel: kernel.6.cloned.1.call-start
scs
__scs_entry_jumppad:
0x0: {  	(pc) =	sbr.rel $0x88, $3  }
0x1: {  	(tag) =	ssettag $0x0;
	lr =	simm.s32 $0x1  }
0x2: {  	[smem:$0x3F96] =	sst lr;
	_ =	strace $0xD0000000  }
0x3: {  	_ = 	snop  }
0x4: {  	_ = 	snop  }
0x5: {  	_ = 	snop  }
0x6: {  	_ = 	snop  }
0x7: {  	_ = 	snop  }
__scs_overlays_trampoline_lowered:
0x8: {  	[smem:$0x3FA5] =	sst s0  }
0x9: {  	[smem:$0x3FA6] =	sst s1  }
0xa: {  	[smem:$0x3FA7] =	sst s2  }
0xb: {  	[smem:$0x3FA8] =	sst s3  }
0xc: {  	[smem:$0x3FA9] =	sst s4  }
0xd: {  	[smem:$0x3FAA] =	sst s5  }
0xe: {  	[smem:$0x3FAB] =	sst s6  }
0xf: {  	[smem:$0x3FAC] =	sst s7  }
0x10: {  	[smem:$0x3FAD] =	sst s8  }
0x11: {  	[smem:$0x3FAE] =	sst s9;
	s0 =	simm.s32 @!p0 $0x0  }
0x12: {  	s1 =	sld [smem:$0x3F94];
	s0 =	simm.s32 @p0 $0x1  }
0x13: {  	[smem:$0x3FAF] =	sst s0;
	s0 =	simm.s32 @!p1 $0x0  }
0x14: {  	s2 =	sld [smem:$0x3F93];
	s0 =	simm.s32 @p1 $0x1  }
0x15: {  	[smem:$0x3FB0] =	sst s0;
	s0 =	simm.s32 @!p2 $0x0  }
0x16: {  	s3 =	sld [smem:$0x3FDB];
	s0 =	simm.s32 @p2 $0x1  }
0x17: {  	s4 =	simm.s32 $0x1BF5;
	[smem:$0x3FB2] =	sst s0  }
0x18: {  	s0 =	sld [smem:$0x3F95];
	_ =	swait.ge [sflag:s4], $0x0  }
0x19: {  	s7 =	sld [smem:$0x3F96]  }
0x1a: {  	s8 =	sadd.s32 $0xFFFFE003, lr  }
0x1b: {  	s9 =	sadd.s32 $0xFFFFFEF7, lr;
	s5 =	simm.s32 $0xFFFFFFFF;
	p2 =	slt.u32 s8, $0xFFFFF086  }
0x1c: {  	p1 =	slt.u32 s9, $0xF7A;
	s5 =	simm.s32 @!p2 $0x0  }
0x1d: {  	s5 =	simm.s32 @p1 $0x1;
	p0 =	seq.s32 s7, s2  }
0x1e: {  	s7 =	smul.u32 @!p0 $0xF7A, s2;
	p2 =	seq.s32 @!p0 s5, $0x0  }
0x1f: {  	s9 =	smul.u32 $0xF7A, s1;
	s8 =	simm.s32 @!p0 $0x1BF5;
	p2 =	por !p2, p0  }
0x20: {  	[sflag:s8] =	ssyncset.s32 @!p0 $0xFFFFF086;
	s6 =	sadd.s32 @!p0 s3, s7;
	s7 =	simm.s32 @!p0 $0x108  }
0x21: {  	s3 =	sadd.s32 s3, s9;
	s6 =	sadd.s32 @!p0 $0x88, s6;
	s7 =	simm.s32 @p2 $0x1082  }
0x22: {  	[simem:s7], [sflag:s8] =	dma.local @!p0 [hbm:s6], $0xF7A  }
0x23: {  	s9 =	sor.u32 $0xD0000000, s2;
	s6 =	simm.s32 $0x108;
	_ =	swait.ge @!p0 [sflag:s8], $0x0  }
0x24: {  	s3 =	sadd.s32 $0x88, s3;
	s6 =	simm.s32 @!p1 $0x1082;
	[sflag:s4] =	ssyncset.s32 $0xFFFFF086  }
0x25: {  	[simem:s6], [sflag:s4] =	dma.local [hbm:s3], $0xF7A  }
0x26: {  	[smem:$0x3F96] =	sst s1;
	(tag) =	ssettag s2;
	_ =	strace s9  }
0x27: {  	s1 =	sld [smem:$0x3FA6]  }
0x28: {  	s2 =	sld [smem:$0x3FA7]  }
0x29: {  	s4 =	sld [smem:$0x3FA9]  }
0x2a: {  	p0 =	seq.s32 s5, $0x0;
	s5 =	sld [smem:$0x3FAA]  }
0x2b: {  	s6 =	sld [smem:$0x3FAB]  }
0x2c: {  	s7 =	sld [smem:$0x3FAC]  }
0x2d: {  	s3 =	simm.s32 $0x108;
	s8 =	sld [smem:$0x3FAD]  }
0x2e: {  	s3 =	simm.s32 @!p0 $0x1082;
	s9 =	sld [smem:$0x3FAE]  }
0x2f: {  	lr =	sadd.s32 s0, s3;
	s0 =	sld [smem:$0x3FA5]  }
0x30: {  	s3 =	sld [smem:$0x3FA8]  }
0x31: {  	[smem:$0x3FB1] =	sst s10  }
0x32: {  	s10 =	sld [smem:$0x3FAF];
	_ =	sdelay $0x3  }
0x33: {  	p0 =	seq.s32 s10, $0x1;
	s10 =	sld [smem:$0x3FB1];
	_ =	sdelay $0x3  }
0x34: {  	[smem:$0x3FB1] =	sst s10  }
0x35: {  	s10 =	sld [smem:$0x3FB0];
	_ =	sdelay $0x3  }
0x36: {  	p1 =	seq.s32 s10, $0x1;
	s10 =	sld [smem:$0x3FB1];
	_ =	sdelay $0x3  }
0x37: {  	[smem:$0x3FB1] =	sst s10  }
0x38: {  	s10 =	sld [smem:$0x3FB2]  }
0x39: {  	_ = 	snop;
	(pc) =	sbr.ind lr, $3  }
0x3a: {  	_ = 	snop  }
0x3b: {  	_ = 	snop  }
0x3c: {  	p2 =	seq.s32 s10, $0x1;
	s10 =	sld [smem:$0x3FB1]  }
0x3d: {  	_ =	shalt  }
0x3e: {  	_ =	shalt  }
0x3f: {  	_ =	shalt  }
0x40: {  	_ =	shalt  }
0x41: {  	_ =	shalt  }
0x42: {  	_ =	shalt  }
0x43: {  	_ =	shalt  }
0x44: {  	_ =	shalt  }
0x45: {  	_ =	shalt  }
0x46: {  	_ =	shalt  }
0x47: {  	_ =	shalt  }
0x48: {  	_ =	shalt  }
0x49: {  	_ =	shalt  }
0x4a: {  	_ =	shalt  }
0x4b: {  	_ =	shalt  }
0x4c: {  	_ =	shalt  }
0x4d: {  	_ =	shalt  }
0x4e: {  	_ =	shalt  }
0x4f: {  	_ =	shalt  }
0x50: {  	_ =	shalt  }
0x51: {  	_ =	shalt  }
0x52: {  	_ =	shalt  }
0x53: {  	_ =	shalt  }
0x54: {  	_ =	shalt  }
0x55: {  	_ =	shalt  }
0x56: {  	_ =	shalt  }
0x57: {  	_ =	shalt  }
0x58: {  	_ =	shalt  }
0x59: {  	_ =	shalt  }
0x5a: {  	_ =	shalt  }
0x5b: {  	_ =	shalt  }
0x5c: {  	_ =	shalt  }
0x5d: {  	_ =	shalt  }
0x5e: {  	_ =	shalt  }
0x5f: {  	_ =	shalt  }
0x60: {  	_ =	shalt  }
0x61: {  	_ =	shalt  }
0x62: {  	_ =	shalt  }
0x63: {  	_ =	shalt  }
0x64: {  	_ =	shalt  }
0x65: {  	_ =	shalt  }
0x66: {  	_ =	shalt  }
0x67: {  	_ =	shalt  }
0x68: {  	_ =	shalt  }
0x69: {  	_ =	shalt  }
0x6a: {  	_ =	shalt  }
0x6b: {  	_ =	shalt  }
0x6c: {  	_ =	shalt  }
0x6d: {  	_ =	shalt  }
0x6e: {  	_ =	shalt  }
0x6f: {  	_ =	shalt  }
0x70: {  	_ =	shalt  }
0x71: {  	_ =	shalt  }
0x72: {  	_ =	shalt  }
0x73: {  	_ =	shalt  }
0x74: {  	_ =	shalt  }
0x75: {  	_ =	shalt  }
0x76: {  	_ =	shalt  }
0x77: {  	_ =	shalt  }
0x78: {  	_ =	shalt  }
0x79: {  	_ =	shalt  }
0x7a: {  	_ =	shalt  }
0x7b: {  	_ =	shalt  }
0x7c: {  	_ =	shalt  }
0x7d: {  	_ =	shalt  }
0x7e: {  	_ =	shalt  }
0x7f: {  	_ =	shalt  }
0x80: {  	_ =	shalt  }
0x81: {  	_ =	shalt  }
0x82: {  	_ =	shalt  }
0x83: {  	_ =	shalt  }
0x84: {  	_ =	shalt  }
0x85: {  	_ =	shalt  }
0x86: {  	_ =	shalt  }
0x87: {  	_ =	shalt  }
.Lfunc_end0:
.L_simem_size_0:
called_computation_lowered:
.L_overlay_start_0:
0x88: {  	s2 =	sld [smem:$0x3FD9]  }
0x89: {  	s3 =	sld [smem:$0x3FFE];
	_ =	sdelay $0x1  }
0x8a: {  	s1 =	srdreg.scid  }
0x8b: {  	s0 =	sand.u32 $0x1, s1  }
0x8c: {  	s17 =	sshll.u32 s0, $0xA;
	s2 =	sadd.s32 s3, s2  }
0x8d: {  	s2 =	sadd.s32 s2, s17  }
0x8e: {  	[smem:$0x3FBD] =	sst s2  }
0x8f: {  	_ = 	snop  }
0x90: {  	s2 =	sld [smem:$0x3FD0];
	(tm) =	ssettm $0x1  }
0x91: {  	s18 =	sld [smem:$0x3FFB];
	_ =	sdelay $0x3  }
0x92: {  	_ =	strace s18  }
0x93: {  	s3 =	sld [smem:$0x3FFC];
	_ =	sdelay $0x3  }
0x94: {  	_ =	strace s3  }
0x95: {  	s3 =	sld [smem:$0x3FFD];
	_ =	sdelay $0x3  }
0x96: {  	_ =	strace s3  }
0x97: {  	_ =	strace $0x8FFFFFFF  }
0x98: {  	s19 =	sld [smem:$0x3FDB];
	_ =	sdelay $0x1  }
0x99: {  	s4 =	simm.s32 $_scs_section_size  }
0x9a: {  	s5 =	simm.s32 $_size__tile_overlayer_lowered;
	s6 =	simm.s32 $_tile_overlayer_lowered  }
0x9b: {  	s22 =	simm.s32 $0x1BFF;
	s21 =	sshll.u32 s6, $0x1;
	s3 =	sadd.s32 s4, s19  }
0x9c: {  	s7 =	simm.s32 $0x0;
	s20 =	sshll.u32 s5, $0x1;
	s5 =	sadd.s32 s21, s3  }
0x9d: {  	[timem:s7], [sflag:s22] =	dma.local [hbm:s5], s20  }
0x9e: {  	_ =	swait.ge [sflag:s22], s20  }
0x9f: {  	s4 =	ssub.s32 $0x0, s20;
	[sflag:s22] =	ssyncset.done $0x0  }
0xa0: {  	[sflag:s22] =	ssyncadd.s32 s4;
	_ =	sdelay $0x1  }
0xa1: {  	s23 =	simm.s32 $0x1B8B  }
0xa2: {  	_ =	swait.ge [sflag:s23], $0x1  }
0xa3: {  	[sflag:s23] =	ssyncset.done $0x0  }
0xa4: {  	s25 =	simm.s32 $0x1B8E;
	s24 =	sld [smem:$0x3FFE];
	[sflag:s23] =	ssyncadd.s32 $0xFFFFFFFF  }
0xa5: {  	s26 =	simm.s32 $execute0_lowered;
	[smem:$0x3FD2] =	sst s25  }
0xa6: {  	s5 =	sshll.u32 s26, $0x1;
	_ =	strace $0x80000046;
	[dreg:$0x1] =	wrdreg $0xFFFFFFFF  }
0xa7: {  	s28 =	simm.s32 $_size_execute0_lowered;
	s3 =	sadd.s32 s3, s5;
	[dreg:$0x0] =	wrdreg $0x0  }
0xa8: {  	s5 =	sshll.u32 s28, $0x1;
	[dreg:$0x2] =	wrdreg s3  }
0xa9: {  	[dreg:$0x3] =	wrdreg s5  }
0xaa: {  	[dreg:$0x4] =	wrdreg $0xC0  }
0xab: {  	_ =	task [dreg:s7], $0x5FFFF  }
0xac: {  	[dreg:$0x1] =	wrdreg $0xFFFFFFFF  }
0xad: {  	[dreg:$0x0] =	wrdreg $0x60  }
0xae: {  	[dreg:$0x2] =	wrdreg s2  }
0xaf: {  	[dreg:$0x3] =	wrdreg s24  }
0xb0: {  	[dreg:$0x4] =	wrdreg $0x71800  }
0xb1: {  	[dreg:$0x5] =	wrdreg $0x1AA000  }
0xb2: {  	[dreg:$0x6] =	wrdreg $0x9  }
0xb3: {  	_ =	task.clear_ibuf [dreg:s7], $0x7FFFF;
	_ =	strace $0x90000046  }
0xb4: {  	s29 =	simm.s32 $0x9;
	_ =	strace $0x80000048  }
0xb5: {  	_ =	swait.ge [sflag:s29], $0x1  }
0xb6: {  	[sflag:s29] =	ssyncadd.s32 $0xFFFFFFFF  }
0xb7: {  	_ =	strace $0x90000048  }
0xb8: {  	_ =	sfence  }
0xb9: {  	s30 =	sld [smem:$0x0];
	_ =	sdelay $0x2  }
0xba: {  	s31 =	sshll.u32 s1, $0xD;
	s1 =	sshrl.u32 s1, $0x2  }
0xbb: {  	s3 =	sand.u32 $0x4000, s31;
	s1 =	sadd.s32 s1, s30  }
0xbc: {  	s0 =	sor.u32 s3, s0;
	s1 =	sshll.u32 s1, $0x11  }
0xbd: {  	s0 =	sor.u32 s1, s0  }
0xbe: {  	s0 =	sadd.s32 $0x8F2B, s0  }
0xbf: {  	[sflag:s0] =	ssyncadd.remote.s32 $0x1  }
0xc0: {  	_ =	sfence.sel $0xFFFF  }
0xc1: {  	[dreg:$0x0] =	wrdreg $0xFFFFFFFF;
	(pc) =	sbr.abs _section_cstart, $3  }
0xc2: {  	[dreg:$0x1] =	wrdreg $0xFFFFFFFF  }
0xc3: {  	_ =	task.clear_ibuf [dreg:s7], $0x2FFFF;
	_ =	strace $0x9FFFFFFF  }
0xc4: {  	(tm) =	ssettm $0x7FFFFFFF  }
0xc5: {  	_ =	shalt  }
tec
execute0_lowered:
.L_overlay_start_1:
0x0: {  	(tag) =	ssettag $0x1  }
0x1: {  	s0 =	rddreg [dreg:$0x1]  }
0x2: {  	s2 =	rddreg [dreg:$0x2];
	s4 =	simm.s32 $0x0  }
0x3: {  	s22 =	srdreg.scid;
	s6 =	stileid.u32;
	s28 =	simm.s32 $0x80  }
0x4: {  	s30 =	simm.s32 $0x1180;
	s31 =	simm.s32 $0x3180;
	s1 =	sadd.s32 $0x4F8200, s0  }
0x5: {  	s29 =	simm.s32 $0x20;
	s21 =	sadd.s32 $0x51F400, s0;
	s3 =	sadd.s32 $0x546600, s0  }
0x6: {  	[smem:$0x7FF] =	sst s4;
	s23 =	sadd.s32 $0xA28600, s0;
	s5 =	smul.u32 $0x50, s6  }
0x7: {  	s13 =	smul.u32 $0x2800, s6;
	_ =	strace $0x80000047;
	[dreg:$0x5] =	wrdreg s1  }
0x8: {  	s10 =	sadd.s32 $0x29800, s0;
	s8 =	smul.u32 $0x13800, s6;
	[dreg:$0x6] =	wrdreg s21  }
0x9: {  	s20 =	sadd.s32 $0x33800, s0;
	p0 =	sne.s32 s6, $0xF;
	[dreg:$0x7] =	wrdreg s3  }
0xa: {  	s1 =	sand.u32 $0x1, s22;
	[dreg:$0x8] =	wrdreg s23;
	s23 =	sadd.s32 $0xF0A600, s0  }
0xb: {  	s24 =	ssub.s32 $0x2, s1;
	s12 =	smul.u32 $0x28000, s1;
	s14 =	sadd.s32 $0x20, s5  }
0xc: {  	s16 =	sadd.s32 $0x30, s5;
	s19 =	sadd.s32 $0x40, s5;
	s17 =	smul.u32 $0x138800, s1  }
0xd: {  	v0 =	vlaneseq.u32;
	[dreg:$0xe] =	wrdreg s23;
	s23 =	smul.u32 $0x270, s6;
	s11 =	sshrl.u32 s24, $0x1  }
0xe: {  	s26 =	sshll.u32 s14, $0x7;
	s18 =	sshll.u32 s19, $0x7;
	v3 =	vor.u32 s14, v0;
	s14 =	simm.s32 $0x3  }
0xf: {  	s3 =	ssub.s32 s24, s11;
	s11 =	sadd.s32 $0x10, s5;
	s13 =	sadd.s32 s13, s12  }
0x10: {  	s21 =	sadd.s32 s8, s17;
	s22 =	sshrl.u32 s17, $0x3;
	s17 =	sadd.s32 $0x4EE400, s0  }
0x11: {  	s15 =	sshll.u32 s11, $0x7;
	s13 =	sshrl.u32 s13, $0x3;
	v2 =	vor.u32 s11, v0;
	s11 =	simm.s32 $0x5180  }
0x12: {  	s15 =	sadd.s32 s12, s15;
	s7 =	sadd.s32 s10, s13;
	s13 =	sadd.s32 s12, s26  }
0x13: {  	s26 =	smax.u32 s3, $0x1;
	s3 =	simm.s32 $0x0;
	s15 =	sshrl.u32 s15, $0x3  }
0x14: {  	[dreg:$0x9] =	wrdreg s7;
	s7 =	sshll.u32 s16, $0x7;
	s13 =	sshrl.u32 s13, $0x3  }
0x15: {  	[dreg:$0x12] =	wrdreg s26;
	s26 =	simm.s32 $0x180;
	s25 =	sadd.s32 s10, s15  }
0x16: {  	s15 =	sadd.s32 s12, s7;
	s12 =	sadd.s32 s12, s18;
	s9 =	sadd.s32 s10, s13  }
0x17: {  	s18 =	sadd.s32 $0x4E4600, s0;
	s0 =	sadd.s32 $0x2600, s0;
	[dreg:$0xa] =	wrdreg s25  }
0x18: {  	s15 =	sshrl.u32 s15, $0x3;
	s12 =	sshrl.u32 s12, $0x3;
	[dreg:$0xb] =	wrdreg s9  }
0x19: {  	[dreg:$0x10] =	wrdreg s0;
	s0 =	simm.s32 $0x2180;
	s13 =	sadd.s32 s10, s15  }
0x1a: {  	s15 =	sadd.s32 s10, s12;
	s12 =	sshrl.u32 s21, $0x3;
	[dreg:$0xc] =	wrdreg s13  }
0x1b: {  	s10 =	simm.s32 $0x4180;
	[dreg:$0xd] =	wrdreg s15;
	s13 =	sadd.s32 s20, s22  }
0x1c: {  	vm0 =	vmmov $0xffff;
	v4 =	vmul.u32 $0x80, v0;
	s24 =	sadd.s32 s12, s20;
	s20 =	sshll.u32 s1, $0x4;
	s12 =	simm.s32 $0x1  }
0x1d: {  	v8 =	vimm.f32 $0.0e+00;
	vm1 =	vmmov @!p0 $0xffff;
	v1 =	vor.u32 s5, v0;
	[dreg:$0xf] =	wrdreg s24;
	s25 =	sadd.s32 $0x27000, s13;
	s24 =	simm.s32 $0x6180  }
0x1e: {  	v7 =	vor.u32 $0x800, v4;
	v5 =	vor.u32 s16, v0;
	v6 =	vor.u32 s19, v0;
	s13 =	simm.s32 $0x2;
	[dreg:$0x11] =	wrdreg s25;
	s25 =	simm.s32 $0x4  }
.LBB2_1:
0x1f: {  	[dreg:$0x13] =	wrdreg s3  }
0x20: {  	s21 =	rddreg [dreg:$0x10]  }
0x21: {  	[tilespmem:s24], [sflag:$0x4] =	stream.linear.gather [hbm4b:s21+s4], $0x1000, $0x38;
	[tilespmem:$0x1D200] =	vst v63  }
0x22: {  	_ =	swait.ge [sflag:s25], $0x1000  }
0x23: {  	s1 =	sadd.s32 $0x0, s23;
	[sflag:s25] =	ssyncset.done $0x0  }
0x24: {  	v9 =	vor.u32 s1, v0;
	[sflag:s25] =	ssyncadd.s32 $0xFFFFF000  }
0x25: {  	[tilespmem:s26], [sflag:$0x4] =	stream.linear.gather [hbm4b:s21+s4], $0x800, $0x38;
	[tilespmem:$0x1D200] =	vst v63  }
0x26: {  	_ =	swait.ge [sflag:s25], $0x800  }
0x27: {  	[sflag:s25] =	ssyncset.done $0x0  }
0x28: {  	s22 =	sadd.s32 $0x10, s23;
	[sflag:s25] =	ssyncadd.s32 $0xFFFFF800  }
0x29: {  	[spmem:s2] =	stream.indirect_vreg.scatter [tilespmem:s26], [sflag:$0x4], $0x80, v9, vm0, $0xb8;
	v9 =	vor.u32 s22, v0;
	[tilespmem:$0x1D200] =	vst v63  }
0x2a: {  	_ = 	snop  }
0x2b: {  	_ =	swait.ge [sflag:s25], $0x800  }
0x2c: {  	s1 =	simm.s32 $0x20;
	[sflag:s25] =	ssyncset.done $0x0  }
.LBB2_2:
0x2d: {  	s3 =	sadd.s32 s1, s23;
	[sflag:s25] =	ssyncadd.s32 $0xFFFFF800;
	p1 =	sne.s32 s1, $0x260  }
0x2e: {  	[spmem:s2] =	stream.indirect_vreg.scatter [tilespmem:s26], [sflag:$0x4], $0x80, v9, vm0, $0xb8;
	[tilespmem:$0x1D200] =	vst v63  }
.Ltmp0:
0x2f: {  	_ = 	snop;
	(pc) =	sbr.rel @p1 .LBB2_2-.Ltmp0, $3  }
0x30: {  	v9 =	vor.u32 s3, v0;
	_ =	sdelay $0x1  }
0x31: {  	s1 =	sadd.s32 $0x10, s1;
	_ =	swait.ge [sflag:s25], $0x800  }
0x32: {  	[sflag:s25] =	ssyncset.done $0x0  }
0x33: {  	_ =	sdelay $0x1  }
0x34: {  	v10 =	vlaneseq.u32 @!p0  }
0x35: {  	[sflag:s25] =	ssyncadd.s32 $0xFFFFF800;
	v10 =	vor.u32 @!p0 $0x2700, v10  }
0x36: {  	[spmem:s2] =	stream.indirect_vreg.scatter [tilespmem:s26], [sflag:$0x4], $0x80, v9, vm0, $0xb8;
	[tilespmem:$0x1D200] =	vst v63  }
0x37: {  	_ =	swait.ge [sflag:s25], $0x800  }
0x38: {  	[sflag:s25] =	ssyncset.done $0x0  }
0x39: {  	s1 =	simm.s32 @!p0 $0x180;
	[sflag:s25] =	ssyncadd.s32 $0xFFFFF800  }
0x3a: {  	[spmem:s2] =	stream.indirect_vreg.scatter @!p0 [tilespmem:s1], [sflag:$0x4], $0x80, v10, vm1, $0xb8;
	[tilespmem:$0x1D200] =	vst v63  }
0x3b: {  	s1 =	simm.s32 @!p0 $0x4  }
0x3c: {  	_ =	swait.ge @!p0 [sflag:s1], $0x800  }
0x3d: {  	[sflag:s1] =	ssyncset.done @!p0 $0x0  }
0x3e: {  	[sflag:s1] =	ssyncadd.s32 @!p0 $0xFFFFF800  }
0x3f: {  	s1 =	rddreg [dreg:$0x3]  }
0x40: {  	[spmem:s1] =	stream.indirect_vreg.scatter [tilespmem:s26], [sflag:$0x4], $0x80, v1, vm0, $0xb8;
	[tilespmem:$0x1D200] =	vst v63  }
0x41: {  	_ =	swait.ge [sflag:s25], $0x800  }
0x42: {  	[sflag:s25] =	ssyncset.done $0x0  }
0x43: {  	[sflag:s25] =	ssyncadd.s32 $0xFFFFF800  }
0x44: {  	[spmem:s1] =	stream.indirect_vreg.scatter [tilespmem:s26], [sflag:$0x4], $0x80, v2, vm0, $0xb8;
	[tilespmem:$0x1D200] =	vst v63  }
0x45: {  	_ =	swait.ge [sflag:s25], $0x800  }
0x46: {  	[sflag:s25] =	ssyncset.done $0x0  }
0x47: {  	[sflag:s25] =	ssyncadd.s32 $0xFFFFF800  }
0x48: {  	[spmem:s1] =	stream.indirect_vreg.scatter [tilespmem:s26], [sflag:$0x4], $0x80, v3, vm0, $0xb8;
	[tilespmem:$0x1D200] =	vst v63  }
0x49: {  	_ =	swait.ge [sflag:s25], $0x800  }
0x4a: {  	[sflag:s25] =	ssyncset.done $0x0  }
0x4b: {  	[sflag:s25] =	ssyncadd.s32 $0xFFFFF800  }
0x4c: {  	[spmem:s1] =	stream.indirect_vreg.scatter [tilespmem:s26], [sflag:$0x4], $0x80, v5, vm0, $0xb8;
	[tilespmem:$0x1D200] =	vst v63  }
0x4d: {  	_ =	swait.ge [sflag:s25], $0x800  }
0x4e: {  	[sflag:s25] =	ssyncset.done $0x0  }
0x4f: {  	[sflag:s25] =	ssyncadd.s32 $0xFFFFF800  }
0x50: {  	[spmem:s1] =	stream.indirect_vreg.scatter [tilespmem:s26], [sflag:$0x4], $0x80, v6, vm0, $0xb8;
	[tilespmem:$0x1D200] =	vst v63  }
.Ltmp1:
0x51: {  	_ =	swait.ge [sflag:s25], $0x800;
	(pc) =	sbr.rel .LBB2_4-.Ltmp1, $4  }
0x52: {  	[sflag:s25] =	ssyncset.done $0x0  }
0x53: {  	[sflag:s25] =	ssyncadd.s32 $0xFFFFF800  }
0x54: {  	[bflag:$0x0] =	sbarrier.arrive $0xFFFF  }
0x55: {  	s19 =	simm.s32 $0x0  }
.LBB2_18:
0x56: {  	s19 =	sadd.s32 $0x1, s19  }
0x57: {  	p1 =	sne.s32 s19, $0x139  }
.Ltmp2:
0x58: {  	_ = 	snop;
	(pc) =	sbr.rel @!p1 .LBB2_19-.Ltmp2, $1  }
0x59: {  	_ =	sdelay $0x3  }
.LBB2_4:
0x5a: {  	s1 =	sshll.u32 s19, $0x5  }
0x5b: {  	s1 =	sor.u32 s20, s1  }
0x5c: {  	p1 =	sgt.u32 s1, $0x270F  }
.Ltmp3:
0x5d: {  	_ = 	snop;
	(pc) =	sbr.rel @p1 .LBB2_18-.Ltmp3, $1  }
0x5e: {  	_ =	sdelay $0x3  }
0x5f: {  	s3 =	stileid.u32  }
0x60: {  	s1 =	sor.u32 s3, s1  }
0x61: {  	s3 =	sshll.u32 s1, $0x2  }
0x62: {  	s16 =	simm.s32 $0x0;
	s5 =	sadd.s32 s17, s3  }
0x63: {  	[tilespmem:s16], [sflag:$0x4] =	stream.linear.gather [hbm4b:s5+s16], $0x20, $0x38;
	[tilespmem:$0x1D200] =	vst v63  }
0x64: {  	_ =	swait.ge [sflag:s25], $0x20  }
0x65: {  	[sflag:s25] =	ssyncset.done $0x0  }
0x66: {  	s3 =	sadd.s32 s18, s3;
	[sflag:s25] =	ssyncadd.s32 $0xFFFFFFE0  }
0x67: {  	[tilespmem:s28], [sflag:$0x4] =	stream.linear.gather [hbm4b:s3+s16], $0x20, $0x38;
	[tilespmem:$0x1D200] =	vst v63  }
0x68: {  	_ =	swait.ge [sflag:s25], $0x20  }
0x69: {  	[sflag:s25] =	ssyncset.done $0x0  }
0x6a: {  	s21 =	rddreg [dreg:$0x5];
	[sflag:s25] =	ssyncadd.s32 $0xFFFFFFE0  }
0x6b: {  	s15 =	rddreg [dreg:$0x0]  }
0x6c: {  	[tilespmem:s26], [sflag:$0x1] =	stream.indirect.gather [hbm4b:s15+s29], $0x80, s28, s29, $0xb8;
	[tilespmem:$0x1D200] =	vst v63  }
0x6d: {  	s22 =	rddreg [dreg:$0x6]  }
0x6e: {  	[tilespmem:s30], [sflag:$0x2] =	stream.indirect.gather [hbm4b:s21+s29], $0x80, s16, s29, $0xb8;
	[tilespmem:$0x1D200] =	vst v63  }
0x6f: {  	s1 =	sshll.u32 s1, $0x9;
	s5 =	rddreg [dreg:$0x7]  }
0x70: {  	[tilespmem:s31], [sflag:$0x3] =	stream.indirect.gather [hbm4b:s22+s29], $0x80, s16, s29, $0xb8;
	[tilespmem:$0x1D200] =	vst v63  }
0x71: {  	s3 =	sadd.s32 s5, s1  }
0x72: {  	[tilespmem:s0], [sflag:$0x4] =	stream.linear.gather [hbm4b:s3+s16], $0x1000, $0x38;
	[tilespmem:$0x1D200] =	vst v63  }
0x73: {  	_ =	swait.ge [sflag:s25], $0x1000  }
0x74: {  	[sflag:s25] =	ssyncset.done $0x0;
	s6 =	rddreg [dreg:$0x8]  }
0x75: {  	[sflag:s25] =	ssyncadd.s32 $0xFFFFF000;
	s3 =	sadd.s32 s6, s1  }
0x76: {  	[tilespmem:s10], [sflag:$0x4] =	stream.linear.gather [hbm4b:s3+s16], $0x1000, $0x38;
	[tilespmem:$0x1D200] =	vst v63  }
0x77: {  	_ =	swait.ge [sflag:s25], $0x1000  }
0x78: {  	[sflag:s25] =	ssyncset.done $0x0;
	s7 =	rddreg [dreg:$0xe]  }
0x79: {  	[sflag:s25] =	ssyncadd.s32 $0xFFFFF000;
	s1 =	sadd.s32 s7, s1  }
0x7a: {  	[tilespmem:s11], [sflag:$0x4] =	stream.linear.gather [hbm4b:s1+s16], $0x1000, $0x38;
	[tilespmem:$0x1D200] =	vst v63  }
0x7b: {  	_ =	swait.ge [sflag:s25], $0x1000  }
0x7c: {  	[sflag:s25] =	ssyncset.done $0x0  }
0x7d: {  	[sflag:s25] =	ssyncadd.s32 $0xFFFFF000  }
0x7e: {  	_ =	swait.ge [sflag:s12], $0x1000  }
0x7f: {  	[sflag:s12] =	ssyncset.done $0x0  }
0x80: {  	[sflag:s12] =	ssyncadd.s32 $0xFFFFF000  }
0x81: {  	_ =	swait.ge [sflag:s13], $0x1000  }
0x82: {  	s9 =	simm.s32 $0x5;
	[sflag:s13] =	ssyncset.done $0x0  }
0x83: {  	s8 =	simm.s32 $0x4;
	v12 =	vmov s9;
	[sflag:s13] =	ssyncadd.s32 $0xFFFFF000  }
0x84: {  	v11 =	vmov s8;
	v12 =	vand.u32 $0x7D, v12;
	s15 =	simm.s32 $0x6;
	_ =	swait.ge [sflag:s14], $0x1000  }
0x85: {  	v11 =	vand.u32 $0x7C, v11;
	v12 =	vbroadcast v12, $0x0;
	v13 =	vmov s15;
	[sflag:s14] =	ssyncset.done $0x0  }
0x86: {  	v11 =	vbroadcast v11, $0x0;
	v13 =	vand.u32 $0x7E, v13;
	[sflag:s14] =	ssyncadd.s32 $0xFFFFF000  }
0x87: {  	v12 =	vor.u32 v4, v12;
	s5 =	simm.s32 $0x0;
	v13 =	vbroadcast v13, $0x0;
	s22 =	simm.s32 $0x3;
	v9 =	vld [tilespmem:$0x80]  }
0x88: {  	v11 =	vor.u32 v4, v11;
	v17 =	vmov s5;
	s21 =	simm.s32 $0x2;
	v15 =	vmov s22  }
0x89: {  	v14 =	vmov s21;
	v13 =	vor.u32 v4, v13;
	v15 =	vand.u32 $0x7B, v15;
	s3 =	simm.s32 $0x1  }
0x8a: {  	v14 =	vand.u32 $0x7A, v14;
	v15 =	vbroadcast v15, $0x0;
	v16 =	vmov s3  }
0x8b: {  	v17 =	vand.u32 $0x78, v17;
	v14 =	vbroadcast v14, $0x0;
	v16 =	vand.u32 $0x79, v16  }
0x8c: {  	v15 =	vor.u32 v4, v15;
	v16 =	vbroadcast v16, $0x0;
	v10 =	vshrl.u32 v9, $0x3  }
0x8d: {  	v14 =	vor.u32 v4, v14;
	[tilespmem:$0x100] =	vst v10;
	v10 =	vbroadcast v17, $0x0  }
0x8e: {  	v16 =	vor.u32 v4, v16;
	v17 =	vld.idx.msk [tilespmem:v13+s26+$0x0], $0xffff  }
0x8f: {  	v18 =	vld.idx.msk [tilespmem:v12+s26+$0x0], $0xffff;
	v10 =	vor.u32 v4, v10  }
0x90: {  	v19 =	vld.idx.msk [tilespmem:v11+s26+$0x0], $0xffff  }
0x91: {  	v20 =	vld.idx.msk [tilespmem:v15+s26+$0x0], $0xffff  }
0x92: {  	v21 =	vld.idx.msk [tilespmem:v14+s26+$0x0], $0xffff  }
0x93: {  	v22 =	vld.idx.msk [tilespmem:v16+s26+$0x0], $0xffff  }
0x94: {  	v23 =	vld.idx.msk [tilespmem:v10+s26+$0x0], $0xffff  }
0x95: {  	v24 =	vld.idx.msk [tilespmem:v10+s30+$0x0], $0xffff  }
0x96: {  	v10 =	vld.idx.msk [tilespmem:v10+s0+$0x0], $0xffff  }
0x97: {  	v25 =	vld.idx.msk [tilespmem:v16+s30+$0x0], $0xffff  }
0x98: {  	v16 =	vld.idx.msk [tilespmem:v16+s0+$0x0], $0xffff  }
0x99: {  	s1 =	simm.s32 $0x7;
	v26 =	vld.idx.msk [tilespmem:v14+s30+$0x0], $0xffff  }
0x9a: {  	v27 =	vmov s1;
	v14 =	vld.idx.msk [tilespmem:v14+s0+$0x0], $0xffff  }
0x9b: {  	v27 =	vand.u32 $0x7F, v27;
	v28 =	vld.idx.msk [tilespmem:v15+s30+$0x0], $0xffff;
	v10 =	vadd.f32 v10, v24  }
0x9c: {  	v59 =	vbroadcast v27, $0x0;
	v15 =	vld.idx.msk [tilespmem:v15+s0+$0x0], $0xffff  }
0x9d: {  	v60 =	vld.idx.msk [tilespmem:v11+s30+$0x0], $0xffff;
	v16 =	vadd.f32 v16, v25;
	v10 =	vmul.f32 v10, v23  }
0x9e: {  	v61 =	vor.u32 v4, v59;
	v11 =	vld.idx.msk [tilespmem:v11+s0+$0x0], $0xffff  }
0x9f: {  	v62 =	vld.idx.msk [tilespmem:v12+s30+$0x0], $0xffff;
	v14 =	vadd.f32 v14, v26;
	v16 =	vmul.f32 v16, v22;
	v10 =	vadd.f32 $0.0e+00, v10  }
0xa0: {  	v12 =	vld.idx.msk [tilespmem:v12+s0+$0x0], $0xffff  }
0xa1: {  	v63 =	vld.idx.msk [tilespmem:v13+s30+$0x0], $0xffff;
	v15 =	vadd.f32 v15, v28;
	v14 =	vmul.f32 v14, v21;
	v10 =	vadd.f32 v16, v10  }
0xa2: {  	v13 =	vld.idx.msk [tilespmem:v13+s0+$0x0], $0xffff  }
0xa3: {  	v11 =	vadd.f32 v11, v60;
	v16 =	vld.idx.msk [tilespmem:v61+s30+$0x0], $0xffff;
	v10 =	vadd.f32 v14, v10;
	v14 =	vmul.f32 v15, v20  }
0xa4: {  	v15 =	vld.idx.msk [tilespmem:v61+s0+$0x0], $0xffff  }
0xa5: {  	v12 =	vadd.f32 v12, v62;
	v11 =	vmul.f32 v11, v19;
	v10 =	vadd.f32 v14, v10  }
0xa6: {  	v19 =	vor.u32 s16, v4;
	v14 =	vld.idx.msk [tilespmem:v61+s26+$0x0], $0xffff  }
0xa7: {  	v10 =	vadd.f32 v11, v10;
	v11 =	vmul.f32 v12, v18;
	v12 =	vadd.f32 v13, v63;
	_ =	sdelay $0x1  }
0xa8: {  	v10 =	vadd.f32 v11, v10;
	v11 =	vmul.f32 v12, v17;
	v12 =	vadd.f32 v15, v16;
	_ =	sdelay $0x1  }
0xa9: {  	v10 =	vadd.f32 v11, v10;
	v11 =	vmul.f32 v12, v14  }
0xaa: {  	v12 =	vld.idx.msk [tilespmem:v19+s11+$0x0], $0xffff  }
0xab: {  	v10 =	vadd.f32 v11, v10;
	_ =	sdelay $0x1  }
0xac: {  	v10 =	vmul.f32 $3.535533850e-01, v10;
	_ =	sdelay $0x1  }
0xad: {  	v10 =	vadd.f32 v10, v12;
	_ =	sdelay $0x1  }
0xae: {  	v9 =	vshll.u32 v9, $0x4;
	v10 =	vmul.f32 $1.442695020e+00, v10  }
0xaf: {  	v9 =	vand.u32 $0x70, v9  }
0xb0: {  	v9 =	vor.u32 v4, v9;
	(erf) = vpow2.f32 v10  }
0xb1: {  	s8 =	simm.s32 $0xE;
	s15 =	simm.s32 $0xB;
	s21 =	simm.s32 $0x9;
	v13 =	vor.u32 s16, v9  }
0xb2: {  	s6 =	simm.s32 $0xC;
	s7 =	simm.s32 $0xD;
	v15 =	vmov s15;
	v16 =	vmov s21;
	v12 =	vmov s8  }
0xb3: {  	v11 =	vmov s7;
	v12 =	vand.u32 $0x7E, v12;
	v10 =	vmov s6  }
0xb4: {  	s22 =	simm.s32 $0x8;
	v11 =	vand.u32 $0x7D, v11;
	v12 =	vbroadcast v12, $0x0;
	v10 =	vand.u32 $0x7C, v10  }
0xb5: {  	s9 =	simm.s32 $0xA;
	v17 =	vmov s22;
	v11 =	vbroadcast v11, $0x0;
	v18 =	vbroadcast v10, $0x0  }
0xb6: {  	v15 =	vand.u32 $0x7B, v15;
	v14 =	vmov s9;
	v10 =	vor.u32 v4, v12  }
0xb7: {  	v11 =	vor.u32 v4, v11;
	v12 =	vand.u32 $0x7A, v14;
	v14 =	vbroadcast v15, $0x0  }
0xb8: {  	s5 =	simm.s32 $0x0;
	v16 =	vand.u32 $0x79, v16;
	v15 =	vbroadcast v12, $0x0;
	v12 =	vor.u32 v4, v18  }
0xb9: {  	s3 =	simm.s32 $0x17;
	s22 =	simm.s32 $0xF;
	s21 =	simm.s32 $0xF;
	v17 =	vand.u32 $0x78, v17;
	v16 =	vbroadcast v16, $0x0;
	v14 =	vor.u32 v4, v14;
	v18 =	vpop (erf)  }
.LBB2_6:
0xba: {  	p1 =	sne.s32 s3, $0x7F;
	v17 =	vbroadcast v17, $0x0;
	v15 =	vor.u32 v4, v15;
	[tilespmem:v13+s24+$0x0] =	vst.idx.msk $0xffff, v18  }
0xbb: {  	v13 =	vor.u32 v4, v16;
	v16 =	vld.idx.msk [tilespmem:v10+s26+$0x0], $0xffff  }
0xbc: {  	v17 =	vor.u32 v4, v17;
	v18 =	vld.idx.msk [tilespmem:v11+s26+$0x0], $0xffff  }
0xbd: {  	v19 =	vld.idx.msk [tilespmem:v12+s26+$0x0], $0xffff  }
0xbe: {  	v20 =	vld.idx.msk [tilespmem:v14+s26+$0x0], $0xffff  }
0xbf: {  	v21 =	vld.idx.msk [tilespmem:v15+s26+$0x0], $0xffff  }
0xc0: {  	v22 =	vld.idx.msk [tilespmem:v13+s26+$0x0], $0xffff  }
0xc1: {  	v23 =	vld.idx.msk [tilespmem:v17+s26+$0x0], $0xffff  }
0xc2: {  	v24 =	vld.idx.msk [tilespmem:v17+s30+$0x0], $0xffff  }
0xc3: {  	v17 =	vld.idx.msk [tilespmem:v17+s0+$0x0], $0xffff  }
0xc4: {  	v25 =	vld.idx.msk [tilespmem:v13+s30+$0x0], $0xffff  }
0xc5: {  	v13 =	vld.idx.msk [tilespmem:v13+s0+$0x0], $0xffff  }
0xc6: {  	v26 =	vld.idx.msk [tilespmem:v15+s30+$0x0], $0xffff  }
0xc7: {  	v27 =	vmov s21;
	s21 =	smov.u32 s3;
	v15 =	vld.idx.msk [tilespmem:v15+s0+$0x0], $0xffff  }
0xc8: {  	v27 =	vand.u32 $0x7F, v27;
	v28 =	vld.idx.msk [tilespmem:v14+s30+$0x0], $0xffff  }
0xc9: {  	v17 =	vadd.f32 v17, v24;
	v24 =	vbroadcast v27, $0x0;
	v14 =	vld.idx.msk [tilespmem:v14+s0+$0x0], $0xffff  }
0xca: {  	v27 =	vld.idx.msk [tilespmem:v12+s30+$0x0], $0xffff  }
0xcb: {  	v17 =	vmul.f32 v17, v23;
	v13 =	vadd.f32 v13, v25;
	v23 =	vor.u32 v4, v24;
	v12 =	vld.idx.msk [tilespmem:v12+s0+$0x0], $0xffff  }
0xcc: {  	v24 =	vld.idx.msk [tilespmem:v11+s30+$0x0], $0xffff  }
0xcd: {  	v17 =	vadd.f32 $0.0e+00, v17;
	v13 =	vmul.f32 v13, v22;
	v15 =	vadd.f32 v15, v26;
	v11 =	vld.idx.msk [tilespmem:v11+s0+$0x0], $0xffff  }
0xce: {  	v22 =	vld.idx.msk [tilespmem:v10+s30+$0x0], $0xffff  }
0xcf: {  	v13 =	vadd.f32 v13, v17;
	v15 =	vmul.f32 v15, v21;
	v14 =	vadd.f32 v14, v28;
	v10 =	vld.idx.msk [tilespmem:v10+s0+$0x0], $0xffff  }
0xd0: {  	v17 =	vld.idx.msk [tilespmem:v23+s30+$0x0], $0xffff  }
0xd1: {  	v13 =	vadd.f32 v15, v13;
	v14 =	vmul.f32 v14, v20;
	v12 =	vadd.f32 v12, v27;
	v15 =	vld.idx.msk [tilespmem:v23+s0+$0x0], $0xffff;
	_ =	sdelay $0x1  }
0xd2: {  	s5 =	sadd.s32 $0x1, s5;
	v13 =	vadd.f32 v14, v13;
	v12 =	vmul.f32 v12, v19;
	v11 =	vadd.f32 v11, v24;
	v14 =	vld.idx.msk [tilespmem:v23+s26+$0x0], $0xffff  }
0xd3: {  	v19 =	vor.u32 s5, v4  }
0xd4: {  	v12 =	vadd.f32 v12, v13;
	v11 =	vmul.f32 v11, v18;
	v10 =	vadd.f32 v10, v22;
	_ =	sdelay $0x1  }
0xd5: {  	v11 =	vadd.f32 v11, v12;
	v10 =	vmul.f32 v10, v16;
	v12 =	vadd.f32 v15, v17;
	_ =	sdelay $0x1  }
0xd6: {  	v10 =	vadd.f32 v10, v11;
	v11 =	vmul.f32 v12, v14;
	v12 =	vld.idx.msk [tilespmem:v19+s11+$0x0], $0xffff;
	_ =	sdelay $0x1  }
0xd7: {  	v10 =	vadd.f32 v11, v10;
	_ =	sdelay $0x1  }
0xd8: {  	v10 =	vmul.f32 $3.535533850e-01, v10;
	_ =	sdelay $0x1  }
0xd9: {  	v10 =	vadd.f32 v10, v12;
	_ =	sdelay $0x1  }
0xda: {  	v10 =	vmul.f32 $1.442695020e+00, v10;
	_ =	sdelay $0x1  }
0xdb: {  	(erf) = vpow2.f32 v10  }
0xdc: {  	s6 =	sadd.s32 $0xFFFFFFFD, s3;
	s7 =	sadd.s32 $0xFFFFFFFE, s3;
	s8 =	sadd.s32 $0xFFFFFFFF, s3;
	v13 =	vor.u32 s5, v9  }
0xdd: {  	s9 =	sadd.s32 $0xFFFFFFFB, s3;
	s15 =	sadd.s32 $0xFFFFFFFC, s3;
	v11 =	vmov s7;
	v12 =	vmov s8;
	v10 =	vmov s6  }
0xde: {  	v15 =	vmov s15;
	v14 =	vmov s9;
	v12 =	vand.u32 $0x7E, v12;
	s6 =	sadd.s32 $0xFFFFFFFA, s3  }
0xdf: {  	s7 =	sadd.s32 $0xFFFFFFF9, s3;
	v11 =	vand.u32 $0x7D, v11;
	v12 =	vbroadcast v12, $0x0;
	v16 =	vmov s6  }
.Ltmp4:
0xe0: {  	v17 =	vmov s7;
	v11 =	vbroadcast v11, $0x0;
	v10 =	vand.u32 $0x7C, v10;
	(pc) =	sbr.rel @p1 .LBB2_6-.Ltmp4, $4  }
0xe1: {  	v15 =	vand.u32 $0x7B, v15;
	v19 =	vbroadcast v10, $0x0;
	v10 =	vor.u32 v4, v12  }
0xe2: {  	v11 =	vor.u32 v4, v11;
	v12 =	vand.u32 $0x7A, v14;
	v14 =	vbroadcast v15, $0x0  }
0xe3: {  	v16 =	vand.u32 $0x79, v16;
	v15 =	vbroadcast v12, $0x0;
	v12 =	vor.u32 v4, v19  }
0xe4: {  	v17 =	vand.u32 $0x78, v17;
	s3 =	sadd.s32 $0x8, s3;
	v16 =	vbroadcast v16, $0x0;
	v14 =	vor.u32 v4, v14;
	v18 =	vpop (erf)  }
0xe5: {  	_ =	sdelay $0x3  }
0xe6: {  	v17 =	vbroadcast v17, $0x0;
	v15 =	vor.u32 v4, v15;
	[tilespmem:v13+s24+$0x0] =	vst.idx.msk $0xffff, v18  }
0xe7: {  	v13 =	vor.u32 v4, v16;
	v56 =	vld.idx.msk [tilespmem:v10+s26+$0x0], $0xffff  }
0xe8: {  	v18 =	vld.idx.msk [tilespmem:v11+s26+$0x0], $0xffff;
	v17 =	vor.u32 v4, v17  }
0xe9: {  	v19 =	vld.idx.msk [tilespmem:v12+s26+$0x0], $0xffff  }
0xea: {  	v20 =	vld.idx.msk [tilespmem:v14+s26+$0x0], $0xffff  }
0xeb: {  	v21 =	vld.idx.msk [tilespmem:v15+s26+$0x0], $0xffff  }
0xec: {  	v22 =	vld.idx.msk [tilespmem:v13+s26+$0x0], $0xffff  }
0xed: {  	v23 =	vld.idx.msk [tilespmem:v17+s26+$0x0], $0xffff  }
0xee: {  	v24 =	vld.idx.msk [tilespmem:v17+s30+$0x0], $0xffff  }
0xef: {  	v17 =	vld.idx.msk [tilespmem:v17+s0+$0x0], $0xffff  }
0xf0: {  	v25 =	vld.idx.msk [tilespmem:v13+s30+$0x0], $0xffff  }
0xf1: {  	v13 =	vld.idx.msk [tilespmem:v13+s0+$0x0], $0xffff  }
0xf2: {  	v26 =	vld.idx.msk [tilespmem:v15+s30+$0x0], $0xffff  }
0xf3: {  	v27 =	vmov s21;
	v15 =	vld.idx.msk [tilespmem:v15+s0+$0x0], $0xffff  }
0xf4: {  	v28 =	vld.idx.msk [tilespmem:v14+s30+$0x0], $0xffff;
	v27 =	vand.u32 $0x7F, v27;
	v17 =	vadd.f32 v17, v24  }
0xf5: {  	v14 =	vld.idx.msk [tilespmem:v14+s0+$0x0], $0xffff;
	v57 =	vbroadcast v27, $0x0  }
0xf6: {  	v58 =	vld.idx.msk [tilespmem:v12+s30+$0x0], $0xffff;
	v13 =	vadd.f32 v13, v25;
	v17 =	vmul.f32 v17, v23  }
0xf7: {  	v12 =	vld.idx.msk [tilespmem:v12+s0+$0x0], $0xffff;
	v59 =	vor.u32 v4, v57  }
0xf8: {  	v60 =	vld.idx.msk [tilespmem:v11+s30+$0x0], $0xffff;
	v15 =	vadd.f32 v15, v26;
	v13 =	vmul.f32 v13, v22;
	v17 =	vadd.f32 $0.0e+00, v17  }
0xf9: {  	v11 =	vld.idx.msk [tilespmem:v11+s0+$0x0], $0xffff  }
0xfa: {  	v61 =	vld.idx.msk [tilespmem:v10+s30+$0x0], $0xffff;
	v14 =	vadd.f32 v14, v28;
	v15 =	vmul.f32 v15, v21;
	v13 =	vadd.f32 v13, v17  }
0xfb: {  	v10 =	vld.idx.msk [tilespmem:v10+s0+$0x0], $0xffff  }
0xfc: {  	v12 =	vadd.f32 v12, v58;
	v14 =	vmul.f32 v14, v20;
	v62 =	vld.idx.msk [tilespmem:v59+s30+$0x0], $0xffff;
	v13 =	vadd.f32 v15, v13  }
0xfd: {  	v15 =	vld.idx.msk [tilespmem:v59+s0+$0x0], $0xffff  }
0xfe: {  	s3 =	sadd.s32 $0x1, s5;
	v11 =	vadd.f32 v11, v60;
	v12 =	vmul.f32 v12, v19;
	v13 =	vadd.f32 v14, v13  }
0xff: {  	v63 =	vor.u32 s3, v4;
	v14 =	vld.idx.msk [tilespmem:v59+s26+$0x0], $0xffff  }
0x100: {  	v10 =	vadd.f32 v10, v61;
	v11 =	vmul.f32 v11, v18;
	v12 =	vadd.f32 v12, v13;
	_ =	sdelay $0x1  }
0x101: {  	v10 =	vmul.f32 v10, v56;
	v11 =	vadd.f32 v11, v12;
	v12 =	vadd.f32 v15, v62;
	_ =	sdelay $0x1  }
0x102: {  	v10 =	vadd.f32 v10, v11;
	v11 =	vmul.f32 v12, v14  }
0x103: {  	v12 =	vld.idx.msk [tilespmem:v63+s11+$0x0], $0xffff  }
0x104: {  	v10 =	vadd.f32 v11, v10;
	_ =	sdelay $0x1  }
0x105: {  	v10 =	vmul.f32 $3.535533850e-01, v10;
	_ =	sdelay $0x1  }
0x106: {  	v10 =	vadd.f32 v10, v12;
	_ =	sdelay $0x1  }
0x107: {  	v10 =	vmul.f32 $1.442695020e+00, v10;
	_ =	sdelay $0x1  }
0x108: {  	(erf) = vpow2.f32 v10  }
0x109: {  	s21 =	simm.s32 $0x0  }
0x10a: {  	v10 =	vmov s21  }
0x10b: {  	v10 =	vand.u32 $0x78, v10  }
0x10c: {  	v10 =	vbroadcast v10, $0x0  }
0x10d: {  	v11 =	vor.u32 s3, v9  }
0x10e: {  	v12 =	vor.u32 v4, v10;
	_ =	sdelay $0x2  }
0x10f: {  	v13 =	vor.u32 s16, v9;
	v10 =	vpop (erf)  }
0x110: {  	[tilespmem:v11+s24+$0x0] =	vst.idx.msk $0xffff, v10  }
0x111: {  	v11 =	vld.idx.msk [tilespmem:v12+s31+$0x0], $0xffff  }
0x112: {  	s6 =	simm.s32 $0x1;
	v14 =	vld.idx.msk [tilespmem:v12+s10+$0x0], $0xffff  }
0x113: {  	v15 =	vmov s6  }
0x114: {  	v10 =	vld.idx.msk [tilespmem:v13+s24+$0x0], $0xffff;
	v13 =	vand.u32 $0x79, v15  }
0x115: {  	v13 =	vbroadcast v13, $0x0;
	_ =	sdelay $0x1  }
0x116: {  	v13 =	vor.u32 v4, v13;
	v11 =	vadd.f32 v14, v11;
	_ =	sdelay $0x1  }
0x117: {  	v11 =	vmul.f32 v11, v10;
	_ =	sdelay $0x1  }
0x118: {  	[tilespmem:v12+s31+$0x0] =	vst.idx.msk $0xffff, v11  }
0x119: {  	v11 =	vld.idx.msk [tilespmem:v13+s31+$0x0], $0xffff  }
0x11a: {  	s7 =	simm.s32 $0x2;
	v12 =	vld.idx.msk [tilespmem:v13+s10+$0x0], $0xffff  }
0x11b: {  	v14 =	vmov s7  }
0x11c: {  	v14 =	vand.u32 $0x7A, v14  }
0x11d: {  	v14 =	vbroadcast v14, $0x0;
	_ =	sdelay $0x1  }
0x11e: {  	v11 =	vadd.f32 v12, v11;
	v12 =	vor.u32 v4, v14;
	_ =	sdelay $0x1  }
0x11f: {  	v11 =	vmul.f32 v11, v10;
	_ =	sdelay $0x1  }
0x120: {  	[tilespmem:v13+s31+$0x0] =	vst.idx.msk $0xffff, v11  }
0x121: {  	v11 =	vld.idx.msk [tilespmem:v12+s31+$0x0], $0xffff  }
0x122: {  	s8 =	simm.s32 $0x3;
	v13 =	vld.idx.msk [tilespmem:v12+s10+$0x0], $0xffff  }
0x123: {  	v14 =	vmov s8  }
0x124: {  	v14 =	vand.u32 $0x7B, v14  }
0x125: {  	v14 =	vbroadcast v14, $0x0;
	_ =	sdelay $0x1  }
0x126: {  	v11 =	vadd.f32 v13, v11;
	v13 =	vor.u32 v4, v14;
	_ =	sdelay $0x1  }
0x127: {  	v11 =	vmul.f32 v11, v10;
	_ =	sdelay $0x1  }
0x128: {  	[tilespmem:v12+s31+$0x0] =	vst.idx.msk $0xffff, v11  }
0x129: {  	v11 =	vld.idx.msk [tilespmem:v13+s31+$0x0], $0xffff  }
0x12a: {  	s9 =	simm.s32 $0x4;
	v12 =	vld.idx.msk [tilespmem:v13+s10+$0x0], $0xffff  }
0x12b: {  	v14 =	vmov s9  }
0x12c: {  	v14 =	vand.u32 $0x7C, v14  }
0x12d: {  	v14 =	vbroadcast v14, $0x0;
	_ =	sdelay $0x1  }
0x12e: {  	v11 =	vadd.f32 v12, v11;
	v12 =	vor.u32 v4, v14;
	_ =	sdelay $0x1  }
0x12f: {  	v11 =	vmul.f32 v11, v10;
	_ =	sdelay $0x1  }
0x130: {  	[tilespmem:v13+s31+$0x0] =	vst.idx.msk $0xffff, v11  }
0x131: {  	v11 =	vld.idx.msk [tilespmem:v12+s31+$0x0], $0xffff  }
0x132: {  	s15 =	simm.s32 $0x5;
	v13 =	vld.idx.msk [tilespmem:v12+s10+$0x0], $0xffff  }
0x133: {  	v14 =	vmov s15  }
0x134: {  	v14 =	vand.u32 $0x7D, v14  }
0x135: {  	v14 =	vbroadcast v14, $0x0;
	_ =	sdelay $0x1  }
0x136: {  	v11 =	vadd.f32 v13, v11;
	v13 =	vor.u32 v4, v14;
	_ =	sdelay $0x1  }
0x137: {  	v11 =	vmul.f32 v11, v10;
	_ =	sdelay $0x1  }
0x138: {  	[tilespmem:v12+s31+$0x0] =	vst.idx.msk $0xffff, v11  }
0x139: {  	v11 =	vld.idx.msk [tilespmem:v13+s31+$0x0], $0xffff  }
0x13a: {  	s21 =	simm.s32 $0x6;
	v12 =	vld.idx.msk [tilespmem:v13+s10+$0x0], $0xffff  }
0x13b: {  	v14 =	vmov s21  }
0x13c: {  	v14 =	vand.u32 $0x7E, v14  }
0x13d: {  	v14 =	vbroadcast v14, $0x0;
	_ =	sdelay $0x1  }
0x13e: {  	v11 =	vadd.f32 v12, v11;
	v12 =	vor.u32 v4, v14;
	_ =	sdelay $0x1  }
0x13f: {  	v11 =	vmul.f32 v11, v10;
	_ =	sdelay $0x1  }
0x140: {  	[tilespmem:v13+s31+$0x0] =	vst.idx.msk $0xffff, v11  }
0x141: {  	v11 =	vld.idx.msk [tilespmem:v12+s31+$0x0], $0xffff  }
0x142: {  	v13 =	vld.idx.msk [tilespmem:v12+s10+$0x0], $0xffff  }
0x143: {  	v14 =	vmov s1  }
0x144: {  	v14 =	vand.u32 $0x7F, v14  }
0x145: {  	v14 =	vbroadcast v14, $0x0;
	_ =	sdelay $0x1  }
0x146: {  	v13 =	vadd.f32 v13, v11;
	v11 =	vor.u32 v4, v14;
	_ =	sdelay $0x1  }
0x147: {  	v13 =	vmul.f32 v13, v10;
	_ =	sdelay $0x1  }
0x148: {  	[tilespmem:v12+s31+$0x0] =	vst.idx.msk $0xffff, v13  }
0x149: {  	v12 =	vld.idx.msk [tilespmem:v11+s31+$0x0], $0xffff  }
0x14a: {  	s3 =	simm.s32 $0x8;
	s1 =	simm.s32 $0x17;
	v13 =	vld.idx.msk [tilespmem:v11+s10+$0x0], $0xffff  }
.LBB2_8:
0x14b: {  	p1 =	sne.s32 s1, $0x7F  }
0x14c: {  	v14 =	vmov s3;
	s16 =	sadd.s32 $0x1, s16;
	s3 =	smov.u32 s1;
	s1 =	sadd.s32 $0x8, s1  }
0x14d: {  	v14 =	vand.u32 $0x78, v14  }
0x14e: {  	v14 =	vbroadcast v14, $0x0;
	_ =	sdelay $0x1  }
0x14f: {  	v12 =	vadd.f32 v13, v12;
	v14 =	vor.u32 v4, v14;
	_ =	sdelay $0x1  }
0x150: {  	v13 =	vor.u32 s16, v9;
	v10 =	vmul.f32 v12, v10;
	_ =	sdelay $0x1  }
0x151: {  	[tilespmem:v11+s31+$0x0] =	vst.idx.msk $0xffff, v10  }
0x152: {  	v11 =	vld.idx.msk [tilespmem:v14+s31+$0x0], $0xffff  }
0x153: {  	v12 =	vld.idx.msk [tilespmem:v14+s10+$0x0], $0xffff  }
0x154: {  	s5 =	sadd.s32 $0xFFFFFFFA, s22;
	v10 =	vld.idx.msk [tilespmem:v13+s24+$0x0], $0xffff  }
0x155: {  	v13 =	vmov s5  }
0x156: {  	v13 =	vand.u32 $0x79, v13  }
0x157: {  	v13 =	vbroadcast v13, $0x0;
	_ =	sdelay $0x1  }
0x158: {  	v11 =	vadd.f32 v12, v11;
	v12 =	vor.u32 v4, v13;
	_ =	sdelay $0x1  }
0x159: {  	v11 =	vmul.f32 v11, v10;
	_ =	sdelay $0x1  }
0x15a: {  	[tilespmem:v14+s31+$0x0] =	vst.idx.msk $0xffff, v11  }
0x15b: {  	v11 =	vld.idx.msk [tilespmem:v12+s31+$0x0], $0xffff  }
0x15c: {  	v13 =	vld.idx.msk [tilespmem:v12+s10+$0x0], $0xffff  }
0x15d: {  	s5 =	sadd.s32 $0xFFFFFFFB, s22  }
0x15e: {  	v14 =	vmov s5  }
0x15f: {  	v14 =	vand.u32 $0x7A, v14  }
0x160: {  	v14 =	vbroadcast v14, $0x0;
	_ =	sdelay $0x1  }
0x161: {  	v11 =	vadd.f32 v13, v11;
	v13 =	vor.u32 v4, v14;
	_ =	sdelay $0x1  }
0x162: {  	v11 =	vmul.f32 v11, v10;
	_ =	sdelay $0x1  }
0x163: {  	[tilespmem:v12+s31+$0x0] =	vst.idx.msk $0xffff, v11  }
0x164: {  	v11 =	vld.idx.msk [tilespmem:v13+s31+$0x0], $0xffff  }
0x165: {  	v12 =	vld.idx.msk [tilespmem:v13+s10+$0x0], $0xffff  }
0x166: {  	s5 =	sadd.s32 $0xFFFFFFFC, s22  }
0x167: {  	v14 =	vmov s5  }
0x168: {  	v14 =	vand.u32 $0x7B, v14  }
0x169: {  	v14 =	vbroadcast v14, $0x0;
	_ =	sdelay $0x1  }
0x16a: {  	v11 =	vadd.f32 v12, v11;
	v12 =	vor.u32 v4, v14;
	_ =	sdelay $0x1  }
0x16b: {  	v11 =	vmul.f32 v11, v10;
	_ =	sdelay $0x1  }
0x16c: {  	[tilespmem:v13+s31+$0x0] =	vst.idx.msk $0xffff, v11  }
0x16d: {  	v11 =	vld.idx.msk [tilespmem:v12+s31+$0x0], $0xffff  }
0x16e: {  	v13 =	vld.idx.msk [tilespmem:v12+s10+$0x0], $0xffff  }
0x16f: {  	s5 =	sadd.s32 $0xFFFFFFFD, s22  }
0x170: {  	v14 =	vmov s5  }
0x171: {  	v14 =	vand.u32 $0x7C, v14  }
0x172: {  	v14 =	vbroadcast v14, $0x0;
	_ =	sdelay $0x1  }
0x173: {  	v11 =	vadd.f32 v13, v11;
	v13 =	vor.u32 v4, v14;
	_ =	sdelay $0x1  }
0x174: {  	v11 =	vmul.f32 v11, v10;
	_ =	sdelay $0x1  }
0x175: {  	[tilespmem:v12+s31+$0x0] =	vst.idx.msk $0xffff, v11  }
0x176: {  	v11 =	vld.idx.msk [tilespmem:v13+s31+$0x0], $0xffff  }
0x177: {  	v12 =	vld.idx.msk [tilespmem:v13+s10+$0x0], $0xffff  }
0x178: {  	s5 =	sadd.s32 $0xFFFFFFFE, s22  }
0x179: {  	v14 =	vmov s5  }
0x17a: {  	v14 =	vand.u32 $0x7D, v14  }
0x17b: {  	v14 =	vbroadcast v14, $0x0;
	_ =	sdelay $0x1  }
0x17c: {  	v11 =	vadd.f32 v12, v11;
	v12 =	vor.u32 v4, v14;
	_ =	sdelay $0x1  }
0x17d: {  	v11 =	vmul.f32 v11, v10;
	_ =	sdelay $0x1  }
0x17e: {  	[tilespmem:v13+s31+$0x0] =	vst.idx.msk $0xffff, v11  }
0x17f: {  	v11 =	vld.idx.msk [tilespmem:v12+s31+$0x0], $0xffff  }
0x180: {  	v13 =	vld.idx.msk [tilespmem:v12+s10+$0x0], $0xffff  }
0x181: {  	s5 =	sadd.s32 $0xFFFFFFFF, s22  }
0x182: {  	v14 =	vmov s5  }
0x183: {  	v14 =	vand.u32 $0x7E, v14  }
0x184: {  	v14 =	vbroadcast v14, $0x0;
	_ =	sdelay $0x1  }
0x185: {  	v11 =	vadd.f32 v13, v11;
	v13 =	vor.u32 v4, v14;
	_ =	sdelay $0x1  }
0x186: {  	v11 =	vmul.f32 v11, v10;
	_ =	sdelay $0x1  }
0x187: {  	[tilespmem:v12+s31+$0x0] =	vst.idx.msk $0xffff, v11  }
0x188: {  	v11 =	vld.idx.msk [tilespmem:v13+s31+$0x0], $0xffff  }
0x189: {  	v12 =	vld.idx.msk [tilespmem:v13+s10+$0x0], $0xffff;
	_ =	sdelay $0x1  }
0x18a: {  	v14 =	vmov s22;
	s22 =	smov.u32 s3  }
0x18b: {  	v14 =	vand.u32 $0x7F, v14  }
0x18c: {  	v14 =	vbroadcast v14, $0x0;
	_ =	sdelay $0x1  }
0x18d: {  	v12 =	vadd.f32 v12, v11;
	v11 =	vor.u32 v4, v14;
	_ =	sdelay $0x1  }
0x18e: {  	v12 =	vmul.f32 v12, v10  }
.Ltmp5:
0x18f: {  	(pc) =	sbr.rel @p1 .LBB2_8-.Ltmp5, $4  }
0x190: {  	[tilespmem:v13+s31+$0x0] =	vst.idx.msk $0xffff, v12  }
0x191: {  	v12 =	vld.idx.msk [tilespmem:v11+s31+$0x0], $0xffff  }
0x192: {  	v13 =	vld.idx.msk [tilespmem:v11+s10+$0x0], $0xffff  }
0x193: {  	s3 =	sadd.s32 $0xFFFFFFF9, s22  }
0x194: {  	v14 =	vmov s3  }
0x195: {  	v14 =	vand.u32 $0x78, v14  }
0x196: {  	v14 =	vbroadcast v14, $0x0;
	_ =	sdelay $0x1  }
0x197: {  	v12 =	vadd.f32 v13, v12;
	v14 =	vor.u32 v4, v14;
	_ =	sdelay $0x1  }
0x198: {  	s1 =	sadd.s32 $0x1, s16;
	v10 =	vmul.f32 v12, v10  }
0x199: {  	v9 =	vor.u32 s1, v9  }
0x19a: {  	[tilespmem:v11+s31+$0x0] =	vst.idx.msk $0xffff, v10  }
0x19b: {  	v10 =	vld.idx.msk [tilespmem:v14+s31+$0x0], $0xffff  }
0x19c: {  	s6 =	sadd.s32 $0xFFFFFFFA, s22;
	v11 =	vld.idx.msk [tilespmem:v14+s10+$0x0], $0xffff  }
0x19d: {  	v12 =	vmov s6  }
0x19e: {  	v12 =	vand.u32 $0x79, v12;
	v9 =	vld.idx.msk [tilespmem:v9+s24+$0x0], $0xffff  }
0x19f: {  	v12 =	vbroadcast v12, $0x0;
	_ =	sdelay $0x1  }
0x1a0: {  	v10 =	vadd.f32 v11, v10;
	v11 =	vor.u32 v4, v12;
	_ =	sdelay $0x1  }
0x1a1: {  	v10 =	vmul.f32 v10, v9;
	_ =	sdelay $0x1  }
0x1a2: {  	[tilespmem:v14+s31+$0x0] =	vst.idx.msk $0xffff, v10  }
0x1a3: {  	v10 =	vld.idx.msk [tilespmem:v11+s31+$0x0], $0xffff  }
0x1a4: {  	s7 =	sadd.s32 $0xFFFFFFFB, s22;
	v12 =	vld.idx.msk [tilespmem:v11+s10+$0x0], $0xffff  }
0x1a5: {  	v13 =	vmov s7  }
0x1a6: {  	v13 =	vand.u32 $0x7A, v13  }
0x1a7: {  	v13 =	vbroadcast v13, $0x0;
	_ =	sdelay $0x1  }
0x1a8: {  	v10 =	vadd.f32 v12, v10;
	v12 =	vor.u32 v4, v13;
	_ =	sdelay $0x1  }
0x1a9: {  	v10 =	vmul.f32 v10, v9;
	_ =	sdelay $0x1  }
0x1aa: {  	[tilespmem:v11+s31+$0x0] =	vst.idx.msk $0xffff, v10  }
0x1ab: {  	v10 =	vld.idx.msk [tilespmem:v12+s31+$0x0], $0xffff  }
0x1ac: {  	s8 =	sadd.s32 $0xFFFFFFFC, s22;
	v11 =	vld.idx.msk [tilespmem:v12+s10+$0x0], $0xffff  }
0x1ad: {  	v13 =	vmov s8  }
0x1ae: {  	v13 =	vand.u32 $0x7B, v13  }
0x1af: {  	v13 =	vbroadcast v13, $0x0;
	_ =	sdelay $0x1  }
0x1b0: {  	v10 =	vadd.f32 v11, v10;
	v11 =	vor.u32 v4, v13;
	_ =	sdelay $0x1  }
0x1b1: {  	v10 =	vmul.f32 v10, v9;
	_ =	sdelay $0x1  }
0x1b2: {  	[tilespmem:v12+s31+$0x0] =	vst.idx.msk $0xffff, v10  }
0x1b3: {  	v10 =	vld.idx.msk [tilespmem:v11+s31+$0x0], $0xffff  }
0x1b4: {  	s9 =	sadd.s32 $0xFFFFFFFD, s22;
	v12 =	vld.idx.msk [tilespmem:v11+s10+$0x0], $0xffff  }
0x1b5: {  	v13 =	vmov s9  }
0x1b6: {  	v13 =	vand.u32 $0x7C, v13  }
0x1b7: {  	v13 =	vbroadcast v13, $0x0;
	_ =	sdelay $0x1  }
0x1b8: {  	v10 =	vadd.f32 v12, v10;
	v12 =	vor.u32 v4, v13;
	_ =	sdelay $0x1  }
0x1b9: {  	v10 =	vmul.f32 v10, v9;
	_ =	sdelay $0x1  }
0x1ba: {  	[tilespmem:v11+s31+$0x0] =	vst.idx.msk $0xffff, v10  }
0x1bb: {  	v10 =	vld.idx.msk [tilespmem:v12+s31+$0x0], $0xffff  }
0x1bc: {  	s15 =	sadd.s32 $0xFFFFFFFE, s22;
	v11 =	vld.idx.msk [tilespmem:v12+s10+$0x0], $0xffff  }
0x1bd: {  	v13 =	vmov s15  }
0x1be: {  	v13 =	vand.u32 $0x7D, v13  }
0x1bf: {  	v13 =	vbroadcast v13, $0x0;
	_ =	sdelay $0x1  }
0x1c0: {  	v10 =	vadd.f32 v11, v10;
	v11 =	vor.u32 v4, v13;
	_ =	sdelay $0x1  }
0x1c1: {  	v10 =	vmul.f32 v10, v9;
	_ =	sdelay $0x1  }
0x1c2: {  	[tilespmem:v12+s31+$0x0] =	vst.idx.msk $0xffff, v10  }
0x1c3: {  	v10 =	vld.idx.msk [tilespmem:v11+s31+$0x0], $0xffff  }
0x1c4: {  	s16 =	sadd.s32 $0xFFFFFFFF, s22;
	v12 =	vld.idx.msk [tilespmem:v11+s10+$0x0], $0xffff  }
0x1c5: {  	v13 =	vmov s16  }
0x1c6: {  	v13 =	vand.u32 $0x7E, v13  }
0x1c7: {  	v13 =	vbroadcast v13, $0x0;
	_ =	sdelay $0x1  }
0x1c8: {  	v10 =	vadd.f32 v12, v10;
	v12 =	vor.u32 v4, v13;
	_ =	sdelay $0x1  }
0x1c9: {  	v10 =	vmul.f32 v10, v9;
	_ =	sdelay $0x1  }
0x1ca: {  	[tilespmem:v11+s31+$0x0] =	vst.idx.msk $0xffff, v10  }
0x1cb: {  	v10 =	vld.idx.msk [tilespmem:v12+s31+$0x0], $0xffff  }
0x1cc: {  	v11 =	vld.idx.msk [tilespmem:v12+s10+$0x0], $0xffff  }
0x1cd: {  	v13 =	vmov s22  }
0x1ce: {  	v13 =	vand.u32 $0x7F, v13  }
0x1cf: {  	v13 =	vbroadcast v13, $0x0;
	_ =	sdelay $0x1  }
0x1d0: {  	v10 =	vadd.f32 v11, v10;
	v11 =	vor.u32 v4, v13;
	_ =	sdelay $0x1  }
0x1d1: {  	v10 =	vmul.f32 v10, v9;
	_ =	sdelay $0x1  }
0x1d2: {  	[tilespmem:v12+s31+$0x0] =	vst.idx.msk $0xffff, v10  }
0x1d3: {  	v10 =	vld.idx.msk [tilespmem:v11+s31+$0x0], $0xffff  }
0x1d4: {  	v12 =	vld.idx.msk [tilespmem:v11+s10+$0x0], $0xffff;
	_ =	sdelay $0x4  }
0x1d5: {  	v10 =	vadd.f32 v12, v10;
	_ =	sdelay $0x1  }
0x1d6: {  	s5 =	simm.s32 $0x6;
	v9 =	vmul.f32 v10, v9  }
0x1d7: {  	s3 =	simm.s32 $0x1;
	s22 =	simm.s32 $0x5;
	v13 =	vmov s5  }
0x1d8: {  	v16 =	vmov s3;
	s7 =	simm.s32 $0x3;
	v13 =	vand.u32 $0x7E, v13;
	v12 =	vmov s22;
	[tilespmem:v11+s31+$0x0] =	vst.idx.msk $0xffff, v9  }
0x1d9: {  	v15 =	vmov s7;
	s6 =	simm.s32 $0x2;
	v13 =	vbroadcast v13, $0x0;
	v12 =	vand.u32 $0x7D, v12;
	v9 =	vld [tilespmem:$0x90]  }
0x1da: {  	v15 =	vand.u32 $0x7B, v15;
	v14 =	vmov s6;
	v12 =	vbroadcast v12, $0x0  }
0x1db: {  	v15 =	vbroadcast v15, $0x0;
	v14 =	vand.u32 $0x7A, v14;
	v13 =	vor.u32 v7, v13  }
0x1dc: {  	v16 =	vand.u32 $0x79, v16;
	v14 =	vbroadcast v14, $0x0;
	s5 =	simm.s32 $0x0;
	v12 =	vor.u32 v7, v12  }
0x1dd: {  	v16 =	vbroadcast v16, $0x0;
	v15 =	vor.u32 v7, v15;
	v17 =	vmov s5  }
0x1de: {  	v14 =	vor.u32 v7, v14;
	v17 =	vand.u32 $0x78, v17;
	v10 =	vshrl.u32 v9, $0x3  }
0x1df: {  	v16 =	vor.u32 v7, v16;
	[tilespmem:$0x110] =	vst v10;
	v10 =	vbroadcast v17, $0x0  }
0x1e0: {  	v17 =	vld.idx.msk [tilespmem:v13+s26+$0x0], $0xffff  }
0x1e1: {  	v18 =	vld.idx.msk [tilespmem:v12+s26+$0x0], $0xffff;
	v10 =	vor.u32 v7, v10  }
0x1e2: {  	v20 =	vld.idx.msk [tilespmem:v15+s26+$0x0], $0xffff  }
0x1e3: {  	v21 =	vld.idx.msk [tilespmem:v14+s26+$0x0], $0xffff  }
0x1e4: {  	s21 =	simm.s32 $0x4;
	v22 =	vld.idx.msk [tilespmem:v16+s26+$0x0], $0xffff  }
0x1e5: {  	v11 =	vmov s21;
	v25 =	vld.idx.msk [tilespmem:v16+s30+$0x0], $0xffff  }
0x1e6: {  	v11 =	vand.u32 $0x7C, v11;
	v23 =	vld.idx.msk [tilespmem:v10+s26+$0x0], $0xffff  }
0x1e7: {  	v11 =	vbroadcast v11, $0x0;
	v24 =	vld.idx.msk [tilespmem:v10+s30+$0x0], $0xffff  }
0x1e8: {  	v10 =	vld.idx.msk [tilespmem:v10+s0+$0x0], $0xffff  }
0x1e9: {  	v11 =	vor.u32 v7, v11;
	v16 =	vld.idx.msk [tilespmem:v16+s0+$0x0], $0xffff  }
0x1ea: {  	v26 =	vld.idx.msk [tilespmem:v14+s30+$0x0], $0xffff  }
0x1eb: {  	s1 =	simm.s32 $0x7;
	v14 =	vld.idx.msk [tilespmem:v14+s0+$0x0], $0xffff  }
0x1ec: {  	v27 =	vmov s1;
	v28 =	vld.idx.msk [tilespmem:v15+s30+$0x0], $0xffff  }
0x1ed: {  	v27 =	vand.u32 $0x7F, v27;
	v15 =	vld.idx.msk [tilespmem:v15+s0+$0x0], $0xffff;
	v10 =	vadd.f32 v10, v24  }
0x1ee: {  	v59 =	vbroadcast v27, $0x0;
	v19 =	vld.idx.msk [tilespmem:v11+s26+$0x0], $0xffff  }
0x1ef: {  	v60 =	vld.idx.msk [tilespmem:v11+s30+$0x0], $0xffff;
	v16 =	vadd.f32 v16, v25;
	v10 =	vmul.f32 v10, v23  }
0x1f0: {  	v61 =	vor.u32 v7, v59;
	v11 =	vld.idx.msk [tilespmem:v11+s0+$0x0], $0xffff  }
0x1f1: {  	v62 =	vld.idx.msk [tilespmem:v12+s30+$0x0], $0xffff;
	v14 =	vadd.f32 v14, v26;
	v16 =	vmul.f32 v16, v22;
	v10 =	vadd.f32 $0.0e+00, v10  }
0x1f2: {  	v12 =	vld.idx.msk [tilespmem:v12+s0+$0x0], $0xffff  }
0x1f3: {  	v63 =	vld.idx.msk [tilespmem:v13+s30+$0x0], $0xffff;
	v15 =	vadd.f32 v15, v28;
	v14 =	vmul.f32 v14, v21;
	v10 =	vadd.f32 v16, v10  }
0x1f4: {  	v13 =	vld.idx.msk [tilespmem:v13+s0+$0x0], $0xffff  }
0x1f5: {  	v11 =	vadd.f32 v11, v60;
	v16 =	vld.idx.msk [tilespmem:v61+s30+$0x0], $0xffff;
	v10 =	vadd.f32 v14, v10;
	v14 =	vmul.f32 v15, v20  }
0x1f6: {  	v15 =	vld.idx.msk [tilespmem:v61+s0+$0x0], $0xffff  }
0x1f7: {  	s22 =	simm.s32 $0x0;
	v12 =	vadd.f32 v12, v62;
	v11 =	vmul.f32 v11, v19;
	v10 =	vadd.f32 v14, v10  }
0x1f8: {  	v19 =	vor.u32 s22, v7;
	v14 =	vld.idx.msk [tilespmem:v61+s26+$0x0], $0xffff  }
0x1f9: {  	v10 =	vadd.f32 v11, v10;
	v11 =	vmul.f32 v12, v18;
	v12 =	vadd.f32 v13, v63;
	_ =	sdelay $0x1  }
0x1fa: {  	v10 =	vadd.f32 v11, v10;
	v11 =	vmul.f32 v12, v17;
	v12 =	vadd.f32 v15, v16;
	_ =	sdelay $0x1  }
0x1fb: {  	v10 =	vadd.f32 v11, v10;
	v11 =	vmul.f32 v12, v14  }
0x1fc: {  	v12 =	vld.idx.msk [tilespmem:v19+s11+$0x0], $0xffff  }
0x1fd: {  	v10 =	vadd.f32 v11, v10;
	_ =	sdelay $0x1  }
0x1fe: {  	v10 =	vmul.f32 $3.535533850e-01, v10;
	_ =	sdelay $0x1  }
0x1ff: {  	v10 =	vadd.f32 v10, v12;
	_ =	sdelay $0x1  }
0x200: {  	v9 =	vshll.u32 v9, $0x4;
	v10 =	vmul.f32 $1.442695020e+00, v10  }
0x201: {  	v9 =	vand.u32 $0x70, v9  }
0x202: {  	v9 =	vor.u32 v7, v9;
	(erf) = vpow2.f32 v10  }
0x203: {  	s8 =	simm.s32 $0xB;
	s9 =	simm.s32 $0xE;
	s16 =	simm.s32 $0x9;
	v13 =	vor.u32 s22, v9  }
0x204: {  	s7 =	simm.s32 $0xD;
	s6 =	simm.s32 $0xC;
	v15 =	vmov s8;
	v16 =	vmov s16;
	v12 =	vmov s9  }
0x205: {  	v11 =	vmov s7;
	v12 =	vand.u32 $0x7E, v12;
	v10 =	vmov s6  }
0x206: {  	s21 =	simm.s32 $0x8;
	v11 =	vand.u32 $0x7D, v11;
	v12 =	vbroadcast v12, $0x0;
	v10 =	vand.u32 $0x7C, v10  }
0x207: {  	s15 =	simm.s32 $0xA;
	v17 =	vmov s21;
	v11 =	vbroadcast v11, $0x0;
	v18 =	vbroadcast v10, $0x0  }
0x208: {  	v15 =	vand.u32 $0x7B, v15;
	v14 =	vmov s15;
	v10 =	vor.u32 v7, v12  }
0x209: {  	v11 =	vor.u32 v7, v11;
	v12 =	vand.u32 $0x7A, v14;
	v14 =	vbroadcast v15, $0x0  }
0x20a: {  	s3 =	simm.s32 $0x17;
	v16 =	vand.u32 $0x79, v16;
	v15 =	vbroadcast v12, $0x0;
	v12 =	vor.u32 v7, v18  }
0x20b: {  	s5 =	simm.s32 $0x0;
	s16 =	simm.s32 $0xF;
	s21 =	simm.s32 $0xF;
	v17 =	vand.u32 $0x78, v17;
	v16 =	vbroadcast v16, $0x0;
	v14 =	vor.u32 v7, v14;
	v18 =	vpop (erf)  }
.LBB2_10:
0x20c: {  	p1 =	sne.s32 s3, $0x7F;
	v17 =	vbroadcast v17, $0x0;
	v15 =	vor.u32 v7, v15;
	[tilespmem:v13+s24+$0x0] =	vst.idx.msk $0xffff, v18  }
0x20d: {  	v13 =	vor.u32 v7, v16;
	v16 =	vld.idx.msk [tilespmem:v10+s26+$0x0], $0xffff  }
0x20e: {  	v17 =	vor.u32 v7, v17;
	v18 =	vld.idx.msk [tilespmem:v11+s26+$0x0], $0xffff  }
0x20f: {  	v19 =	vld.idx.msk [tilespmem:v12+s26+$0x0], $0xffff  }
0x210: {  	v20 =	vld.idx.msk [tilespmem:v14+s26+$0x0], $0xffff  }
0x211: {  	v21 =	vld.idx.msk [tilespmem:v15+s26+$0x0], $0xffff  }
0x212: {  	v22 =	vld.idx.msk [tilespmem:v13+s26+$0x0], $0xffff  }
0x213: {  	v23 =	vld.idx.msk [tilespmem:v17+s26+$0x0], $0xffff  }
0x214: {  	v24 =	vld.idx.msk [tilespmem:v17+s30+$0x0], $0xffff  }
0x215: {  	v17 =	vld.idx.msk [tilespmem:v17+s0+$0x0], $0xffff  }
0x216: {  	v25 =	vld.idx.msk [tilespmem:v13+s30+$0x0], $0xffff  }
0x217: {  	v13 =	vld.idx.msk [tilespmem:v13+s0+$0x0], $0xffff  }
0x218: {  	v26 =	vld.idx.msk [tilespmem:v15+s30+$0x0], $0xffff  }
0x219: {  	v27 =	vmov s21;
	s21 =	smov.u32 s3;
	v15 =	vld.idx.msk [tilespmem:v15+s0+$0x0], $0xffff  }
0x21a: {  	v27 =	vand.u32 $0x7F, v27;
	v28 =	vld.idx.msk [tilespmem:v14+s30+$0x0], $0xffff  }
0x21b: {  	v17 =	vadd.f32 v17, v24;
	v24 =	vbroadcast v27, $0x0;
	v14 =	vld.idx.msk [tilespmem:v14+s0+$0x0], $0xffff  }
0x21c: {  	v27 =	vld.idx.msk [tilespmem:v12+s30+$0x0], $0xffff  }
0x21d: {  	v17 =	vmul.f32 v17, v23;
	v13 =	vadd.f32 v13, v25;
	v23 =	vor.u32 v7, v24;
	v12 =	vld.idx.msk [tilespmem:v12+s0+$0x0], $0xffff  }
0x21e: {  	v24 =	vld.idx.msk [tilespmem:v11+s30+$0x0], $0xffff  }
0x21f: {  	v17 =	vadd.f32 $0.0e+00, v17;
	v13 =	vmul.f32 v13, v22;
	v15 =	vadd.f32 v15, v26;
	v11 =	vld.idx.msk [tilespmem:v11+s0+$0x0], $0xffff  }
0x220: {  	v22 =	vld.idx.msk [tilespmem:v10+s30+$0x0], $0xffff  }
0x221: {  	v13 =	vadd.f32 v13, v17;
	v15 =	vmul.f32 v15, v21;
	v14 =	vadd.f32 v14, v28;
	v10 =	vld.idx.msk [tilespmem:v10+s0+$0x0], $0xffff  }
0x222: {  	v17 =	vld.idx.msk [tilespmem:v23+s30+$0x0], $0xffff  }
0x223: {  	v13 =	vadd.f32 v15, v13;
	v14 =	vmul.f32 v14, v20;
	v12 =	vadd.f32 v12, v27;
	v15 =	vld.idx.msk [tilespmem:v23+s0+$0x0], $0xffff;
	_ =	sdelay $0x1  }
0x224: {  	s5 =	sadd.s32 $0x1, s5;
	v13 =	vadd.f32 v14, v13;
	v12 =	vmul.f32 v12, v19;
	v11 =	vadd.f32 v11, v24;
	v14 =	vld.idx.msk [tilespmem:v23+s26+$0x0], $0xffff  }
0x225: {  	v19 =	vor.u32 s5, v7  }
0x226: {  	v12 =	vadd.f32 v12, v13;
	v11 =	vmul.f32 v11, v18;
	v10 =	vadd.f32 v10, v22;
	_ =	sdelay $0x1  }
0x227: {  	v11 =	vadd.f32 v11, v12;
	v10 =	vmul.f32 v10, v16;
	v12 =	vadd.f32 v15, v17;
	_ =	sdelay $0x1  }
0x228: {  	v10 =	vadd.f32 v10, v11;
	v11 =	vmul.f32 v12, v14;
	v12 =	vld.idx.msk [tilespmem:v19+s11+$0x0], $0xffff;
	_ =	sdelay $0x1  }
0x229: {  	v10 =	vadd.f32 v11, v10;
	_ =	sdelay $0x1  }
0x22a: {  	v10 =	vmul.f32 $3.535533850e-01, v10;
	_ =	sdelay $0x1  }
0x22b: {  	v10 =	vadd.f32 v10, v12;
	_ =	sdelay $0x1  }
0x22c: {  	v10 =	vmul.f32 $1.442695020e+00, v10;
	_ =	sdelay $0x1  }
0x22d: {  	(erf) = vpow2.f32 v10  }
0x22e: {  	s6 =	sadd.s32 $0xFFFFFFFD, s3;
	s7 =	sadd.s32 $0xFFFFFFFE, s3;
	s8 =	sadd.s32 $0xFFFFFFFF, s3;
	v13 =	vor.u32 s5, v9  }
0x22f: {  	s9 =	sadd.s32 $0xFFFFFFFB, s3;
	s15 =	sadd.s32 $0xFFFFFFFC, s3;
	v11 =	vmov s7;
	v12 =	vmov s8;
	v10 =	vmov s6  }
0x230: {  	v15 =	vmov s15;
	v14 =	vmov s9;
	v12 =	vand.u32 $0x7E, v12;
	s6 =	sadd.s32 $0xFFFFFFFA, s3  }
0x231: {  	s7 =	sadd.s32 $0xFFFFFFF9, s3;
	v11 =	vand.u32 $0x7D, v11;
	v12 =	vbroadcast v12, $0x0;
	v16 =	vmov s6  }
.Ltmp6:
0x232: {  	v17 =	vmov s7;
	v11 =	vbroadcast v11, $0x0;
	v10 =	vand.u32 $0x7C, v10;
	(pc) =	sbr.rel @p1 .LBB2_10-.Ltmp6, $4  }
0x233: {  	v15 =	vand.u32 $0x7B, v15;
	v19 =	vbroadcast v10, $0x0;
	v10 =	vor.u32 v7, v12  }
0x234: {  	v11 =	vor.u32 v7, v11;
	v12 =	vand.u32 $0x7A, v14;
	v14 =	vbroadcast v15, $0x0  }
0x235: {  	v16 =	vand.u32 $0x79, v16;
	v15 =	vbroadcast v12, $0x0;
	v12 =	vor.u32 v7, v19  }
0x236: {  	v17 =	vand.u32 $0x78, v17;
	s3 =	sadd.s32 $0x8, s3;
	v16 =	vbroadcast v16, $0x0;
	v14 =	vor.u32 v7, v14;
	v18 =	vpop (erf)  }
0x237: {  	_ =	sdelay $0x3  }
0x238: {  	v17 =	vbroadcast v17, $0x0;
	v15 =	vor.u32 v7, v15;
	[tilespmem:v13+s24+$0x0] =	vst.idx.msk $0xffff, v18  }
0x239: {  	v13 =	vor.u32 v7, v16;
	v56 =	vld.idx.msk [tilespmem:v10+s26+$0x0], $0xffff  }
0x23a: {  	v18 =	vld.idx.msk [tilespmem:v11+s26+$0x0], $0xffff;
	v17 =	vor.u32 v7, v17  }
0x23b: {  	v19 =	vld.idx.msk [tilespmem:v12+s26+$0x0], $0xffff  }
0x23c: {  	v20 =	vld.idx.msk [tilespmem:v14+s26+$0x0], $0xffff  }
0x23d: {  	v21 =	vld.idx.msk [tilespmem:v15+s26+$0x0], $0xffff  }
0x23e: {  	v22 =	vld.idx.msk [tilespmem:v13+s26+$0x0], $0xffff  }
0x23f: {  	v23 =	vld.idx.msk [tilespmem:v17+s26+$0x0], $0xffff  }
0x240: {  	v24 =	vld.idx.msk [tilespmem:v17+s30+$0x0], $0xffff  }
0x241: {  	v17 =	vld.idx.msk [tilespmem:v17+s0+$0x0], $0xffff  }
0x242: {  	v25 =	vld.idx.msk [tilespmem:v13+s30+$0x0], $0xffff  }
0x243: {  	v13 =	vld.idx.msk [tilespmem:v13+s0+$0x0], $0xffff  }
0x244: {  	v26 =	vld.idx.msk [tilespmem:v15+s30+$0x0], $0xffff  }
0x245: {  	v27 =	vmov s21;
	v15 =	vld.idx.msk [tilespmem:v15+s0+$0x0], $0xffff  }
0x246: {  	v28 =	vld.idx.msk [tilespmem:v14+s30+$0x0], $0xffff;
	v27 =	vand.u32 $0x7F, v27;
	v17 =	vadd.f32 v17, v24  }
0x247: {  	v14 =	vld.idx.msk [tilespmem:v14+s0+$0x0], $0xffff;
	v57 =	vbroadcast v27, $0x0  }
0x248: {  	v58 =	vld.idx.msk [tilespmem:v12+s30+$0x0], $0xffff;
	v13 =	vadd.f32 v13, v25;
	v17 =	vmul.f32 v17, v23  }
0x249: {  	v12 =	vld.idx.msk [tilespmem:v12+s0+$0x0], $0xffff;
	v59 =	vor.u32 v7, v57  }
0x24a: {  	v60 =	vld.idx.msk [tilespmem:v11+s30+$0x0], $0xffff;
	v15 =	vadd.f32 v15, v26;
	v13 =	vmul.f32 v13, v22;
	v17 =	vadd.f32 $0.0e+00, v17  }
0x24b: {  	v11 =	vld.idx.msk [tilespmem:v11+s0+$0x0], $0xffff  }
0x24c: {  	v61 =	vld.idx.msk [tilespmem:v10+s30+$0x0], $0xffff;
	v14 =	vadd.f32 v14, v28;
	v15 =	vmul.f32 v15, v21;
	v13 =	vadd.f32 v13, v17  }
0x24d: {  	v10 =	vld.idx.msk [tilespmem:v10+s0+$0x0], $0xffff  }
0x24e: {  	v12 =	vadd.f32 v12, v58;
	v14 =	vmul.f32 v14, v20;
	v62 =	vld.idx.msk [tilespmem:v59+s30+$0x0], $0xffff;
	v13 =	vadd.f32 v15, v13  }
0x24f: {  	v15 =	vld.idx.msk [tilespmem:v59+s0+$0x0], $0xffff  }
0x250: {  	s3 =	sadd.s32 $0x1, s5;
	v11 =	vadd.f32 v11, v60;
	v12 =	vmul.f32 v12, v19;
	v13 =	vadd.f32 v14, v13  }
0x251: {  	v63 =	vor.u32 s3, v7;
	v14 =	vld.idx.msk [tilespmem:v59+s26+$0x0], $0xffff  }
0x252: {  	v10 =	vadd.f32 v10, v61;
	v11 =	vmul.f32 v11, v18;
	v12 =	vadd.f32 v12, v13;
	_ =	sdelay $0x1  }
0x253: {  	v10 =	vmul.f32 v10, v56;
	v11 =	vadd.f32 v11, v12;
	v12 =	vadd.f32 v15, v62;
	_ =	sdelay $0x1  }
0x254: {  	v10 =	vadd.f32 v10, v11;
	v11 =	vmul.f32 v12, v14  }
0x255: {  	v12 =	vld.idx.msk [tilespmem:v63+s11+$0x0], $0xffff  }
0x256: {  	v10 =	vadd.f32 v11, v10;
	_ =	sdelay $0x1  }
0x257: {  	v10 =	vmul.f32 $3.535533850e-01, v10;
	_ =	sdelay $0x1  }
0x258: {  	v10 =	vadd.f32 v10, v12;
	_ =	sdelay $0x1  }
0x259: {  	v10 =	vmul.f32 $1.442695020e+00, v10;
	_ =	sdelay $0x1  }
0x25a: {  	(erf) = vpow2.f32 v10  }
0x25b: {  	s21 =	simm.s32 $0x0  }
0x25c: {  	v10 =	vmov s21  }
0x25d: {  	v10 =	vand.u32 $0x78, v10  }
0x25e: {  	v10 =	vbroadcast v10, $0x0  }
0x25f: {  	v11 =	vor.u32 s3, v9  }
0x260: {  	v12 =	vor.u32 v7, v10;
	_ =	sdelay $0x2  }
0x261: {  	v13 =	vor.u32 s22, v9;
	v10 =	vpop (erf)  }
0x262: {  	[tilespmem:v11+s24+$0x0] =	vst.idx.msk $0xffff, v10  }
0x263: {  	v11 =	vld.idx.msk [tilespmem:v12+s31+$0x0], $0xffff  }
0x264: {  	s6 =	simm.s32 $0x1;
	v14 =	vld.idx.msk [tilespmem:v12+s10+$0x0], $0xffff  }
0x265: {  	v15 =	vmov s6  }
0x266: {  	v10 =	vld.idx.msk [tilespmem:v13+s24+$0x0], $0xffff;
	v13 =	vand.u32 $0x79, v15  }
0x267: {  	v13 =	vbroadcast v13, $0x0;
	_ =	sdelay $0x1  }
0x268: {  	v13 =	vor.u32 v7, v13;
	v11 =	vadd.f32 v14, v11;
	_ =	sdelay $0x1  }
0x269: {  	v11 =	vmul.f32 v11, v10;
	_ =	sdelay $0x1  }
0x26a: {  	[tilespmem:v12+s31+$0x0] =	vst.idx.msk $0xffff, v11  }
0x26b: {  	v11 =	vld.idx.msk [tilespmem:v13+s31+$0x0], $0xffff  }
0x26c: {  	s7 =	simm.s32 $0x2;
	v12 =	vld.idx.msk [tilespmem:v13+s10+$0x0], $0xffff  }
0x26d: {  	v14 =	vmov s7  }
0x26e: {  	v14 =	vand.u32 $0x7A, v14  }
0x26f: {  	v14 =	vbroadcast v14, $0x0;
	_ =	sdelay $0x1  }
0x270: {  	v11 =	vadd.f32 v12, v11;
	v12 =	vor.u32 v7, v14;
	_ =	sdelay $0x1  }
0x271: {  	v11 =	vmul.f32 v11, v10;
	_ =	sdelay $0x1  }
0x272: {  	[tilespmem:v13+s31+$0x0] =	vst.idx.msk $0xffff, v11  }
0x273: {  	v11 =	vld.idx.msk [tilespmem:v12+s31+$0x0], $0xffff  }
0x274: {  	s8 =	simm.s32 $0x3;
	v13 =	vld.idx.msk [tilespmem:v12+s10+$0x0], $0xffff  }
0x275: {  	v14 =	vmov s8  }
0x276: {  	v14 =	vand.u32 $0x7B, v14  }
0x277: {  	v14 =	vbroadcast v14, $0x0;
	_ =	sdelay $0x1  }
0x278: {  	v11 =	vadd.f32 v13, v11;
	v13 =	vor.u32 v7, v14;
	_ =	sdelay $0x1  }
0x279: {  	v11 =	vmul.f32 v11, v10;
	_ =	sdelay $0x1  }
0x27a: {  	[tilespmem:v12+s31+$0x0] =	vst.idx.msk $0xffff, v11  }
0x27b: {  	v11 =	vld.idx.msk [tilespmem:v13+s31+$0x0], $0xffff  }
0x27c: {  	s9 =	simm.s32 $0x4;
	v12 =	vld.idx.msk [tilespmem:v13+s10+$0x0], $0xffff  }
0x27d: {  	v14 =	vmov s9  }
0x27e: {  	v14 =	vand.u32 $0x7C, v14  }
0x27f: {  	v14 =	vbroadcast v14, $0x0;
	_ =	sdelay $0x1  }
0x280: {  	v11 =	vadd.f32 v12, v11;
	v12 =	vor.u32 v7, v14;
	_ =	sdelay $0x1  }
0x281: {  	v11 =	vmul.f32 v11, v10;
	_ =	sdelay $0x1  }
0x282: {  	[tilespmem:v13+s31+$0x0] =	vst.idx.msk $0xffff, v11  }
0x283: {  	v11 =	vld.idx.msk [tilespmem:v12+s31+$0x0], $0xffff  }
0x284: {  	s15 =	simm.s32 $0x5;
	v13 =	vld.idx.msk [tilespmem:v12+s10+$0x0], $0xffff  }
0x285: {  	v14 =	vmov s15  }
0x286: {  	v14 =	vand.u32 $0x7D, v14  }
0x287: {  	v14 =	vbroadcast v14, $0x0;
	_ =	sdelay $0x1  }
0x288: {  	v11 =	vadd.f32 v13, v11;
	v13 =	vor.u32 v7, v14;
	_ =	sdelay $0x1  }
0x289: {  	v11 =	vmul.f32 v11, v10;
	_ =	sdelay $0x1  }
0x28a: {  	[tilespmem:v12+s31+$0x0] =	vst.idx.msk $0xffff, v11  }
0x28b: {  	v11 =	vld.idx.msk [tilespmem:v13+s31+$0x0], $0xffff  }
0x28c: {  	s21 =	simm.s32 $0x6;
	v12 =	vld.idx.msk [tilespmem:v13+s10+$0x0], $0xffff  }
0x28d: {  	v14 =	vmov s21  }
0x28e: {  	v14 =	vand.u32 $0x7E, v14  }
0x28f: {  	v14 =	vbroadcast v14, $0x0;
	_ =	sdelay $0x1  }
0x290: {  	v11 =	vadd.f32 v12, v11;
	v12 =	vor.u32 v7, v14;
	_ =	sdelay $0x1  }
0x291: {  	v11 =	vmul.f32 v11, v10;
	_ =	sdelay $0x1  }
0x292: {  	[tilespmem:v13+s31+$0x0] =	vst.idx.msk $0xffff, v11  }
0x293: {  	v11 =	vld.idx.msk [tilespmem:v12+s31+$0x0], $0xffff  }
0x294: {  	v13 =	vld.idx.msk [tilespmem:v12+s10+$0x0], $0xffff  }
0x295: {  	v14 =	vmov s1  }
0x296: {  	v14 =	vand.u32 $0x7F, v14  }
0x297: {  	v14 =	vbroadcast v14, $0x0;
	_ =	sdelay $0x1  }
0x298: {  	v13 =	vadd.f32 v13, v11;
	v11 =	vor.u32 v7, v14;
	_ =	sdelay $0x1  }
0x299: {  	v13 =	vmul.f32 v13, v10;
	_ =	sdelay $0x1  }
0x29a: {  	[tilespmem:v12+s31+$0x0] =	vst.idx.msk $0xffff, v13  }
0x29b: {  	v12 =	vld.idx.msk [tilespmem:v11+s31+$0x0], $0xffff  }
0x29c: {  	s3 =	simm.s32 $0x8;
	s1 =	simm.s32 $0x17;
	v13 =	vld.idx.msk [tilespmem:v11+s10+$0x0], $0xffff  }
.LBB2_12:
0x29d: {  	p1 =	sne.s32 s1, $0x7F  }
0x29e: {  	v14 =	vmov s3;
	s22 =	sadd.s32 $0x1, s22;
	s3 =	smov.u32 s1;
	s1 =	sadd.s32 $0x8, s1  }
0x29f: {  	v14 =	vand.u32 $0x78, v14  }
0x2a0: {  	v14 =	vbroadcast v14, $0x0;
	_ =	sdelay $0x1  }
0x2a1: {  	v12 =	vadd.f32 v13, v12;
	v14 =	vor.u32 v7, v14;
	_ =	sdelay $0x1  }
0x2a2: {  	v13 =	vor.u32 s22, v9;
	v10 =	vmul.f32 v12, v10;
	_ =	sdelay $0x1  }
0x2a3: {  	[tilespmem:v11+s31+$0x0] =	vst.idx.msk $0xffff, v10  }
0x2a4: {  	v11 =	vld.idx.msk [tilespmem:v14+s31+$0x0], $0xffff  }
0x2a5: {  	v12 =	vld.idx.msk [tilespmem:v14+s10+$0x0], $0xffff  }
0x2a6: {  	s5 =	sadd.s32 $0xFFFFFFFA, s16;
	v10 =	vld.idx.msk [tilespmem:v13+s24+$0x0], $0xffff  }
0x2a7: {  	v13 =	vmov s5  }
0x2a8: {  	v13 =	vand.u32 $0x79, v13  }
0x2a9: {  	v13 =	vbroadcast v13, $0x0;
	_ =	sdelay $0x1  }
0x2aa: {  	v11 =	vadd.f32 v12, v11;
	v12 =	vor.u32 v7, v13;
	_ =	sdelay $0x1  }
0x2ab: {  	v11 =	vmul.f32 v11, v10;
	_ =	sdelay $0x1  }
0x2ac: {  	[tilespmem:v14+s31+$0x0] =	vst.idx.msk $0xffff, v11  }
0x2ad: {  	v11 =	vld.idx.msk [tilespmem:v12+s31+$0x0], $0xffff  }
0x2ae: {  	v13 =	vld.idx.msk [tilespmem:v12+s10+$0x0], $0xffff  }
0x2af: {  	s5 =	sadd.s32 $0xFFFFFFFB, s16  }
0x2b0: {  	v14 =	vmov s5  }
0x2b1: {  	v14 =	vand.u32 $0x7A, v14  }
0x2b2: {  	v14 =	vbroadcast v14, $0x0;
	_ =	sdelay $0x1  }
0x2b3: {  	v11 =	vadd.f32 v13, v11;
	v13 =	vor.u32 v7, v14;
	_ =	sdelay $0x1  }
0x2b4: {  	v11 =	vmul.f32 v11, v10;
	_ =	sdelay $0x1  }
0x2b5: {  	[tilespmem:v12+s31+$0x0] =	vst.idx.msk $0xffff, v11  }
0x2b6: {  	v11 =	vld.idx.msk [tilespmem:v13+s31+$0x0], $0xffff  }
0x2b7: {  	v12 =	vld.idx.msk [tilespmem:v13+s10+$0x0], $0xffff  }
0x2b8: {  	s5 =	sadd.s32 $0xFFFFFFFC, s16  }
0x2b9: {  	v14 =	vmov s5  }
0x2ba: {  	v14 =	vand.u32 $0x7B, v14  }
0x2bb: {  	v14 =	vbroadcast v14, $0x0;
	_ =	sdelay $0x1  }
0x2bc: {  	v11 =	vadd.f32 v12, v11;
	v12 =	vor.u32 v7, v14;
	_ =	sdelay $0x1  }
0x2bd: {  	v11 =	vmul.f32 v11, v10;
	_ =	sdelay $0x1  }
0x2be: {  	[tilespmem:v13+s31+$0x0] =	vst.idx.msk $0xffff, v11  }
0x2bf: {  	v11 =	vld.idx.msk [tilespmem:v12+s31+$0x0], $0xffff  }
0x2c0: {  	v13 =	vld.idx.msk [tilespmem:v12+s10+$0x0], $0xffff  }
0x2c1: {  	s5 =	sadd.s32 $0xFFFFFFFD, s16  }
0x2c2: {  	v14 =	vmov s5  }
0x2c3: {  	v14 =	vand.u32 $0x7C, v14  }
0x2c4: {  	v14 =	vbroadcast v14, $0x0;
	_ =	sdelay $0x1  }
0x2c5: {  	v11 =	vadd.f32 v13, v11;
	v13 =	vor.u32 v7, v14;
	_ =	sdelay $0x1  }
0x2c6: {  	v11 =	vmul.f32 v11, v10;
	_ =	sdelay $0x1  }
0x2c7: {  	[tilespmem:v12+s31+$0x0] =	vst.idx.msk $0xffff, v11  }
0x2c8: {  	v11 =	vld.idx.msk [tilespmem:v13+s31+$0x0], $0xffff  }
0x2c9: {  	v12 =	vld.idx.msk [tilespmem:v13+s10+$0x0], $0xffff  }
0x2ca: {  	s5 =	sadd.s32 $0xFFFFFFFE, s16  }
0x2cb: {  	v14 =	vmov s5  }
0x2cc: {  	v14 =	vand.u32 $0x7D, v14  }
0x2cd: {  	v14 =	vbroadcast v14, $0x0;
	_ =	sdelay $0x1  }
0x2ce: {  	v11 =	vadd.f32 v12, v11;
	v12 =	vor.u32 v7, v14;
	_ =	sdelay $0x1  }
0x2cf: {  	v11 =	vmul.f32 v11, v10;
	_ =	sdelay $0x1  }
0x2d0: {  	[tilespmem:v13+s31+$0x0] =	vst.idx.msk $0xffff, v11  }
0x2d1: {  	v11 =	vld.idx.msk [tilespmem:v12+s31+$0x0], $0xffff  }
0x2d2: {  	v13 =	vld.idx.msk [tilespmem:v12+s10+$0x0], $0xffff  }
0x2d3: {  	s5 =	sadd.s32 $0xFFFFFFFF, s16  }
0x2d4: {  	v14 =	vmov s5  }
0x2d5: {  	v14 =	vand.u32 $0x7E, v14  }
0x2d6: {  	v14 =	vbroadcast v14, $0x0;
	_ =	sdelay $0x1  }
0x2d7: {  	v11 =	vadd.f32 v13, v11;
	v13 =	vor.u32 v7, v14;
	_ =	sdelay $0x1  }
0x2d8: {  	v11 =	vmul.f32 v11, v10;
	_ =	sdelay $0x1  }
0x2d9: {  	[tilespmem:v12+s31+$0x0] =	vst.idx.msk $0xffff, v11  }
0x2da: {  	v11 =	vld.idx.msk [tilespmem:v13+s31+$0x0], $0xffff  }
0x2db: {  	v12 =	vld.idx.msk [tilespmem:v13+s10+$0x0], $0xffff;
	_ =	sdelay $0x1  }
0x2dc: {  	v14 =	vmov s16;
	s16 =	smov.u32 s3  }
0x2dd: {  	v14 =	vand.u32 $0x7F, v14  }
0x2de: {  	v14 =	vbroadcast v14, $0x0;
	_ =	sdelay $0x1  }
0x2df: {  	v12 =	vadd.f32 v12, v11;
	v11 =	vor.u32 v7, v14;
	_ =	sdelay $0x1  }
0x2e0: {  	v12 =	vmul.f32 v12, v10  }
.Ltmp7:
0x2e1: {  	(pc) =	sbr.rel @p1 .LBB2_12-.Ltmp7, $4  }
0x2e2: {  	[tilespmem:v13+s31+$0x0] =	vst.idx.msk $0xffff, v12  }
0x2e3: {  	v12 =	vld.idx.msk [tilespmem:v11+s31+$0x0], $0xffff  }
0x2e4: {  	v13 =	vld.idx.msk [tilespmem:v11+s10+$0x0], $0xffff  }
0x2e5: {  	s3 =	sadd.s32 $0xFFFFFFF9, s16  }
0x2e6: {  	v14 =	vmov s3  }
0x2e7: {  	v14 =	vand.u32 $0x78, v14  }
0x2e8: {  	v14 =	vbroadcast v14, $0x0;
	_ =	sdelay $0x1  }
0x2e9: {  	v12 =	vadd.f32 v13, v12;
	v14 =	vor.u32 v7, v14;
	_ =	sdelay $0x1  }
0x2ea: {  	s1 =	sadd.s32 $0x1, s22;
	v10 =	vmul.f32 v12, v10  }
0x2eb: {  	v9 =	vor.u32 s1, v9  }
0x2ec: {  	[tilespmem:v11+s31+$0x0] =	vst.idx.msk $0xffff, v10  }
0x2ed: {  	v10 =	vld.idx.msk [tilespmem:v14+s31+$0x0], $0xffff  }
0x2ee: {  	s5 =	sadd.s32 $0xFFFFFFFA, s16;
	v11 =	vld.idx.msk [tilespmem:v14+s10+$0x0], $0xffff  }
0x2ef: {  	v54 =	vmov s5  }
0x2f0: {  	v12 =	vand.u32 $0x79, v54;
	v9 =	vld.idx.msk [tilespmem:v9+s24+$0x0], $0xffff  }
0x2f1: {  	v12 =	vbroadcast v12, $0x0;
	_ =	sdelay $0x1  }
0x2f2: {  	v10 =	vadd.f32 v11, v10;
	v11 =	vor.u32 v7, v12;
	_ =	sdelay $0x1  }
0x2f3: {  	v10 =	vmul.f32 v10, v9;
	_ =	sdelay $0x1  }
0x2f4: {  	[tilespmem:v14+s31+$0x0] =	vst.idx.msk $0xffff, v10  }
0x2f5: {  	v10 =	vld.idx.msk [tilespmem:v11+s31+$0x0], $0xffff  }
0x2f6: {  	s6 =	sadd.s32 $0xFFFFFFFB, s16;
	v12 =	vld.idx.msk [tilespmem:v11+s10+$0x0], $0xffff  }
0x2f7: {  	v55 =	vmov s6  }
0x2f8: {  	v13 =	vand.u32 $0x7A, v55  }
0x2f9: {  	v13 =	vbroadcast v13, $0x0;
	_ =	sdelay $0x1  }
0x2fa: {  	v56 =	vor.u32 v7, v13;
	v10 =	vadd.f32 v12, v10;
	_ =	sdelay $0x1  }
0x2fb: {  	v10 =	vmul.f32 v10, v9;
	_ =	sdelay $0x1  }
0x2fc: {  	[tilespmem:v11+s31+$0x0] =	vst.idx.msk $0xffff, v10  }
0x2fd: {  	v10 =	vld.idx.msk [tilespmem:v56+s31+$0x0], $0xffff  }
0x2fe: {  	s7 =	sadd.s32 $0xFFFFFFFC, s16;
	v11 =	vld.idx.msk [tilespmem:v56+s10+$0x0], $0xffff  }
0x2ff: {  	v57 =	vmov s7  }
0x300: {  	v13 =	vand.u32 $0x7B, v57  }
0x301: {  	v13 =	vbroadcast v13, $0x0;
	_ =	sdelay $0x1  }
0x302: {  	v10 =	vadd.f32 v11, v10;
	v11 =	vor.u32 v7, v13;
	_ =	sdelay $0x1  }
0x303: {  	v10 =	vmul.f32 v10, v9;
	_ =	sdelay $0x1  }
0x304: {  	[tilespmem:v56+s31+$0x0] =	vst.idx.msk $0xffff, v10  }
0x305: {  	v10 =	vld.idx.msk [tilespmem:v11+s31+$0x0], $0xffff  }
0x306: {  	s8 =	sadd.s32 $0xFFFFFFFD, s16;
	v12 =	vld.idx.msk [tilespmem:v11+s10+$0x0], $0xffff  }
0x307: {  	v58 =	vmov s8  }
0x308: {  	v13 =	vand.u32 $0x7C, v58  }
0x309: {  	v13 =	vbroadcast v13, $0x0;
	_ =	sdelay $0x1  }
0x30a: {  	v59 =	vor.u32 v7, v13;
	v10 =	vadd.f32 v12, v10;
	_ =	sdelay $0x1  }
0x30b: {  	v10 =	vmul.f32 v10, v9;
	_ =	sdelay $0x1  }
0x30c: {  	[tilespmem:v11+s31+$0x0] =	vst.idx.msk $0xffff, v10  }
0x30d: {  	v10 =	vld.idx.msk [tilespmem:v59+s31+$0x0], $0xffff  }
0x30e: {  	s9 =	sadd.s32 $0xFFFFFFFE, s16;
	v11 =	vld.idx.msk [tilespmem:v59+s10+$0x0], $0xffff  }
0x30f: {  	v60 =	vmov s9  }
0x310: {  	v13 =	vand.u32 $0x7D, v60  }
0x311: {  	v13 =	vbroadcast v13, $0x0;
	_ =	sdelay $0x1  }
0x312: {  	v10 =	vadd.f32 v11, v10;
	v11 =	vor.u32 v7, v13;
	_ =	sdelay $0x1  }
0x313: {  	v10 =	vmul.f32 v10, v9;
	_ =	sdelay $0x1  }
0x314: {  	[tilespmem:v59+s31+$0x0] =	vst.idx.msk $0xffff, v10  }
0x315: {  	v10 =	vld.idx.msk [tilespmem:v11+s31+$0x0], $0xffff  }
0x316: {  	s15 =	sadd.s32 $0xFFFFFFFF, s16;
	v12 =	vld.idx.msk [tilespmem:v11+s10+$0x0], $0xffff  }
0x317: {  	v61 =	vmov s15  }
0x318: {  	v13 =	vand.u32 $0x7E, v61  }
0x319: {  	v13 =	vbroadcast v13, $0x0;
	_ =	sdelay $0x1  }
0x31a: {  	v62 =	vor.u32 v7, v13;
	v10 =	vadd.f32 v12, v10;
	_ =	sdelay $0x1  }
0x31b: {  	v10 =	vmul.f32 v10, v9;
	_ =	sdelay $0x1  }
0x31c: {  	[tilespmem:v11+s31+$0x0] =	vst.idx.msk $0xffff, v10  }
0x31d: {  	v10 =	vld.idx.msk [tilespmem:v62+s31+$0x0], $0xffff  }
0x31e: {  	v11 =	vld.idx.msk [tilespmem:v62+s10+$0x0], $0xffff  }
0x31f: {  	v63 =	vmov s16  }
0x320: {  	v13 =	vand.u32 $0x7F, v63  }
0x321: {  	v13 =	vbroadcast v13, $0x0;
	_ =	sdelay $0x1  }
0x322: {  	v10 =	vadd.f32 v11, v10;
	v11 =	vor.u32 v7, v13;
	_ =	sdelay $0x1  }
0x323: {  	v10 =	vmul.f32 v10, v9;
	_ =	sdelay $0x1  }
0x324: {  	[tilespmem:v62+s31+$0x0] =	vst.idx.msk $0xffff, v10  }
0x325: {  	v10 =	vld.idx.msk [tilespmem:v11+s31+$0x0], $0xffff  }
0x326: {  	v12 =	vld.idx.msk [tilespmem:v11+s10+$0x0], $0xffff;
	_ =	sdelay $0x4  }
0x327: {  	v10 =	vadd.f32 v12, v10;
	_ =	sdelay $0x1  }
0x328: {  	v9 =	vmul.f32 v10, v9;
	_ =	sdelay $0x1  }
0x329: {  	s16 =	rddreg [dreg:$0x3];
	s21 =	simm.s32 $0x100;
	[tilespmem:v11+s31+$0x0] =	vst.idx.msk $0xffff, v9  }
0x32a: {  	[spmem:s16] =	stream.indirect.scatter.add.f32 [tilespmem:s24], [sflag:$0x4], $0x80, s21, s29, $0xb8;
	[tilespmem:$0x1D200] =	vst v63  }
0x32b: {  	_ =	swait.ge [sflag:s25], $0x1000  }
0x32c: {  	[sflag:s25] =	ssyncset.done $0x0  }
0x32d: {  	[sflag:s25] =	ssyncadd.s32 $0xFFFFF000  }
0x32e: {  	[spmem:s2] =	stream.indirect.scatter.add.f32 [tilespmem:s31], [sflag:$0x4], $0x80, s28, s29, $0xb8;
	[tilespmem:$0x1D200] =	vst v63  }
0x32f: {  	_ =	swait.ge [sflag:s25], $0x1000  }
0x330: {  	[sflag:s25] =	ssyncset.done $0x0  }
0x331: {  	[sflag:s25] =	ssyncadd.s32 $0xFFFFF000  }
0x332: {  	v9 =	vld [tilespmem:$0x80];
	_ =	sdelay $0x4  }
0x333: {  	v9 =	vshll.u32 v9, $0x4  }
0x334: {  	v9 =	vand.u32 $0x70, v9  }
0x335: {  	s22 =	simm.s32 $0x0;
	v9 =	vor.u32 v4, v9  }
0x336: {  	s1 =	simm.s32 $0x1;
	v10 =	vor.u32 s22, v9  }
.LBB2_14:
0x337: {  	p1 =	sne.s32 s1, $0xF  }
.Ltmp8:
0x338: {  	_ = 	snop;
	(pc) =	sbr.rel @p1 .LBB2_14-.Ltmp8, $3  }
0x339: {  	_ =	sdelay $0x1  }
0x33a: {  	[tilespmem:v10+s24+$0x0] =	vst.idx.msk $0xffff, v8;
	s3 =	smov.u32 s1;
	s1 =	sadd.s32 $0x1, s1  }
0x33b: {  	v10 =	vor.u32 s3, v9  }
0x33c: {  	_ =	sdelay $0x3  }
0x33d: {  	[tilespmem:v10+s24+$0x0] =	vst.idx.msk $0xffff, v8  }
0x33e: {  	v9 =	vld [tilespmem:$0x90];
	_ =	sdelay $0x4  }
0x33f: {  	v9 =	vshll.u32 v9, $0x4  }
0x340: {  	v9 =	vand.u32 $0x70, v9  }
0x341: {  	s3 =	simm.s32 $0x0;
	v9 =	vor.u32 v7, v9  }
0x342: {  	s1 =	simm.s32 $0x1;
	v10 =	vor.u32 s3, v9  }
.LBB2_16:
0x343: {  	p1 =	sne.s32 s1, $0xF  }
.Ltmp9:
0x344: {  	_ = 	snop;
	(pc) =	sbr.rel @p1 .LBB2_16-.Ltmp9, $3  }
0x345: {  	_ =	sdelay $0x1  }
0x346: {  	[tilespmem:v10+s24+$0x0] =	vst.idx.msk $0xffff, v8;
	s3 =	smov.u32 s1;
	s1 =	sadd.s32 $0x1, s1  }
0x347: {  	v10 =	vor.u32 s3, v9  }
.Ltmp10:
0x348: {  	_ = 	snop;
	(pc) =	sbr.rel .LBB2_18-.Ltmp10, $2  }
0x349: {  	_ =	sdelay $0x2  }
0x34a: {  	[tilespmem:v10+s24+$0x0] =	vst.idx.msk $0xffff, v8  }
.LBB2_19:
0x34b: {  	s1 =	sadd.s32 $0x0, s23  }
0x34c: {  	v9 =	vor.u32 s1, v0;
	_ =	sdelay $0x3  }
0x34d: {  	[bflag:$0x0] =	sbarrier.arrive $0xFFFF  }
0x34e: {  	[tilespmem:s26], [sflag:$0x4] =	stream.indirect_vreg.gather [spmem:s2], $0x80, v9, vm0, $0xb8;
	[tilespmem:$0x1D200] =	vst v63  }
0x34f: {  	_ =	swait.ge [sflag:s25], $0x800  }
0x350: {  	[sflag:s25] =	ssyncset.done $0x0  }
0x351: {  	s22 =	sadd.s32 $0x10, s23;
	s5 =	rddreg [dreg:$0xf];
	[sflag:s25] =	ssyncadd.s32 $0xFFFFF800  }
0x352: {  	v9 =	vor.u32 s22, v0;
	[hbm4b:s5+s4] =	stream.linear.scatter [tilespmem:s26], [sflag:$0x4], $0x800, $0x38;
	[tilespmem:$0x1D200] =	vst v63  }
0x353: {  	_ =	swait.ge [sflag:s25], $0x800  }
0x354: {  	s3 =	simm.s32 $0x20;
	s1 =	smov.u32 s5;
	[sflag:s25] =	ssyncset.done $0x0  }
.LBB2_20:
0x355: {  	[sflag:s25] =	ssyncadd.s32 $0xFFFFF800  }
0x356: {  	s1 =	sadd.s32 $0x100, s1;
	s5 =	smov.u32 s3;
	s6 =	sadd.s32 $0x10, s3  }
0x357: {  	[tilespmem:s26], [sflag:$0x4] =	stream.indirect_vreg.gather [spmem:s2], $0x80, v9, vm0, $0xb8;
	[tilespmem:$0x1D200] =	vst v63  }
0x358: {  	p1 =	sne.s32 s3, $0x260;
	_ =	swait.ge [sflag:s25], $0x800  }
.Ltmp11:
0x359: {  	s3 =	sadd.s32 s5, s23;
	[sflag:s25] =	ssyncset.done $0x0;
	(pc) =	sbr.rel @p1 .LBB2_20-.Ltmp11, $4  }
0x35a: {  	v9 =	vor.u32 s3, v0;
	[sflag:s25] =	ssyncadd.s32 $0xFFFFF800  }
0x35b: {  	[hbm4b:s1+s4] =	stream.linear.scatter [tilespmem:s26], [sflag:$0x4], $0x800, $0x38;
	[tilespmem:$0x1D200] =	vst v63  }
0x35c: {  	_ =	swait.ge [sflag:s25], $0x800  }
0x35d: {  	s3 =	smov.u32 s6;
	[sflag:s25] =	ssyncset.done $0x0  }
0x35e: {  	_ =	sdelay $0x2  }
0x35f: {  	[sflag:s25] =	ssyncadd.s32 $0xFFFFF800  }
0x360: {  	[tilespmem:s26], [sflag:$0x4] =	stream.indirect_vreg.gather [spmem:s2], $0x80, v9, vm0, $0xb8;
	[tilespmem:$0x1D200] =	vst v63  }
0x361: {  	_ =	swait.ge [sflag:s25], $0x800  }
0x362: {  	v9 =	vlaneseq.u32 @!p0;
	[sflag:s25] =	ssyncset.done $0x0  }
0x363: {  	s1 =	sadd.s32 $0x100, s1;
	v9 =	vor.u32 @!p0 $0x2700, v9;
	[sflag:s25] =	ssyncadd.s32 $0xFFFFF800  }
0x364: {  	[hbm4b:s1+s4] =	stream.linear.scatter [tilespmem:s26], [sflag:$0x4], $0x800, $0x38;
	[tilespmem:$0x1D200] =	vst v63  }
0x365: {  	_ =	swait.ge [sflag:s25], $0x800  }
0x366: {  	[sflag:s25] =	ssyncset.done $0x0  }
0x367: {  	s3 =	simm.s32 @!p0 $0x4;
	s1 =	simm.s32 @!p0 $0x180;
	[sflag:s25] =	ssyncadd.s32 $0xFFFFF800  }
0x368: {  	[tilespmem:s1], [sflag:$0x4] =	stream.indirect_vreg.gather @!p0 [spmem:s2], $0x80, v9, vm1, $0xb8;
	[tilespmem:$0x1D200] =	vst v63  }
0x369: {  	_ =	swait.ge @!p0 [sflag:s3], $0x800  }
0x36a: {  	[sflag:s3] =	ssyncset.done @!p0 $0x0  }
0x36b: {  	s5 =	simm.s32 @!p0 $0x0;
	s6 =	rddreg [dreg:$0x11];
	[sflag:s3] =	ssyncadd.s32 @!p0 $0xFFFFF800  }
0x36c: {  	[hbm4b:s6+s5] =	stream.linear.scatter @!p0 [tilespmem:s1], [sflag:$0x4], $0x800, $0x38;
	[tilespmem:$0x1D200] =	vst v63  }
0x36d: {  	_ =	swait.ge @!p0 [sflag:s3], $0x800  }
0x36e: {  	[sflag:s3] =	ssyncset.done @!p0 $0x0  }
0x36f: {  	[sflag:s3] =	ssyncadd.s32 @!p0 $0xFFFFF800  }
0x370: {  	s7 =	rddreg [dreg:$0x3]  }
0x371: {  	[tilespmem:s30], [sflag:$0x4] =	stream.indirect_vreg.gather [spmem:s7], $0x80, v1, vm0, $0xb8;
	[tilespmem:$0x1D200] =	vst v63  }
0x372: {  	_ =	swait.ge [sflag:s25], $0x800  }
0x373: {  	[sflag:s25] =	ssyncset.done $0x0  }
0x374: {  	s8 =	rddreg [dreg:$0x9];
	[sflag:s25] =	ssyncadd.s32 $0xFFFFF800  }
0x375: {  	[hbm4b:s8+s4] =	stream.linear.scatter [tilespmem:s30], [sflag:$0x4], $0x800, $0x38;
	[tilespmem:$0x1D200] =	vst v63  }
0x376: {  	_ =	swait.ge [sflag:s25], $0x800  }
0x377: {  	[sflag:s25] =	ssyncset.done $0x0  }
0x378: {  	[sflag:s25] =	ssyncadd.s32 $0xFFFFF800  }
0x379: {  	[tilespmem:s30], [sflag:$0x4] =	stream.indirect_vreg.gather [spmem:s7], $0x80, v2, vm0, $0xb8;
	[tilespmem:$0x1D200] =	vst v63  }
0x37a: {  	_ =	swait.ge [sflag:s25], $0x800  }
0x37b: {  	[sflag:s25] =	ssyncset.done $0x0  }
0x37c: {  	s9 =	rddreg [dreg:$0xa];
	[sflag:s25] =	ssyncadd.s32 $0xFFFFF800  }
0x37d: {  	[hbm4b:s9+s4] =	stream.linear.scatter [tilespmem:s30], [sflag:$0x4], $0x800, $0x38;
	[tilespmem:$0x1D200] =	vst v63  }
0x37e: {  	_ =	swait.ge [sflag:s25], $0x800  }
0x37f: {  	[sflag:s25] =	ssyncset.done $0x0  }
0x380: {  	[sflag:s25] =	ssyncadd.s32 $0xFFFFF800  }
0x381: {  	[tilespmem:s30], [sflag:$0x4] =	stream.indirect_vreg.gather [spmem:s7], $0x80, v3, vm0, $0xb8;
	[tilespmem:$0x1D200] =	vst v63  }
0x382: {  	_ =	swait.ge [sflag:s25], $0x800  }
0x383: {  	[sflag:s25] =	ssyncset.done $0x0  }
0x384: {  	s15 =	rddreg [dreg:$0xb];
	[sflag:s25] =	ssyncadd.s32 $0xFFFFF800  }
0x385: {  	[hbm4b:s15+s4] =	stream.linear.scatter [tilespmem:s30], [sflag:$0x4], $0x800, $0x38;
	[tilespmem:$0x1D200] =	vst v63  }
0x386: {  	_ =	swait.ge [sflag:s25], $0x800  }
0x387: {  	[sflag:s25] =	ssyncset.done $0x0  }
0x388: {  	[sflag:s25] =	ssyncadd.s32 $0xFFFFF800  }
0x389: {  	[tilespmem:s30], [sflag:$0x4] =	stream.indirect_vreg.gather [spmem:s7], $0x80, v5, vm0, $0xb8;
	[tilespmem:$0x1D200] =	vst v63  }
0x38a: {  	_ =	swait.ge [sflag:s25], $0x800  }
0x38b: {  	[sflag:s25] =	ssyncset.done $0x0  }
0x38c: {  	s16 =	rddreg [dreg:$0xc];
	[sflag:s25] =	ssyncadd.s32 $0xFFFFF800  }
0x38d: {  	[hbm4b:s16+s4] =	stream.linear.scatter [tilespmem:s30], [sflag:$0x4], $0x800, $0x38;
	[tilespmem:$0x1D200] =	vst v63  }
0x38e: {  	_ =	swait.ge [sflag:s25], $0x800  }
0x38f: {  	[sflag:s25] =	ssyncset.done $0x0  }
0x390: {  	[sflag:s25] =	ssyncadd.s32 $0xFFFFF800  }
0x391: {  	[tilespmem:s30], [sflag:$0x4] =	stream.indirect_vreg.gather [spmem:s7], $0x80, v6, vm0, $0xb8;
	[tilespmem:$0x1D200] =	vst v63  }
0x392: {  	_ =	swait.ge [sflag:s25], $0x800  }
0x393: {  	[sflag:s25] =	ssyncset.done $0x0  }
0x394: {  	s19 =	rddreg [dreg:$0xd];
	[sflag:s25] =	ssyncadd.s32 $0xFFFFF800  }
0x395: {  	[hbm4b:s19+s4] =	stream.linear.scatter [tilespmem:s30], [sflag:$0x4], $0x800, $0x38;
	[tilespmem:$0x1D200] =	vst v63  }
0x396: {  	_ =	swait.ge [sflag:s25], $0x800  }
0x397: {  	s21 =	rddreg [dreg:$0x13]  }
0x398: {  	s22 =	rddreg [dreg:$0x12];
	s3 =	sadd.s32 $0x1, s21  }
0x399: {  	p1 =	sne.s32 s3, s22  }
.Ltmp12:
0x39a: {  	_ = 	snop;
	(pc) =	sbr.rel @p1 .LBB2_1-.Ltmp12, $3  }
0x39b: {  	_ =	sdelay $0x1  }
0x39c: {  	[sflag:s25] =	ssyncset.done $0x0  }
0x39d: {  	[sflag:s25] =	ssyncadd.s32 $0xFFFFF800  }
0x39e: {  	_ =	sfence.sel $0x180000  }
0x39f: {  	[bflag:$0x0] =	sbarrier.arrive $0xFFFF  }
0x3a0: {  	_ =	strace $0x90000047  }
0x3a1: {  	s0 =	stileid.u32;
	[bflag:$0x2] =	sbarrier.arrive $0xFFFF  }
0x3a2: {  	p0 =	sne.s32 s0, $0x0;
	s0 =	rddreg [dreg:$0x4]  }
0x3a3: {  	s0 =	sadd.s32 @!p0 $0x100000, s0  }
0x3a4: {  	[sflag:s0] =	ssyncadd.tile.s32 @!p0 $0x1;
	_ =	shalt  }
.Lfunc_end2:
_tile_overlayer_lowered:
.L_overlay_start_2:
0x3a5: {  	(tag) =	ssettag $0x2  }
0x3a6: {  	s0 =	rddreg [dreg:$0x0];
	s2 =	stileid.u32  }
0x3a7: {  	s1 =	rddreg [dreg:$0x1];
	p0 =	sne.s32 s2, $0x0  }
0x3a8: {  	s3 =	rddreg [dreg:$0x2];
	[bflag:$0x3] =	sbarrier.arrive $0xFFFF;
	s2 =	simm.s32 @!p0 $0x1C04  }
0x3a9: {  	[timem:s3], [sflag:s2] =	dma.local @!p0 [hbm:s0], s1  }
0x3aa: {  	s0 =	simm.s32 @!p0 $0x4  }
0x3ab: {  	_ =	swait.ge @!p0 [sflag:s0], s1  }
0x3ac: {  	s1 =	ssub.s32 @!p0 $0x0, s1;
	[sflag:s0] =	ssyncset.done @!p0 $0x0  }
0x3ad: {  	[sflag:s0] =	ssyncadd.s32 @!p0 s1  }
0x3ae: {  	[bflag:$0x3] =	sbarrier.arrive $0xFFFF  }
0x3af: {  	_ =	shalt  }

</sc_bundles>
